<compile_context>
chip_gen: v7x
topology: tpu7x:2x2x1
jax: 0.10.2.dev20260603
libtpu: 0.0.44.dev20260713+nightly
codegen_flags: <defaults>
</compile_context>

<pallas_src>
import functools
import math

import jax
import jax.numpy as jnp
from jax import lax
from jax.experimental import pallas as pl
from jax.experimental.pallas import tpu as pltpu
from jax.experimental.pallas import tpu_sc as plsc

_NC = 2
_NS = 16
_CHUNK = 128
_DCHUNK = 128
_U = 6
_HALF = 128

def _dot(a, b):
  return jnp.dot(a, b, preferred_element_type=jnp.float32)




def _make_segsum(n_acc, n_chunks, rpt):
  mesh = plsc.VectorSubcoreMesh(
      core_axis_name="c", subcore_axis_name="s",
      num_cores=_NC, num_subcores=_NS)

  n_pairs = n_chunks // 2

  def body(y_hbm, srcs_hbm, dsts_hbm, zeros_hbm, out_hbm,
           acc, src0, dst0, src1, dst1, rows0, rows1, sem):
    c = lax.axis_index("c")
    s = lax.axis_index("s")

    pltpu.sync_copy(zeros_hbm, acc.at[pl.ds(s * rpt, rpt)])
    plsc.subcore_barrier()

    def wait_rows(rows):
      pltpu.make_async_copy(y_hbm.at[src0], rows, sem).wait()

    pltpu.sync_copy(srcs_hbm.at[c, s, 0], src0)
    pltpu.sync_copy(dsts_hbm.at[s, 0], dst0)
    pltpu.async_copy(y_hbm.at[src0], rows0, sem)

    def pair(g, carry):
      a = 2 * g
      pltpu.sync_copy(srcs_hbm.at[c, s, a + 1], src1)
      pltpu.sync_copy(dsts_hbm.at[s, a + 1], dst1)
      wait_rows(rows0)
      pltpu.async_copy(y_hbm.at[src1], rows1, sem)
      pltpu.sync_copy(rows0, acc.at[dst0], add=True)
      pltpu.sync_copy(srcs_hbm.at[c, s, a + 2], src0)
      pltpu.sync_copy(dsts_hbm.at[s, a + 2], dst0)
      wait_rows(rows1)
      pltpu.async_copy(y_hbm.at[src0], rows0, sem)
      pltpu.sync_copy(rows1, acc.at[dst1], add=True)
      return carry

    lax.fori_loop(0, n_pairs - 1, pair, 0)

    a = n_chunks - 2
    pltpu.sync_copy(srcs_hbm.at[c, s, a + 1], src1)
    pltpu.sync_copy(dsts_hbm.at[s, a + 1], dst1)
    wait_rows(rows0)
    pltpu.async_copy(y_hbm.at[src1], rows1, sem)
    pltpu.sync_copy(rows0, acc.at[dst0], add=True)
    wait_rows(rows1)
    pltpu.sync_copy(rows1, acc.at[dst1], add=True)

    plsc.subcore_barrier()

    pltpu.sync_copy(acc.at[pl.ds(s * rpt, rpt)],
                    out_hbm.at[pl.ds(c * n_acc + s * rpt, rpt)])

  return pl.kernel(
      body,
      out_type=[jax.ShapeDtypeStruct((_NC * n_acc, _HALF), jnp.float32)],
      mesh=mesh,
      scratch_types=[
          pltpu.VMEM_SHARED((n_acc, _HALF), jnp.float32),
          pltpu.VMEM((_CHUNK,), jnp.int32),
          pltpu.VMEM((_CHUNK,), jnp.int32),
          pltpu.VMEM((_CHUNK,), jnp.int32),
          pltpu.VMEM((_CHUNK,), jnp.int32),
          pltpu.VMEM((_CHUNK, _HALF), jnp.float32),
          pltpu.VMEM((_CHUNK, _HALF), jnp.float32),
          pltpu.SemaphoreType.DMA,
      ])


def _make_deg(n_acc, n_chunks, rpt):
  mesh = plsc.VectorSubcoreMesh(
      core_axis_name="c", subcore_axis_name="s",
      num_cores=_NC, num_subcores=_NS)

  assert n_chunks % 2 == 0

  def body(dsts_hbm, zeros_hbm, ones_hbm, out_hbm,
           acc, dst0, dst1, ones_v, ss0, ss1):
    c = lax.axis_index("c")
    s = lax.axis_index("s")
    pltpu.sync_copy(zeros_hbm, acc.at[pl.ds(s * rpt, rpt)])
    pltpu.sync_copy(ones_hbm, ones_v)
    plsc.subcore_barrier()

    def scat(dst_v, sem):
      pltpu.async_copy(ones_v, acc.at[dst_v], sem, add=True)

    def wait(dst_v, sem):
      pltpu.make_async_copy(ones_v, acc.at[dst_v], sem).wait()

    pltpu.sync_copy(dsts_hbm.at[c, s, 0], dst0)
    scat(dst0, ss0)
    pltpu.sync_copy(dsts_hbm.at[c, s, 1], dst1)

    def pair(g, carry):
      a = 2 * g
      scat(dst1, ss1)
      wait(dst0, ss0)
      pltpu.sync_copy(dsts_hbm.at[c, s, a + 2], dst0)
      scat(dst0, ss0)
      wait(dst1, ss1)
      pltpu.sync_copy(dsts_hbm.at[c, s, a + 3], dst1)
      return carry

    lax.fori_loop(0, n_chunks // 2 - 1, pair, 0)
    scat(dst1, ss1)
    wait(dst0, ss0)
    wait(dst1, ss1)
    plsc.subcore_barrier()
    pltpu.sync_copy(acc.at[pl.ds(s * rpt, rpt)],
                    out_hbm.at[pl.ds(c * n_acc + s * rpt, rpt)])

  return pl.kernel(
      body,
      out_type=[jax.ShapeDtypeStruct((_NC * n_acc, _HALF), jnp.float32)],
      mesh=mesh,
      scratch_types=[
          pltpu.VMEM_SHARED((n_acc, _HALF), jnp.float32),
          pltpu.VMEM((_DCHUNK,), jnp.int32),
          pltpu.VMEM((_DCHUNK,), jnp.int32),
          pltpu.VMEM((_DCHUNK, _HALF), jnp.float32),
          pltpu.SemaphoreType.DMA,
          pltpu.SemaphoreType.DMA,
      ])




def _tc1_body(e_ref, zi_ref, ze_ref, zc_ref, wn1_ref, ws1_ref, b1_ref,
              wfi_ref, wfe_ref, wfc_ref, bf_ref, y1_ref, s1_ref, zp_ref):
  e = e_ref[...]
  y = _dot(e, wn1_ref[...])
  y1_ref[0] = y[:, :_HALF]
  y1_ref[1] = y[:, _HALF:]
  s1_ref[...] = _dot(e, ws1_ref[...]) + b1_ref[...]
  zp_ref[...] = (_dot(zi_ref[...], wfi_ref[...])
                 + _dot(ze_ref[...], wfe_ref[...])
                 + _dot(zc_ref[...], wfc_ref[...]) + bf_ref[...])


def _tc2_body(s1_ref, agg_ref, deg_ref, wn2_ref, ws2_ref, b2_ref,
              y2_ref, s2_ref):
  deg = jnp.maximum(deg_ref[0, :, 0:1] + deg_ref[1, :, 0:1], 1.0)
  agg = jnp.concatenate([agg_ref[0], agg_ref[1]], axis=1) / deg
  h = jnp.maximum(s1_ref[...] + agg, 0.0)
  y = _dot(h, wn2_ref[...])
  y2_ref[0] = y[:, :_HALF]
  y2_ref[1] = y[:, _HALF:]
  s2_ref[...] = _dot(h, ws2_ref[...]) + b2_ref[...]


def _tc3_body(s2_ref, agg_ref, deg_ref, zp_ref, wfg_ref, wh_ref, bh_ref,
              logits_ref, haz_ref, surv_ref, hg_ref, risk_ref, *, T):
  deg = jnp.maximum(deg_ref[0, :, 0:1] + deg_ref[1, :, 0:1], 1.0)
  agg = jnp.concatenate([agg_ref[0], agg_ref[1]], axis=1) / deg
  hg = jnp.maximum(s2_ref[...] + agg, 0.0)
  hg_ref[...] = hg
  fused = jnp.maximum(_dot(hg, wfg_ref[...]) + zp_ref[...], 0.0)
  lg = _dot(fused, wh_ref[...]) + bh_ref[...]
  logits_ref[...] = lg
  hz = 1.0 / (1.0 + jnp.exp(-lg))
  haz_ref[...] = hz
  om = 1.0 - hz
  p = om[:, 0:1]
  cols = [p]
  for t in range(1, T):
    p = p * om[:, t:t + 1]
    cols.append(p)
  surv_ref[...] = jnp.concatenate(cols, axis=1)
  csum = hz[:, 0:1]
  racc = csum
  for t in range(1, T):
    csum = csum + hz[:, t:t + 1]
    racc = racc + csum
  risk_ref[...] = racc




def kernel(e, z_img, z_ehr, z_concept, edge_index, Ws1, Wn1, b1,
           Ws2, Wn2, b2, Wf, bf, Wh, bh):
  N, D = e.shape
  E = edge_index.shape[1]
  T = Wh.shape[1]
  DI = z_img.shape[1]
  DE = z_ehr.shape[1]
  DC = z_concept.shape[1]
  H = Ws1.shape[1]

  n_chunks = 2 * (-(-E // (_NS * _CHUNK * 2)))
  e_pad = _NS * n_chunks * _CHUNK
  rpt = ((-(-(N + 1) // _NS) + 7) // 8) * 8
  n_acc = _NS * rpt

  src = edge_index[0]
  dst = edge_index[1]
  pad = e_pad - E
  srcs = jnp.concatenate([src, jnp.zeros((pad,), jnp.int32)]
                         ).reshape(_NS, n_chunks, _CHUNK)
  srcs = jnp.stack([srcs, srcs + N])
  dst_padded = jnp.concatenate([dst, jnp.full((pad,), N, jnp.int32)])
  dsts = dst_padded.reshape(_NS, n_chunks, _CHUNK)
  n_chunks_d = 2 * (-(-E // (_NC * _NS * _DCHUNK * 2)))
  e_pad_d = _NC * _NS * n_chunks_d * _DCHUNK
  dsts_d = jnp.concatenate(
      [dst, jnp.full((e_pad_d - E,), N, jnp.int32)]
  ).reshape(_NC, _NS, n_chunks_d, _DCHUNK)
  zeros128 = jnp.zeros((rpt, _HALF), jnp.float32)
  ones128 = jnp.ones((_DCHUNK, _HALF), jnp.float32)

  bn = 1000 if N % 1000 == 0 else 8 * (-(-N // 8))
  grid = -(-N // bn)

  row_spec = lambda w: pl.BlockSpec((bn, w), lambda i: (i, 0))
  full_spec = lambda a, b: pl.BlockSpec((a, b), lambda i: (0, 0))
  split_spec = pl.BlockSpec((_NC, bn, _HALF), lambda i: (0, i, 0))

  tc1 = pl.pallas_call(
      _tc1_body,
      grid=(grid,),
      in_specs=[row_spec(D), row_spec(DI), row_spec(DE), row_spec(DC),
                full_spec(D, H), full_spec(D, H), full_spec(1, H),
                full_spec(DI, H), full_spec(DE, H), full_spec(DC, H),
                full_spec(1, H)],
      out_specs=[split_spec, row_spec(H), row_spec(H)],
      out_shape=[jax.ShapeDtypeStruct((_NC, N, _HALF), jnp.float32),
                 jax.ShapeDtypeStruct((N, H), jnp.float32),
                 jax.ShapeDtypeStruct((N, H), jnp.float32)],
  )
  y1, s1, zp = tc1(e, z_img, z_ehr, z_concept,
                   Wn1, Ws1, b1.reshape(1, H),
                   Wf[H:H + DI], Wf[H + DI:H + DI + DE],
                   Wf[H + DI + DE:], bf.reshape(1, H))

  degk = _make_deg(n_acc, n_chunks_d, rpt)
  (degp,) = degk(dsts_d, zeros128, ones128)
  degp = degp.reshape(_NC, n_acc, _HALF)

  segsum = _make_segsum(n_acc, n_chunks, rpt)
  (agg1,) = segsum(y1.reshape(_NC * N, _HALF), srcs, dsts, zeros128)
  agg1 = agg1.reshape(_NC, n_acc, _HALF)

  split_in = pl.BlockSpec((_NC, bn, _HALF), lambda i: (0, i, 0))
  tc2 = pl.pallas_call(
      _tc2_body,
      grid=(grid,),
      in_specs=[row_spec(H), split_in, split_in,
                full_spec(H, H), full_spec(H, H), full_spec(1, H)],
      out_specs=[split_spec, row_spec(H)],
      out_shape=[jax.ShapeDtypeStruct((_NC, N, _HALF), jnp.float32),
                 jax.ShapeDtypeStruct((N, H), jnp.float32)],
  )
  y2, s2 = tc2(s1, agg1, degp, Wn2, Ws2, b2.reshape(1, H))

  (agg2,) = segsum(y2.reshape(_NC * N, _HALF), srcs, dsts, zeros128)
  agg2 = agg2.reshape(_NC, n_acc, _HALF)

  tc3 = pl.pallas_call(
      functools.partial(_tc3_body, T=T),
      grid=(grid,),
      in_specs=[row_spec(H), split_in, split_in, row_spec(H),
                full_spec(H, H), full_spec(H, T), full_spec(1, T)],
      out_specs=[row_spec(T), row_spec(T), row_spec(T), row_spec(H),
                 row_spec(1)],
      out_shape=[jax.ShapeDtypeStruct((N, T), jnp.float32),
                 jax.ShapeDtypeStruct((N, T), jnp.float32),
                 jax.ShapeDtypeStruct((N, T), jnp.float32),
                 jax.ShapeDtypeStruct((N, H), jnp.float32),
                 jax.ShapeDtypeStruct((N, 1), jnp.float32)],
  )
  logits, hazards, survival, h_graph, risk = tc3(
      s2, agg2, degp, zp, Wf[:H], Wh, bh.reshape(1, T))

  return (logits, hazards, survival, h_graph, risk.reshape(N))

# --- scband reference (transcript-rebuilt; emitter-appended) ---
"""Pipeline reference for scband-nsclc-graph-surv-model-86990267613213 (READ-ONLY COPY).

The authoritative reference and input builder live on the scoring server;
editing this copy changes nothing except your own understanding.
"""

import jax, jax.numpy as jnp
import numpy as np

N = 10000
E = 150000
T = 12


def _glorot(key, shape):
    fan_in = shape[0]
    return jax.random.normal(key, shape, dtype=jnp.float32) * (1.0 / np.sqrt(fan_in))


def setup_inputs(seed: int = 0) -> dict:
    key = jax.random.key(seed)
    ks = jax.random.split(key, 16)
    inp = {}
    inp["e"] = jax.random.normal(ks[0], (N, 512), dtype=jnp.float32)
    inp["z_img"] = jax.random.normal(ks[1], (N, 512), dtype=jnp.float32)
    inp["z_ehr"] = jax.random.normal(ks[2], (N, 128), dtype=jnp.float32)
    inp["z_concept"] = jax.random.normal(ks[3], (N, 64), dtype=jnp.float32)
    inp["edge_index"] = jax.random.randint(ks[4], (2, E), 0, N, dtype=jnp.int32)
    # GraphSAGE layer 1: 512 -> 256 (self + neighbor mean)
    inp["Ws1"] = _glorot(ks[5], (512, 256))
    inp["Wn1"] = _glorot(ks[6], (512, 256))
    inp["b1"] = jnp.zeros((256,), dtype=jnp.float32)
    # GraphSAGE layer 2: 256 -> 256
    inp["Ws2"] = _glorot(ks[7], (256, 256))
    inp["Wn2"] = _glorot(ks[8], (256, 256))
    inp["b2"] = jnp.zeros((256,), dtype=jnp.float32)
    # fuse: (256+512+128+64)=960 -> 256
    inp["Wf"] = _glorot(ks[9], (960, 256))
    inp["bf"] = jnp.zeros((256,), dtype=jnp.float32)
    # survival head: 256 -> T
    inp["Wh"] = _glorot(ks[10], (256, T))
    inp["bh"] = jnp.zeros((T,), dtype=jnp.float32)
    return inp


def reference(e, z_img, z_ehr, z_concept, edge_index, Ws1, Wn1, b1, Ws2, Wn2, b2, Wf, bf, Wh, bh):
    src = edge_index[0]
    dst = edge_index[1]

    def sage_layer(x, Ws, Wn, b):
        msgs = jnp.take(x, src, axis=0)
        agg_sum = jax.ops.segment_sum(msgs, dst, num_segments=N)
        deg = jax.ops.segment_sum(jnp.ones((E,), dtype=x.dtype), dst, num_segments=N)
        agg = agg_sum / jnp.clip(deg, 1.0)[:, None]
        return jax.nn.relu(x @ Ws + agg @ Wn + b)

    h = sage_layer(e, Ws1, Wn1, b1)
    h_graph = sage_layer(h, Ws2, Wn2, b2)
    fused = jnp.concatenate([h_graph, z_img, z_ehr, z_concept], axis=1)
    fused = jax.nn.relu(fused @ Wf + bf)
    logits = fused @ Wh + bh
    hazards = jax.nn.sigmoid(logits)
    survival = jnp.cumprod(1.0 - hazards, axis=1)
    cum_h = jnp.cumsum(hazards, axis=1)
    risk = jnp.sum(cum_h, axis=1)
    return (logits, hazards, survival, h_graph, risk)

if __name__ == "__main__":
    import jax
    _d = setup_inputs()
    print(jax.jit(kernel)(*tuple(_d.values())))

</pallas_src>

<mosaic_0001>
#map = affine_map<(d0, d1) -> (0, 0)>
#map1 = affine_map<(d0, d1) -> (0, 0, 0, 0)>
#map2 = affine_map<(d0, d1) -> (0, 0, 0)>
module attributes {stable_mosaic.version = 14 : i64} {
  func.func @body(%arg0: i32, %arg1: i32, %arg2: memref<20000x128xf32, #tpu.memory_space<hbm>>, %arg3: memref<2x16x74x128xi32, #tpu.memory_space<hbm>>, %arg4: memref<16x74x128xi32, #tpu.memory_space<hbm>>, %arg5: memref<632x128xf32, #tpu.memory_space<hbm>>, %arg6: memref<20224x128xf32, #tpu.memory_space<hbm>>, %arg7: memref<10112x128xf32, #tpu.memory_space<vmem_shared>>, %arg8: memref<128xi32, #tpu.memory_space<vmem>>, %arg9: memref<128xi32, #tpu.memory_space<vmem>>, %arg10: memref<128xi32, #tpu.memory_space<vmem>>, %arg11: memref<128xi32, #tpu.memory_space<vmem>>, %arg12: memref<128x128xf32, #tpu.memory_space<vmem>>, %arg13: memref<128x128xf32, #tpu.memory_space<vmem>>, %arg14: memref<!tpu.dma_semaphore, #tpu.memory_space<semaphore_mem>>) attributes {dimension_semantics = [#tpu.dimension_semantics<core_parallel>, #tpu.dimension_semantics<subcore_parallel>], iteration_bounds = array<i64: 2, 16>, scalar_prefetch = 0 : i64, scratch_operands = 8 : i64, tpu.core_type = #tpu.core_type<sc_vector_subcore>, window_params = [{transform_indices = #map}, {transform_indices = #map1}, {transform_indices = #map2}, {transform_indices = #map}, {transform_indices = #map}]} {
    %mul3A = arith.constant 632 : i32
    %mul3A_0 = arith.muli %arg1, %mul3A : i32
    "tpu.region"() ({
      %run_scoped3A_26 = tpu.sem_alloc : memref<!tpu.dma_semaphore, #tpu.memory_space<semaphore_mem>>
      %dma_start3A_27 = arith.constant 0 : i32
      %dma_start3A_28 = tpu.memref_slice %arg7[%mul3A_0, %dma_start3A_27] : memref<10112x128xf32, #tpu.memory_space<vmem_shared>> -> memref<632x128xf32, #tpu.memory_space<vmem_shared>>
      tpu.enqueue_dma source(%arg5 : memref<632x128xf32, #tpu.memory_space<hbm>>) target(%dma_start3A_28 : memref<632x128xf32, #tpu.memory_space<vmem_shared>>) target_semaphore(%run_scoped3A_26 : memref<!tpu.dma_semaphore, #tpu.memory_space<semaphore_mem>>)
      %dma_wait3A_29 = arith.constant 0 : i32
      %dma_wait3A_30 = tpu.memref_slice %arg7[%mul3A_0, %dma_wait3A_29] : memref<10112x128xf32, #tpu.memory_space<vmem_shared>> -> memref<632x128xf32, #tpu.memory_space<vmem_shared>>
      tpu.wait_dma2 semaphore(%run_scoped3A_26 : memref<!tpu.dma_semaphore, #tpu.memory_space<semaphore_mem>>) src(%arg5 : memref<632x128xf32, #tpu.memory_space<hbm>>) dst(%dma_wait3A_30 : memref<632x128xf32, #tpu.memory_space<vmem_shared>>)
      tpu.yield
    }) : () -> ()
    %barrier3A = arith.constant 0 : index
    tpu.barrier barrier_id(%barrier3A)
    %run_scoped3A = arith.constant 0 : i32
    "tpu.region"() ({
      %run_scoped3A_26 = tpu.sem_alloc : memref<!tpu.dma_semaphore, #tpu.memory_space<semaphore_mem>>
      %dma_start3A_27 = arith.constant 0 : i32
      %dma_start3A_28 = tpu.memref_slice %arg3[%arg0, %arg1, %run_scoped3A, %dma_start3A_27] : memref<2x16x74x128xi32, #tpu.memory_space<hbm>> -> memref<1x1x1x128xi32, #tpu.memory_space<hbm>>
      %dma_start3A_29 = tpu.memref_squeeze %dma_start3A_28 : memref<1x1x1x128xi32, #tpu.memory_space<hbm>> -> memref<128xi32, #tpu.memory_space<hbm>>
      %dma_start3A_30 = arith.constant 0 : i32
      %dma_start3A_31 = tpu.memref_slice %arg3[%arg0, %arg1, %run_scoped3A, %dma_start3A_30] : memref<2x16x74x128xi32, #tpu.memory_space<hbm>> -> memref<1x1x1x128xi32, #tpu.memory_space<hbm>>
      %dma_start3A_32 = tpu.memref_squeeze %dma_start3A_31 : memref<1x1x1x128xi32, #tpu.memory_space<hbm>> -> memref<128xi32, #tpu.memory_space<hbm>>
      tpu.enqueue_dma source(%dma_start3A_32 : memref<128xi32, #tpu.memory_space<hbm>>) target(%arg8 : memref<128xi32, #tpu.memory_space<vmem>>) target_semaphore(%run_scoped3A_26 : memref<!tpu.dma_semaphore, #tpu.memory_space<semaphore_mem>>)
      %dma_wait3A_33 = arith.constant 0 : i32
      %dma_wait3A_34 = tpu.memref_slice %arg3[%arg0, %arg1, %run_scoped3A, %dma_wait3A_33] : memref<2x16x74x128xi32, #tpu.memory_space<hbm>> -> memref<1x1x1x128xi32, #tpu.memory_space<hbm>>
      %dma_wait3A_35 = tpu.memref_squeeze %dma_wait3A_34 : memref<1x1x1x128xi32, #tpu.memory_space<hbm>> -> memref<128xi32, #tpu.memory_space<hbm>>
      %dma_wait3A_36 = arith.constant 0 : i32
      %dma_wait3A_37 = tpu.memref_slice %arg3[%arg0, %arg1, %run_scoped3A, %dma_wait3A_36] : memref<2x16x74x128xi32, #tpu.memory_space<hbm>> -> memref<1x1x1x128xi32, #tpu.memory_space<hbm>>
      %dma_wait3A_38 = tpu.memref_squeeze %dma_wait3A_37 : memref<1x1x1x128xi32, #tpu.memory_space<hbm>> -> memref<128xi32, #tpu.memory_space<hbm>>
      tpu.wait_dma2 semaphore(%run_scoped3A_26 : memref<!tpu.dma_semaphore, #tpu.memory_space<semaphore_mem>>) src(%dma_wait3A_38 : memref<128xi32, #tpu.memory_space<hbm>>) dst(%arg8 : memref<128xi32, #tpu.memory_space<vmem>>)
      tpu.yield
    }) : () -> ()
    %run_scoped3A_1 = arith.constant 0 : i32
    "tpu.region"() ({
      %run_scoped3A_26 = tpu.sem_alloc : memref<!tpu.dma_semaphore, #tpu.memory_space<semaphore_mem>>
      %dma_start3A_27 = arith.constant 0 : i32
      %dma_start3A_28 = tpu.memref_slice %arg4[%arg1, %run_scoped3A_1, %dma_start3A_27] : memref<16x74x128xi32, #tpu.memory_space<hbm>> -> memref<1x1x128xi32, #tpu.memory_space<hbm>>
      %dma_start3A_29 = tpu.memref_squeeze %dma_start3A_28 : memref<1x1x128xi32, #tpu.memory_space<hbm>> -> memref<128xi32, #tpu.memory_space<hbm>>
      %dma_start3A_30 = arith.constant 0 : i32
      %dma_start3A_31 = tpu.memref_slice %arg4[%arg1, %run_scoped3A_1, %dma_start3A_30] : memref<16x74x128xi32, #tpu.memory_space<hbm>> -> memref<1x1x128xi32, #tpu.memory_space<hbm>>
      %dma_start3A_32 = tpu.memref_squeeze %dma_start3A_31 : memref<1x1x128xi32, #tpu.memory_space<hbm>> -> memref<128xi32, #tpu.memory_space<hbm>>
      tpu.enqueue_dma source(%dma_start3A_32 : memref<128xi32, #tpu.memory_space<hbm>>) target(%arg9 : memref<128xi32, #tpu.memory_space<vmem>>) target_semaphore(%run_scoped3A_26 : memref<!tpu.dma_semaphore, #tpu.memory_space<semaphore_mem>>)
      %dma_wait3A_33 = arith.constant 0 : i32
      %dma_wait3A_34 = tpu.memref_slice %arg4[%arg1, %run_scoped3A_1, %dma_wait3A_33] : memref<16x74x128xi32, #tpu.memory_space<hbm>> -> memref<1x1x128xi32, #tpu.memory_space<hbm>>
      %dma_wait3A_35 = tpu.memref_squeeze %dma_wait3A_34 : memref<1x1x128xi32, #tpu.memory_space<hbm>> -> memref<128xi32, #tpu.memory_space<hbm>>
      %dma_wait3A_36 = arith.constant 0 : i32
      %dma_wait3A_37 = tpu.memref_slice %arg4[%arg1, %run_scoped3A_1, %dma_wait3A_36] : memref<16x74x128xi32, #tpu.memory_space<hbm>> -> memref<1x1x128xi32, #tpu.memory_space<hbm>>
      %dma_wait3A_38 = tpu.memref_squeeze %dma_wait3A_37 : memref<1x1x128xi32, #tpu.memory_space<hbm>> -> memref<128xi32, #tpu.memory_space<hbm>>
      tpu.wait_dma2 semaphore(%run_scoped3A_26 : memref<!tpu.dma_semaphore, #tpu.memory_space<semaphore_mem>>) src(%dma_wait3A_38 : memref<128xi32, #tpu.memory_space<hbm>>) dst(%arg9 : memref<128xi32, #tpu.memory_space<vmem>>)
      tpu.yield
    }) : () -> ()
    %dma_start3A = arith.constant 0 : i32
    %dma_start3A_2 = arith.constant 0 : i32
    %dma_start3A_3 = tpu.memref_slice %arg2[%dma_start3A, %dma_start3A_2] : memref<20000x128xf32, #tpu.memory_space<hbm>> -> memref<20000x128xf32, #tpu.memory_space<hbm>>
    tpu.enqueue_indirect_dma source(%dma_start3A_3 : memref<20000x128xf32, #tpu.memory_space<hbm>>) target(%arg12 : memref<128x128xf32, #tpu.memory_space<vmem>>) offsets(%arg8 : memref<128xi32, #tpu.memory_space<vmem>>) semaphore(%arg14 : memref<!tpu.dma_semaphore, #tpu.memory_space<semaphore_mem>>)
    %scan3A = arith.constant 0 : i32
    %scan3A_4 = arith.constant 0 : i32
    %scan3A_5 = arith.constant 36 : i32
    %scan3A_6 = arith.addi %scan3A_4, %scan3A_5 : i32
    %scan3A_7 = arith.constant 1 : i32
    scf.for %scan3A_26 = %scan3A_4 to %scan3A_6 step %scan3A_7  : i32 {
      %mul3A_27 = arith.constant 2 : i32
      %mul3A_28 = arith.muli %mul3A_27, %scan3A_26 : i32
      %add3A_29 = arith.constant 1 : i32
      %add3A_30 = arith.addi %mul3A_28, %add3A_29 : i32
      "tpu.region"() ({
        %run_scoped3A_49 = tpu.sem_alloc : memref<!tpu.dma_semaphore, #tpu.memory_space<semaphore_mem>>
        %dma_start3A_50 = arith.constant 0 : i32
        %dma_start3A_51 = tpu.memref_slice %arg3[%arg0, %arg1, %add3A_30, %dma_start3A_50] : memref<2x16x74x128xi32, #tpu.memory_space<hbm>> -> memref<1x1x1x128xi32, #tpu.memory_space<hbm>>
        %dma_start3A_52 = tpu.memref_squeeze %dma_start3A_51 : memref<1x1x1x128xi32, #tpu.memory_space<hbm>> -> memref<128xi32, #tpu.memory_space<hbm>>
        %dma_start3A_53 = arith.constant 0 : i32
        %dma_start3A_54 = tpu.memref_slice %arg3[%arg0, %arg1, %add3A_30, %dma_start3A_53] : memref<2x16x74x128xi32, #tpu.memory_space<hbm>> -> memref<1x1x1x128xi32, #tpu.memory_space<hbm>>
        %dma_start3A_55 = tpu.memref_squeeze %dma_start3A_54 : memref<1x1x1x128xi32, #tpu.memory_space<hbm>> -> memref<128xi32, #tpu.memory_space<hbm>>
        tpu.enqueue_dma source(%dma_start3A_55 : memref<128xi32, #tpu.memory_space<hbm>>) target(%arg10 : memref<128xi32, #tpu.memory_space<vmem>>) target_semaphore(%run_scoped3A_49 : memref<!tpu.dma_semaphore, #tpu.memory_space<semaphore_mem>>)
        %dma_wait3A_56 = arith.constant 0 : i32
        %dma_wait3A_57 = tpu.memref_slice %arg3[%arg0, %arg1, %add3A_30, %dma_wait3A_56] : memref<2x16x74x128xi32, #tpu.memory_space<hbm>> -> memref<1x1x1x128xi32, #tpu.memory_space<hbm>>
        %dma_wait3A_58 = tpu.memref_squeeze %dma_wait3A_57 : memref<1x1x1x128xi32, #tpu.memory_space<hbm>> -> memref<128xi32, #tpu.memory_space<hbm>>
        %dma_wait3A_59 = arith.constant 0 : i32
        %dma_wait3A_60 = tpu.memref_slice %arg3[%arg0, %arg1, %add3A_30, %dma_wait3A_59] : memref<2x16x74x128xi32, #tpu.memory_space<hbm>> -> memref<1x1x1x128xi32, #tpu.memory_space<hbm>>
        %dma_wait3A_61 = tpu.memref_squeeze %dma_wait3A_60 : memref<1x1x1x128xi32, #tpu.memory_space<hbm>> -> memref<128xi32, #tpu.memory_space<hbm>>
        tpu.wait_dma2 semaphore(%run_scoped3A_49 : memref<!tpu.dma_semaphore, #tpu.memory_space<semaphore_mem>>) src(%dma_wait3A_61 : memref<128xi32, #tpu.memory_space<hbm>>) dst(%arg10 : memref<128xi32, #tpu.memory_space<vmem>>)
        tpu.yield
      }) : () -> ()
      %add3A_31 = arith.constant 1 : i32
      %add3A_32 = arith.addi %mul3A_28, %add3A_31 : i32
      "tpu.region"() ({
        %run_scoped3A_49 = tpu.sem_alloc : memref<!tpu.dma_semaphore, #tpu.memory_space<semaphore_mem>>
        %dma_start3A_50 = arith.constant 0 : i32
        %dma_start3A_51 = tpu.memref_slice %arg4[%arg1, %add3A_32, %dma_start3A_50] : memref<16x74x128xi32, #tpu.memory_space<hbm>> -> memref<1x1x128xi32, #tpu.memory_space<hbm>>
        %dma_start3A_52 = tpu.memref_squeeze %dma_start3A_51 : memref<1x1x128xi32, #tpu.memory_space<hbm>> -> memref<128xi32, #tpu.memory_space<hbm>>
        %dma_start3A_53 = arith.constant 0 : i32
        %dma_start3A_54 = tpu.memref_slice %arg4[%arg1, %add3A_32, %dma_start3A_53] : memref<16x74x128xi32, #tpu.memory_space<hbm>> -> memref<1x1x128xi32, #tpu.memory_space<hbm>>
        %dma_start3A_55 = tpu.memref_squeeze %dma_start3A_54 : memref<1x1x128xi32, #tpu.memory_space<hbm>> -> memref<128xi32, #tpu.memory_space<hbm>>
        tpu.enqueue_dma source(%dma_start3A_55 : memref<128xi32, #tpu.memory_space<hbm>>) target(%arg11 : memref<128xi32, #tpu.memory_space<vmem>>) target_semaphore(%run_scoped3A_49 : memref<!tpu.dma_semaphore, #tpu.memory_space<semaphore_mem>>)
        %dma_wait3A_56 = arith.constant 0 : i32
        %dma_wait3A_57 = tpu.memref_slice %arg4[%arg1, %add3A_32, %dma_wait3A_56] : memref<16x74x128xi32, #tpu.memory_space<hbm>> -> memref<1x1x128xi32, #tpu.memory_space<hbm>>
        %dma_wait3A_58 = tpu.memref_squeeze %dma_wait3A_57 : memref<1x1x128xi32, #tpu.memory_space<hbm>> -> memref<128xi32, #tpu.memory_space<hbm>>
        %dma_wait3A_59 = arith.constant 0 : i32
        %dma_wait3A_60 = tpu.memref_slice %arg4[%arg1, %add3A_32, %dma_wait3A_59] : memref<16x74x128xi32, #tpu.memory_space<hbm>> -> memref<1x1x128xi32, #tpu.memory_space<hbm>>
        %dma_wait3A_61 = tpu.memref_squeeze %dma_wait3A_60 : memref<1x1x128xi32, #tpu.memory_space<hbm>> -> memref<128xi32, #tpu.memory_space<hbm>>
        tpu.wait_dma2 semaphore(%run_scoped3A_49 : memref<!tpu.dma_semaphore, #tpu.memory_space<semaphore_mem>>) src(%dma_wait3A_61 : memref<128xi32, #tpu.memory_space<hbm>>) dst(%arg11 : memref<128xi32, #tpu.memory_space<vmem>>)
        tpu.yield
      }) : () -> ()
      %dma_wait3A_33 = arith.constant 0 : i32
      %dma_wait3A_34 = arith.constant 0 : i32
      %dma_wait3A_35 = tpu.memref_slice %arg2[%dma_wait3A_33, %dma_wait3A_34] : memref<20000x128xf32, #tpu.memory_space<hbm>> -> memref<20000x128xf32, #tpu.memory_space<hbm>>
      tpu.wait_indirect_dma semaphore(%arg14 : memref<!tpu.dma_semaphore, #tpu.memory_space<semaphore_mem>>) src(%dma_wait3A_35 : memref<20000x128xf32, #tpu.memory_space<hbm>>) dst(%arg12 : memref<128x128xf32, #tpu.memory_space<vmem>>)
      %dma_start3A_36 = arith.constant 0 : i32
      %dma_start3A_37 = arith.constant 0 : i32
      %dma_start3A_38 = tpu.memref_slice %arg2[%dma_start3A_36, %dma_start3A_37] : memref<20000x128xf32, #tpu.memory_space<hbm>> -> memref<20000x128xf32, #tpu.memory_space<hbm>>
      tpu.enqueue_indirect_dma source(%dma_start3A_38 : memref<20000x128xf32, #tpu.memory_space<hbm>>) target(%arg13 : memref<128x128xf32, #tpu.memory_space<vmem>>) offsets(%arg10 : memref<128xi32, #tpu.memory_space<vmem>>) semaphore(%arg14 : memref<!tpu.dma_semaphore, #tpu.memory_space<semaphore_mem>>)
      "tpu.region"() ({
        %run_scoped3A_49 = tpu.sem_alloc : memref<!tpu.dma_semaphore, #tpu.memory_space<semaphore_mem>>
        %dma_start3A_50 = arith.constant 0 : i32
        %dma_start3A_51 = arith.constant 0 : i32
        %dma_start3A_52 = tpu.memref_slice %arg7[%dma_start3A_50, %dma_start3A_51] : memref<10112x128xf32, #tpu.memory_space<vmem_shared>> -> memref<10112x128xf32, #tpu.memory_space<vmem_shared>>
        tpu.enqueue_indirect_dma source(%arg12 : memref<128x128xf32, #tpu.memory_space<vmem>>) target(%dma_start3A_52 : memref<10112x128xf32, #tpu.memory_space<vmem_shared>>) offsets(%arg9 : memref<128xi32, #tpu.memory_space<vmem>>) semaphore(%run_scoped3A_49 : memref<!tpu.dma_semaphore, #tpu.memory_space<semaphore_mem>>) {add = true}
        %dma_wait3A_53 = arith.constant 0 : i32
        %dma_wait3A_54 = arith.constant 0 : i32
        %dma_wait3A_55 = tpu.memref_slice %arg7[%dma_wait3A_53, %dma_wait3A_54] : memref<10112x128xf32, #tpu.memory_space<vmem_shared>> -> memref<10112x128xf32, #tpu.memory_space<vmem_shared>>
        tpu.wait_indirect_dma semaphore(%run_scoped3A_49 : memref<!tpu.dma_semaphore, #tpu.memory_space<semaphore_mem>>) src(%arg12 : memref<128x128xf32, #tpu.memory_space<vmem>>) dst(%dma_wait3A_55 : memref<10112x128xf32, #tpu.memory_space<vmem_shared>>)
        tpu.yield
      }) : () -> ()
      %add3A_39 = arith.constant 2 : i32
      %add3A_40 = arith.addi %mul3A_28, %add3A_39 : i32
      "tpu.region"() ({
        %run_scoped3A_49 = tpu.sem_alloc : memref<!tpu.dma_semaphore, #tpu.memory_space<semaphore_mem>>
        %dma_start3A_50 = arith.constant 0 : i32
        %dma_start3A_51 = tpu.memref_slice %arg3[%arg0, %arg1, %add3A_40, %dma_start3A_50] : memref<2x16x74x128xi32, #tpu.memory_space<hbm>> -> memref<1x1x1x128xi32, #tpu.memory_space<hbm>>
        %dma_start3A_52 = tpu.memref_squeeze %dma_start3A_51 : memref<1x1x1x128xi32, #tpu.memory_space<hbm>> -> memref<128xi32, #tpu.memory_space<hbm>>
        %dma_start3A_53 = arith.constant 0 : i32
        %dma_start3A_54 = tpu.memref_slice %arg3[%arg0, %arg1, %add3A_40, %dma_start3A_53] : memref<2x16x74x128xi32, #tpu.memory_space<hbm>> -> memref<1x1x1x128xi32, #tpu.memory_space<hbm>>
        %dma_start3A_55 = tpu.memref_squeeze %dma_start3A_54 : memref<1x1x1x128xi32, #tpu.memory_space<hbm>> -> memref<128xi32, #tpu.memory_space<hbm>>
        tpu.enqueue_dma source(%dma_start3A_55 : memref<128xi32, #tpu.memory_space<hbm>>) target(%arg8 : memref<128xi32, #tpu.memory_space<vmem>>) target_semaphore(%run_scoped3A_49 : memref<!tpu.dma_semaphore, #tpu.memory_space<semaphore_mem>>)
        %dma_wait3A_56 = arith.constant 0 : i32
        %dma_wait3A_57 = tpu.memref_slice %arg3[%arg0, %arg1, %add3A_40, %dma_wait3A_56] : memref<2x16x74x128xi32, #tpu.memory_space<hbm>> -> memref<1x1x1x128xi32, #tpu.memory_space<hbm>>
        %dma_wait3A_58 = tpu.memref_squeeze %dma_wait3A_57 : memref<1x1x1x128xi32, #tpu.memory_space<hbm>> -> memref<128xi32, #tpu.memory_space<hbm>>
        %dma_wait3A_59 = arith.constant 0 : i32
        %dma_wait3A_60 = tpu.memref_slice %arg3[%arg0, %arg1, %add3A_40, %dma_wait3A_59] : memref<2x16x74x128xi32, #tpu.memory_space<hbm>> -> memref<1x1x1x128xi32, #tpu.memory_space<hbm>>
        %dma_wait3A_61 = tpu.memref_squeeze %dma_wait3A_60 : memref<1x1x1x128xi32, #tpu.memory_space<hbm>> -> memref<128xi32, #tpu.memory_space<hbm>>
        tpu.wait_dma2 semaphore(%run_scoped3A_49 : memref<!tpu.dma_semaphore, #tpu.memory_space<semaphore_mem>>) src(%dma_wait3A_61 : memref<128xi32, #tpu.memory_space<hbm>>) dst(%arg8 : memref<128xi32, #tpu.memory_space<vmem>>)
        tpu.yield
      }) : () -> ()
      %add3A_41 = arith.constant 2 : i32
      %add3A_42 = arith.addi %mul3A_28, %add3A_41 : i32
      "tpu.region"() ({
        %run_scoped3A_49 = tpu.sem_alloc : memref<!tpu.dma_semaphore, #tpu.memory_space<semaphore_mem>>
        %dma_start3A_50 = arith.constant 0 : i32
        %dma_start3A_51 = tpu.memref_slice %arg4[%arg1, %add3A_42, %dma_start3A_50] : memref<16x74x128xi32, #tpu.memory_space<hbm>> -> memref<1x1x128xi32, #tpu.memory_space<hbm>>
        %dma_start3A_52 = tpu.memref_squeeze %dma_start3A_51 : memref<1x1x128xi32, #tpu.memory_space<hbm>> -> memref<128xi32, #tpu.memory_space<hbm>>
        %dma_start3A_53 = arith.constant 0 : i32
        %dma_start3A_54 = tpu.memref_slice %arg4[%arg1, %add3A_42, %dma_start3A_53] : memref<16x74x128xi32, #tpu.memory_space<hbm>> -> memref<1x1x128xi32, #tpu.memory_space<hbm>>
        %dma_start3A_55 = tpu.memref_squeeze %dma_start3A_54 : memref<1x1x128xi32, #tpu.memory_space<hbm>> -> memref<128xi32, #tpu.memory_space<hbm>>
        tpu.enqueue_dma source(%dma_start3A_55 : memref<128xi32, #tpu.memory_space<hbm>>) target(%arg9 : memref<128xi32, #tpu.memory_space<vmem>>) target_semaphore(%run_scoped3A_49 : memref<!tpu.dma_semaphore, #tpu.memory_space<semaphore_mem>>)
        %dma_wait3A_56 = arith.constant 0 : i32
        %dma_wait3A_57 = tpu.memref_slice %arg4[%arg1, %add3A_42, %dma_wait3A_56] : memref<16x74x128xi32, #tpu.memory_space<hbm>> -> memref<1x1x128xi32, #tpu.memory_space<hbm>>
        %dma_wait3A_58 = tpu.memref_squeeze %dma_wait3A_57 : memref<1x1x128xi32, #tpu.memory_space<hbm>> -> memref<128xi32, #tpu.memory_space<hbm>>
        %dma_wait3A_59 = arith.constant 0 : i32
        %dma_wait3A_60 = tpu.memref_slice %arg4[%arg1, %add3A_42, %dma_wait3A_59] : memref<16x74x128xi32, #tpu.memory_space<hbm>> -> memref<1x1x128xi32, #tpu.memory_space<hbm>>
        %dma_wait3A_61 = tpu.memref_squeeze %dma_wait3A_60 : memref<1x1x128xi32, #tpu.memory_space<hbm>> -> memref<128xi32, #tpu.memory_space<hbm>>
        tpu.wait_dma2 semaphore(%run_scoped3A_49 : memref<!tpu.dma_semaphore, #tpu.memory_space<semaphore_mem>>) src(%dma_wait3A_61 : memref<128xi32, #tpu.memory_space<hbm>>) dst(%arg9 : memref<128xi32, #tpu.memory_space<vmem>>)
        tpu.yield
      }) : () -> ()
      %dma_wait3A_43 = arith.constant 0 : i32
      %dma_wait3A_44 = arith.constant 0 : i32
      %dma_wait3A_45 = tpu.memref_slice %arg2[%dma_wait3A_43, %dma_wait3A_44] : memref<20000x128xf32, #tpu.memory_space<hbm>> -> memref<20000x128xf32, #tpu.memory_space<hbm>>
      tpu.wait_indirect_dma semaphore(%arg14 : memref<!tpu.dma_semaphore, #tpu.memory_space<semaphore_mem>>) src(%dma_wait3A_45 : memref<20000x128xf32, #tpu.memory_space<hbm>>) dst(%arg13 : memref<128x128xf32, #tpu.memory_space<vmem>>)
      %dma_start3A_46 = arith.constant 0 : i32
      %dma_start3A_47 = arith.constant 0 : i32
      %dma_start3A_48 = tpu.memref_slice %arg2[%dma_start3A_46, %dma_start3A_47] : memref<20000x128xf32, #tpu.memory_space<hbm>> -> memref<20000x128xf32, #tpu.memory_space<hbm>>
      tpu.enqueue_indirect_dma source(%dma_start3A_48 : memref<20000x128xf32, #tpu.memory_space<hbm>>) target(%arg12 : memref<128x128xf32, #tpu.memory_space<vmem>>) offsets(%arg8 : memref<128xi32, #tpu.memory_space<vmem>>) semaphore(%arg14 : memref<!tpu.dma_semaphore, #tpu.memory_space<semaphore_mem>>)
      "tpu.region"() ({
        %run_scoped3A_49 = tpu.sem_alloc : memref<!tpu.dma_semaphore, #tpu.memory_space<semaphore_mem>>
        %dma_start3A_50 = arith.constant 0 : i32
        %dma_start3A_51 = arith.constant 0 : i32
        %dma_start3A_52 = tpu.memref_slice %arg7[%dma_start3A_50, %dma_start3A_51] : memref<10112x128xf32, #tpu.memory_space<vmem_shared>> -> memref<10112x128xf32, #tpu.memory_space<vmem_shared>>
        tpu.enqueue_indirect_dma source(%arg13 : memref<128x128xf32, #tpu.memory_space<vmem>>) target(%dma_start3A_52 : memref<10112x128xf32, #tpu.memory_space<vmem_shared>>) offsets(%arg11 : memref<128xi32, #tpu.memory_space<vmem>>) semaphore(%run_scoped3A_49 : memref<!tpu.dma_semaphore, #tpu.memory_space<semaphore_mem>>) {add = true}
        %dma_wait3A_53 = arith.constant 0 : i32
        %dma_wait3A_54 = arith.constant 0 : i32
        %dma_wait3A_55 = tpu.memref_slice %arg7[%dma_wait3A_53, %dma_wait3A_54] : memref<10112x128xf32, #tpu.memory_space<vmem_shared>> -> memref<10112x128xf32, #tpu.memory_space<vmem_shared>>
        tpu.wait_indirect_dma semaphore(%run_scoped3A_49 : memref<!tpu.dma_semaphore, #tpu.memory_space<semaphore_mem>>) src(%arg13 : memref<128x128xf32, #tpu.memory_space<vmem>>) dst(%dma_wait3A_55 : memref<10112x128xf32, #tpu.memory_space<vmem_shared>>)
        tpu.yield
      }) : () -> ()
    }
    %scan3A_8 = arith.constant 36 : i32
    %run_scoped3A_9 = arith.constant 73 : i32
    "tpu.region"() ({
      %run_scoped3A_26 = tpu.sem_alloc : memref<!tpu.dma_semaphore, #tpu.memory_space<semaphore_mem>>
      %dma_start3A_27 = arith.constant 0 : i32
      %dma_start3A_28 = tpu.memref_slice %arg3[%arg0, %arg1, %run_scoped3A_9, %dma_start3A_27] : memref<2x16x74x128xi32, #tpu.memory_space<hbm>> -> memref<1x1x1x128xi32, #tpu.memory_space<hbm>>
      %dma_start3A_29 = tpu.memref_squeeze %dma_start3A_28 : memref<1x1x1x128xi32, #tpu.memory_space<hbm>> -> memref<128xi32, #tpu.memory_space<hbm>>
      %dma_start3A_30 = arith.constant 0 : i32
      %dma_start3A_31 = tpu.memref_slice %arg3[%arg0, %arg1, %run_scoped3A_9, %dma_start3A_30] : memref<2x16x74x128xi32, #tpu.memory_space<hbm>> -> memref<1x1x1x128xi32, #tpu.memory_space<hbm>>
      %dma_start3A_32 = tpu.memref_squeeze %dma_start3A_31 : memref<1x1x1x128xi32, #tpu.memory_space<hbm>> -> memref<128xi32, #tpu.memory_space<hbm>>
      tpu.enqueue_dma source(%dma_start3A_32 : memref<128xi32, #tpu.memory_space<hbm>>) target(%arg10 : memref<128xi32, #tpu.memory_space<vmem>>) target_semaphore(%run_scoped3A_26 : memref<!tpu.dma_semaphore, #tpu.memory_space<semaphore_mem>>)
      %dma_wait3A_33 = arith.constant 0 : i32
      %dma_wait3A_34 = tpu.memref_slice %arg3[%arg0, %arg1, %run_scoped3A_9, %dma_wait3A_33] : memref<2x16x74x128xi32, #tpu.memory_space<hbm>> -> memref<1x1x1x128xi32, #tpu.memory_space<hbm>>
      %dma_wait3A_35 = tpu.memref_squeeze %dma_wait3A_34 : memref<1x1x1x128xi32, #tpu.memory_space<hbm>> -> memref<128xi32, #tpu.memory_space<hbm>>
      %dma_wait3A_36 = arith.constant 0 : i32
      %dma_wait3A_37 = tpu.memref_slice %arg3[%arg0, %arg1, %run_scoped3A_9, %dma_wait3A_36] : memref<2x16x74x128xi32, #tpu.memory_space<hbm>> -> memref<1x1x1x128xi32, #tpu.memory_space<hbm>>
      %dma_wait3A_38 = tpu.memref_squeeze %dma_wait3A_37 : memref<1x1x1x128xi32, #tpu.memory_space<hbm>> -> memref<128xi32, #tpu.memory_space<hbm>>
      tpu.wait_dma2 semaphore(%run_scoped3A_26 : memref<!tpu.dma_semaphore, #tpu.memory_space<semaphore_mem>>) src(%dma_wait3A_38 : memref<128xi32, #tpu.memory_space<hbm>>) dst(%arg10 : memref<128xi32, #tpu.memory_space<vmem>>)
      tpu.yield
    }) : () -> ()
    %run_scoped3A_10 = arith.constant 73 : i32
    "tpu.region"() ({
      %run_scoped3A_26 = tpu.sem_alloc : memref<!tpu.dma_semaphore, #tpu.memory_space<semaphore_mem>>
      %dma_start3A_27 = arith.constant 0 : i32
      %dma_start3A_28 = tpu.memref_slice %arg4[%arg1, %run_scoped3A_10, %dma_start3A_27] : memref<16x74x128xi32, #tpu.memory_space<hbm>> -> memref<1x1x128xi32, #tpu.memory_space<hbm>>
      %dma_start3A_29 = tpu.memref_squeeze %dma_start3A_28 : memref<1x1x128xi32, #tpu.memory_space<hbm>> -> memref<128xi32, #tpu.memory_space<hbm>>
      %dma_start3A_30 = arith.constant 0 : i32
      %dma_start3A_31 = tpu.memref_slice %arg4[%arg1, %run_scoped3A_10, %dma_start3A_30] : memref<16x74x128xi32, #tpu.memory_space<hbm>> -> memref<1x1x128xi32, #tpu.memory_space<hbm>>
      %dma_start3A_32 = tpu.memref_squeeze %dma_start3A_31 : memref<1x1x128xi32, #tpu.memory_space<hbm>> -> memref<128xi32, #tpu.memory_space<hbm>>
      tpu.enqueue_dma source(%dma_start3A_32 : memref<128xi32, #tpu.memory_space<hbm>>) target(%arg11 : memref<128xi32, #tpu.memory_space<vmem>>) target_semaphore(%run_scoped3A_26 : memref<!tpu.dma_semaphore, #tpu.memory_space<semaphore_mem>>)
      %dma_wait3A_33 = arith.constant 0 : i32
      %dma_wait3A_34 = tpu.memref_slice %arg4[%arg1, %run_scoped3A_10, %dma_wait3A_33] : memref<16x74x128xi32, #tpu.memory_space<hbm>> -> memref<1x1x128xi32, #tpu.memory_space<hbm>>
      %dma_wait3A_35 = tpu.memref_squeeze %dma_wait3A_34 : memref<1x1x128xi32, #tpu.memory_space<hbm>> -> memref<128xi32, #tpu.memory_space<hbm>>
      %dma_wait3A_36 = arith.constant 0 : i32
      %dma_wait3A_37 = tpu.memref_slice %arg4[%arg1, %run_scoped3A_10, %dma_wait3A_36] : memref<16x74x128xi32, #tpu.memory_space<hbm>> -> memref<1x1x128xi32, #tpu.memory_space<hbm>>
      %dma_wait3A_38 = tpu.memref_squeeze %dma_wait3A_37 : memref<1x1x128xi32, #tpu.memory_space<hbm>> -> memref<128xi32, #tpu.memory_space<hbm>>
      tpu.wait_dma2 semaphore(%run_scoped3A_26 : memref<!tpu.dma_semaphore, #tpu.memory_space<semaphore_mem>>) src(%dma_wait3A_38 : memref<128xi32, #tpu.memory_space<hbm>>) dst(%arg11 : memref<128xi32, #tpu.memory_space<vmem>>)
      tpu.yield
    }) : () -> ()
    %dma_wait3A = arith.constant 0 : i32
    %dma_wait3A_11 = arith.constant 0 : i32
    %dma_wait3A_12 = tpu.memref_slice %arg2[%dma_wait3A, %dma_wait3A_11] : memref<20000x128xf32, #tpu.memory_space<hbm>> -> memref<20000x128xf32, #tpu.memory_space<hbm>>
    tpu.wait_indirect_dma semaphore(%arg14 : memref<!tpu.dma_semaphore, #tpu.memory_space<semaphore_mem>>) src(%dma_wait3A_12 : memref<20000x128xf32, #tpu.memory_space<hbm>>) dst(%arg12 : memref<128x128xf32, #tpu.memory_space<vmem>>)
    %dma_start3A_13 = arith.constant 0 : i32
    %dma_start3A_14 = arith.constant 0 : i32
    %dma_start3A_15 = tpu.memref_slice %arg2[%dma_start3A_13, %dma_start3A_14] : memref<20000x128xf32, #tpu.memory_space<hbm>> -> memref<20000x128xf32, #tpu.memory_space<hbm>>
    tpu.enqueue_indirect_dma source(%dma_start3A_15 : memref<20000x128xf32, #tpu.memory_space<hbm>>) target(%arg13 : memref<128x128xf32, #tpu.memory_space<vmem>>) offsets(%arg10 : memref<128xi32, #tpu.memory_space<vmem>>) semaphore(%arg14 : memref<!tpu.dma_semaphore, #tpu.memory_space<semaphore_mem>>)
    "tpu.region"() ({
      %run_scoped3A_26 = tpu.sem_alloc : memref<!tpu.dma_semaphore, #tpu.memory_space<semaphore_mem>>
      %dma_start3A_27 = arith.constant 0 : i32
      %dma_start3A_28 = arith.constant 0 : i32
      %dma_start3A_29 = tpu.memref_slice %arg7[%dma_start3A_27, %dma_start3A_28] : memref<10112x128xf32, #tpu.memory_space<vmem_shared>> -> memref<10112x128xf32, #tpu.memory_space<vmem_shared>>
      tpu.enqueue_indirect_dma source(%arg12 : memref<128x128xf32, #tpu.memory_space<vmem>>) target(%dma_start3A_29 : memref<10112x128xf32, #tpu.memory_space<vmem_shared>>) offsets(%arg9 : memref<128xi32, #tpu.memory_space<vmem>>) semaphore(%run_scoped3A_26 : memref<!tpu.dma_semaphore, #tpu.memory_space<semaphore_mem>>) {add = true}
      %dma_wait3A_30 = arith.constant 0 : i32
      %dma_wait3A_31 = arith.constant 0 : i32
      %dma_wait3A_32 = tpu.memref_slice %arg7[%dma_wait3A_30, %dma_wait3A_31] : memref<10112x128xf32, #tpu.memory_space<vmem_shared>> -> memref<10112x128xf32, #tpu.memory_space<vmem_shared>>
      tpu.wait_indirect_dma semaphore(%run_scoped3A_26 : memref<!tpu.dma_semaphore, #tpu.memory_space<semaphore_mem>>) src(%arg12 : memref<128x128xf32, #tpu.memory_space<vmem>>) dst(%dma_wait3A_32 : memref<10112x128xf32, #tpu.memory_space<vmem_shared>>)
      tpu.yield
    }) : () -> ()
    %dma_wait3A_16 = arith.constant 0 : i32
    %dma_wait3A_17 = arith.constant 0 : i32
    %dma_wait3A_18 = tpu.memref_slice %arg2[%dma_wait3A_16, %dma_wait3A_17] : memref<20000x128xf32, #tpu.memory_space<hbm>> -> memref<20000x128xf32, #tpu.memory_space<hbm>>
    tpu.wait_indirect_dma semaphore(%arg14 : memref<!tpu.dma_semaphore, #tpu.memory_space<semaphore_mem>>) src(%dma_wait3A_18 : memref<20000x128xf32, #tpu.memory_space<hbm>>) dst(%arg13 : memref<128x128xf32, #tpu.memory_space<vmem>>)
    "tpu.region"() ({
      %run_scoped3A_26 = tpu.sem_alloc : memref<!tpu.dma_semaphore, #tpu.memory_space<semaphore_mem>>
      %dma_start3A_27 = arith.constant 0 : i32
      %dma_start3A_28 = arith.constant 0 : i32
      %dma_start3A_29 = tpu.memref_slice %arg7[%dma_start3A_27, %dma_start3A_28] : memref<10112x128xf32, #tpu.memory_space<vmem_shared>> -> memref<10112x128xf32, #tpu.memory_space<vmem_shared>>
      tpu.enqueue_indirect_dma source(%arg13 : memref<128x128xf32, #tpu.memory_space<vmem>>) target(%dma_start3A_29 : memref<10112x128xf32, #tpu.memory_space<vmem_shared>>) offsets(%arg11 : memref<128xi32, #tpu.memory_space<vmem>>) semaphore(%run_scoped3A_26 : memref<!tpu.dma_semaphore, #tpu.memory_space<semaphore_mem>>) {add = true}
      %dma_wait3A_30 = arith.constant 0 : i32
      %dma_wait3A_31 = arith.constant 0 : i32
      %dma_wait3A_32 = tpu.memref_slice %arg7[%dma_wait3A_30, %dma_wait3A_31] : memref<10112x128xf32, #tpu.memory_space<vmem_shared>> -> memref<10112x128xf32, #tpu.memory_space<vmem_shared>>
      tpu.wait_indirect_dma semaphore(%run_scoped3A_26 : memref<!tpu.dma_semaphore, #tpu.memory_space<semaphore_mem>>) src(%arg13 : memref<128x128xf32, #tpu.memory_space<vmem>>) dst(%dma_wait3A_32 : memref<10112x128xf32, #tpu.memory_space<vmem_shared>>)
      tpu.yield
    }) : () -> ()
    %barrier3A_19 = arith.constant 0 : index
    tpu.barrier barrier_id(%barrier3A_19)
    %mul3A_20 = arith.constant 632 : i32
    %mul3A_21 = arith.muli %arg1, %mul3A_20 : i32
    %mul3A_22 = arith.constant 10112 : i32
    %mul3A_23 = arith.muli %arg0, %mul3A_22 : i32
    %mul3A_24 = arith.constant 632 : i32
    %mul3A_25 = arith.muli %arg1, %mul3A_24 : i32
    %add3A = arith.addi %mul3A_23, %mul3A_25 : i32
    "tpu.region"() ({
      %run_scoped3A_26 = tpu.sem_alloc : memref<!tpu.dma_semaphore, #tpu.memory_space<semaphore_mem>>
      %dma_start3A_27 = arith.constant 0 : i32
      %dma_start3A_28 = tpu.memref_slice %arg6[%add3A, %dma_start3A_27] : memref<20224x128xf32, #tpu.memory_space<hbm>> -> memref<632x128xf32, #tpu.memory_space<hbm>>
      %dma_start3A_29 = arith.constant 0 : i32
      %dma_start3A_30 = tpu.memref_slice %arg7[%mul3A_21, %dma_start3A_29] : memref<10112x128xf32, #tpu.memory_space<vmem_shared>> -> memref<632x128xf32, #tpu.memory_space<vmem_shared>>
      tpu.enqueue_dma source(%dma_start3A_30 : memref<632x128xf32, #tpu.memory_space<vmem_shared>>) target(%dma_start3A_28 : memref<632x128xf32, #tpu.memory_space<hbm>>) target_semaphore(%run_scoped3A_26 : memref<!tpu.dma_semaphore, #tpu.memory_space<semaphore_mem>>)
      %dma_wait3A_31 = arith.constant 0 : i32
      %dma_wait3A_32 = tpu.memref_slice %arg6[%add3A, %dma_wait3A_31] : memref<20224x128xf32, #tpu.memory_space<hbm>> -> memref<632x128xf32, #tpu.memory_space<hbm>>
      %dma_wait3A_33 = arith.constant 0 : i32
      %dma_wait3A_34 = tpu.memref_slice %arg7[%mul3A_21, %dma_wait3A_33] : memref<10112x128xf32, #tpu.memory_space<vmem_shared>> -> memref<632x128xf32, #tpu.memory_space<vmem_shared>>
      tpu.wait_dma2 semaphore(%run_scoped3A_26 : memref<!tpu.dma_semaphore, #tpu.memory_space<semaphore_mem>>) src(%dma_wait3A_34 : memref<632x128xf32, #tpu.memory_space<vmem_shared>>) dst(%dma_wait3A_32 : memref<632x128xf32, #tpu.memory_space<hbm>>)
      tpu.yield
    }) : () -> ()
    return
  }
}

#map = affine_map<(d0, d1) -> (0, 0, 0, 0)>
#map1 = affine_map<(d0, d1) -> (0, 0)>
module attributes {stable_mosaic.version = 14 : i64} {
  func.func @body(%arg0: i32, %arg1: i32, %arg2: memref<2x16x38x128xi32, #tpu.memory_space<hbm>>, %arg3: memref<632x128xf32, #tpu.memory_space<hbm>>, %arg4: memref<128x128xf32, #tpu.memory_space<hbm>>, %arg5: memref<20224x128xf32, #tpu.memory_space<hbm>>, %arg6: memref<10112x128xf32, #tpu.memory_space<vmem_shared>>, %arg7: memref<128xi32, #tpu.memory_space<vmem>>, %arg8: memref<128xi32, #tpu.memory_space<vmem>>, %arg9: memref<128x128xf32, #tpu.memory_space<vmem>>, %arg10: memref<!tpu.dma_semaphore, #tpu.memory_space<semaphore_mem>>, %arg11: memref<!tpu.dma_semaphore, #tpu.memory_space<semaphore_mem>>) attributes {dimension_semantics = [#tpu.dimension_semantics<core_parallel>, #tpu.dimension_semantics<subcore_parallel>], iteration_bounds = array<i64: 2, 16>, scalar_prefetch = 0 : i64, scratch_operands = 6 : i64, tpu.core_type = #tpu.core_type<sc_vector_subcore>, window_params = [{transform_indices = #map}, {transform_indices = #map1}, {transform_indices = #map1}, {transform_indices = #map1}]} {
    %mul3A = arith.constant 632 : i32
    %mul3A_0 = arith.muli %arg1, %mul3A : i32
    "tpu.region"() ({
      %run_scoped3A_24 = tpu.sem_alloc : memref<!tpu.dma_semaphore, #tpu.memory_space<semaphore_mem>>
      %dma_start3A_25 = arith.constant 0 : i32
      %dma_start3A_26 = tpu.memref_slice %arg6[%mul3A_0, %dma_start3A_25] : memref<10112x128xf32, #tpu.memory_space<vmem_shared>> -> memref<632x128xf32, #tpu.memory_space<vmem_shared>>
      tpu.enqueue_dma source(%arg3 : memref<632x128xf32, #tpu.memory_space<hbm>>) target(%dma_start3A_26 : memref<632x128xf32, #tpu.memory_space<vmem_shared>>) target_semaphore(%run_scoped3A_24 : memref<!tpu.dma_semaphore, #tpu.memory_space<semaphore_mem>>)
      %dma_wait3A_27 = arith.constant 0 : i32
      %dma_wait3A_28 = tpu.memref_slice %arg6[%mul3A_0, %dma_wait3A_27] : memref<10112x128xf32, #tpu.memory_space<vmem_shared>> -> memref<632x128xf32, #tpu.memory_space<vmem_shared>>
      tpu.wait_dma2 semaphore(%run_scoped3A_24 : memref<!tpu.dma_semaphore, #tpu.memory_space<semaphore_mem>>) src(%arg3 : memref<632x128xf32, #tpu.memory_space<hbm>>) dst(%dma_wait3A_28 : memref<632x128xf32, #tpu.memory_space<vmem_shared>>)
      tpu.yield
    }) : () -> ()
    "tpu.region"() ({
      %run_scoped3A_24 = tpu.sem_alloc : memref<!tpu.dma_semaphore, #tpu.memory_space<semaphore_mem>>
      tpu.enqueue_dma source(%arg4 : memref<128x128xf32, #tpu.memory_space<hbm>>) target(%arg9 : memref<128x128xf32, #tpu.memory_space<vmem>>) target_semaphore(%run_scoped3A_24 : memref<!tpu.dma_semaphore, #tpu.memory_space<semaphore_mem>>)
      tpu.wait_dma2 semaphore(%run_scoped3A_24 : memref<!tpu.dma_semaphore, #tpu.memory_space<semaphore_mem>>) src(%arg4 : memref<128x128xf32, #tpu.memory_space<hbm>>) dst(%arg9 : memref<128x128xf32, #tpu.memory_space<vmem>>)
      tpu.yield
    }) : () -> ()
    %barrier3A = arith.constant 0 : index
    tpu.barrier barrier_id(%barrier3A)
    %run_scoped3A = arith.constant 0 : i32
    "tpu.region"() ({
      %run_scoped3A_24 = tpu.sem_alloc : memref<!tpu.dma_semaphore, #tpu.memory_space<semaphore_mem>>
      %dma_start3A_25 = arith.constant 0 : i32
      %dma_start3A_26 = tpu.memref_slice %arg2[%arg0, %arg1, %run_scoped3A, %dma_start3A_25] : memref<2x16x38x128xi32, #tpu.memory_space<hbm>> -> memref<1x1x1x128xi32, #tpu.memory_space<hbm>>
      %dma_start3A_27 = tpu.memref_squeeze %dma_start3A_26 : memref<1x1x1x128xi32, #tpu.memory_space<hbm>> -> memref<128xi32, #tpu.memory_space<hbm>>
      %dma_start3A_28 = arith.constant 0 : i32
      %dma_start3A_29 = tpu.memref_slice %arg2[%arg0, %arg1, %run_scoped3A, %dma_start3A_28] : memref<2x16x38x128xi32, #tpu.memory_space<hbm>> -> memref<1x1x1x128xi32, #tpu.memory_space<hbm>>
      %dma_start3A_30 = tpu.memref_squeeze %dma_start3A_29 : memref<1x1x1x128xi32, #tpu.memory_space<hbm>> -> memref<128xi32, #tpu.memory_space<hbm>>
      tpu.enqueue_dma source(%dma_start3A_30 : memref<128xi32, #tpu.memory_space<hbm>>) target(%arg7 : memref<128xi32, #tpu.memory_space<vmem>>) target_semaphore(%run_scoped3A_24 : memref<!tpu.dma_semaphore, #tpu.memory_space<semaphore_mem>>)
      %dma_wait3A_31 = arith.constant 0 : i32
      %dma_wait3A_32 = tpu.memref_slice %arg2[%arg0, %arg1, %run_scoped3A, %dma_wait3A_31] : memref<2x16x38x128xi32, #tpu.memory_space<hbm>> -> memref<1x1x1x128xi32, #tpu.memory_space<hbm>>
      %dma_wait3A_33 = tpu.memref_squeeze %dma_wait3A_32 : memref<1x1x1x128xi32, #tpu.memory_space<hbm>> -> memref<128xi32, #tpu.memory_space<hbm>>
      %dma_wait3A_34 = arith.constant 0 : i32
      %dma_wait3A_35 = tpu.memref_slice %arg2[%arg0, %arg1, %run_scoped3A, %dma_wait3A_34] : memref<2x16x38x128xi32, #tpu.memory_space<hbm>> -> memref<1x1x1x128xi32, #tpu.memory_space<hbm>>
      %dma_wait3A_36 = tpu.memref_squeeze %dma_wait3A_35 : memref<1x1x1x128xi32, #tpu.memory_space<hbm>> -> memref<128xi32, #tpu.memory_space<hbm>>
      tpu.wait_dma2 semaphore(%run_scoped3A_24 : memref<!tpu.dma_semaphore, #tpu.memory_space<semaphore_mem>>) src(%dma_wait3A_36 : memref<128xi32, #tpu.memory_space<hbm>>) dst(%arg7 : memref<128xi32, #tpu.memory_space<vmem>>)
      tpu.yield
    }) : () -> ()
    %dma_start3A = arith.constant 0 : i32
    %dma_start3A_1 = arith.constant 0 : i32
    %dma_start3A_2 = tpu.memref_slice %arg6[%dma_start3A, %dma_start3A_1] : memref<10112x128xf32, #tpu.memory_space<vmem_shared>> -> memref<10112x128xf32, #tpu.memory_space<vmem_shared>>
    tpu.enqueue_indirect_dma source(%arg9 : memref<128x128xf32, #tpu.memory_space<vmem>>) target(%dma_start3A_2 : memref<10112x128xf32, #tpu.memory_space<vmem_shared>>) offsets(%arg7 : memref<128xi32, #tpu.memory_space<vmem>>) semaphore(%arg10 : memref<!tpu.dma_semaphore, #tpu.memory_space<semaphore_mem>>) {add = true}
    %run_scoped3A_3 = arith.constant 1 : i32
    "tpu.region"() ({
      %run_scoped3A_24 = tpu.sem_alloc : memref<!tpu.dma_semaphore, #tpu.memory_space<semaphore_mem>>
      %dma_start3A_25 = arith.constant 0 : i32
      %dma_start3A_26 = tpu.memref_slice %arg2[%arg0, %arg1, %run_scoped3A_3, %dma_start3A_25] : memref<2x16x38x128xi32, #tpu.memory_space<hbm>> -> memref<1x1x1x128xi32, #tpu.memory_space<hbm>>
      %dma_start3A_27 = tpu.memref_squeeze %dma_start3A_26 : memref<1x1x1x128xi32, #tpu.memory_space<hbm>> -> memref<128xi32, #tpu.memory_space<hbm>>
      %dma_start3A_28 = arith.constant 0 : i32
      %dma_start3A_29 = tpu.memref_slice %arg2[%arg0, %arg1, %run_scoped3A_3, %dma_start3A_28] : memref<2x16x38x128xi32, #tpu.memory_space<hbm>> -> memref<1x1x1x128xi32, #tpu.memory_space<hbm>>
      %dma_start3A_30 = tpu.memref_squeeze %dma_start3A_29 : memref<1x1x1x128xi32, #tpu.memory_space<hbm>> -> memref<128xi32, #tpu.memory_space<hbm>>
      tpu.enqueue_dma source(%dma_start3A_30 : memref<128xi32, #tpu.memory_space<hbm>>) target(%arg8 : memref<128xi32, #tpu.memory_space<vmem>>) target_semaphore(%run_scoped3A_24 : memref<!tpu.dma_semaphore, #tpu.memory_space<semaphore_mem>>)
      %dma_wait3A_31 = arith.constant 0 : i32
      %dma_wait3A_32 = tpu.memref_slice %arg2[%arg0, %arg1, %run_scoped3A_3, %dma_wait3A_31] : memref<2x16x38x128xi32, #tpu.memory_space<hbm>> -> memref<1x1x1x128xi32, #tpu.memory_space<hbm>>
      %dma_wait3A_33 = tpu.memref_squeeze %dma_wait3A_32 : memref<1x1x1x128xi32, #tpu.memory_space<hbm>> -> memref<128xi32, #tpu.memory_space<hbm>>
      %dma_wait3A_34 = arith.constant 0 : i32
      %dma_wait3A_35 = tpu.memref_slice %arg2[%arg0, %arg1, %run_scoped3A_3, %dma_wait3A_34] : memref<2x16x38x128xi32, #tpu.memory_space<hbm>> -> memref<1x1x1x128xi32, #tpu.memory_space<hbm>>
      %dma_wait3A_36 = tpu.memref_squeeze %dma_wait3A_35 : memref<1x1x1x128xi32, #tpu.memory_space<hbm>> -> memref<128xi32, #tpu.memory_space<hbm>>
      tpu.wait_dma2 semaphore(%run_scoped3A_24 : memref<!tpu.dma_semaphore, #tpu.memory_space<semaphore_mem>>) src(%dma_wait3A_36 : memref<128xi32, #tpu.memory_space<hbm>>) dst(%arg8 : memref<128xi32, #tpu.memory_space<vmem>>)
      tpu.yield
    }) : () -> ()
    %scan3A = arith.constant 0 : i32
    %scan3A_4 = arith.constant 0 : i32
    %scan3A_5 = arith.constant 18 : i32
    %scan3A_6 = arith.addi %scan3A_4, %scan3A_5 : i32
    %scan3A_7 = arith.constant 1 : i32
    scf.for %scan3A_24 = %scan3A_4 to %scan3A_6 step %scan3A_7  : i32 {
      %mul3A_25 = arith.constant 2 : i32
      %mul3A_26 = arith.muli %mul3A_25, %scan3A_24 : i32
      %dma_start3A_27 = arith.constant 0 : i32
      %dma_start3A_28 = arith.constant 0 : i32
      %dma_start3A_29 = tpu.memref_slice %arg6[%dma_start3A_27, %dma_start3A_28] : memref<10112x128xf32, #tpu.memory_space<vmem_shared>> -> memref<10112x128xf32, #tpu.memory_space<vmem_shared>>
      tpu.enqueue_indirect_dma source(%arg9 : memref<128x128xf32, #tpu.memory_space<vmem>>) target(%dma_start3A_29 : memref<10112x128xf32, #tpu.memory_space<vmem_shared>>) offsets(%arg8 : memref<128xi32, #tpu.memory_space<vmem>>) semaphore(%arg11 : memref<!tpu.dma_semaphore, #tpu.memory_space<semaphore_mem>>) {add = true}
      %dma_wait3A_30 = arith.constant 0 : i32
      %dma_wait3A_31 = arith.constant 0 : i32
      %dma_wait3A_32 = tpu.memref_slice %arg6[%dma_wait3A_30, %dma_wait3A_31] : memref<10112x128xf32, #tpu.memory_space<vmem_shared>> -> memref<10112x128xf32, #tpu.memory_space<vmem_shared>>
      tpu.wait_indirect_dma semaphore(%arg10 : memref<!tpu.dma_semaphore, #tpu.memory_space<semaphore_mem>>) src(%arg9 : memref<128x128xf32, #tpu.memory_space<vmem>>) dst(%dma_wait3A_32 : memref<10112x128xf32, #tpu.memory_space<vmem_shared>>)
      %add3A_33 = arith.constant 2 : i32
      %add3A_34 = arith.addi %mul3A_26, %add3A_33 : i32
      "tpu.region"() ({
        %run_scoped3A_43 = tpu.sem_alloc : memref<!tpu.dma_semaphore, #tpu.memory_space<semaphore_mem>>
        %dma_start3A_44 = arith.constant 0 : i32
        %dma_start3A_45 = tpu.memref_slice %arg2[%arg0, %arg1, %add3A_34, %dma_start3A_44] : memref<2x16x38x128xi32, #tpu.memory_space<hbm>> -> memref<1x1x1x128xi32, #tpu.memory_space<hbm>>
        %dma_start3A_46 = tpu.memref_squeeze %dma_start3A_45 : memref<1x1x1x128xi32, #tpu.memory_space<hbm>> -> memref<128xi32, #tpu.memory_space<hbm>>
        %dma_start3A_47 = arith.constant 0 : i32
        %dma_start3A_48 = tpu.memref_slice %arg2[%arg0, %arg1, %add3A_34, %dma_start3A_47] : memref<2x16x38x128xi32, #tpu.memory_space<hbm>> -> memref<1x1x1x128xi32, #tpu.memory_space<hbm>>
        %dma_start3A_49 = tpu.memref_squeeze %dma_start3A_48 : memref<1x1x1x128xi32, #tpu.memory_space<hbm>> -> memref<128xi32, #tpu.memory_space<hbm>>
        tpu.enqueue_dma source(%dma_start3A_49 : memref<128xi32, #tpu.memory_space<hbm>>) target(%arg7 : memref<128xi32, #tpu.memory_space<vmem>>) target_semaphore(%run_scoped3A_43 : memref<!tpu.dma_semaphore, #tpu.memory_space<semaphore_mem>>)
        %dma_wait3A_50 = arith.constant 0 : i32
        %dma_wait3A_51 = tpu.memref_slice %arg2[%arg0, %arg1, %add3A_34, %dma_wait3A_50] : memref<2x16x38x128xi32, #tpu.memory_space<hbm>> -> memref<1x1x1x128xi32, #tpu.memory_space<hbm>>
        %dma_wait3A_52 = tpu.memref_squeeze %dma_wait3A_51 : memref<1x1x1x128xi32, #tpu.memory_space<hbm>> -> memref<128xi32, #tpu.memory_space<hbm>>
        %dma_wait3A_53 = arith.constant 0 : i32
        %dma_wait3A_54 = tpu.memref_slice %arg2[%arg0, %arg1, %add3A_34, %dma_wait3A_53] : memref<2x16x38x128xi32, #tpu.memory_space<hbm>> -> memref<1x1x1x128xi32, #tpu.memory_space<hbm>>
        %dma_wait3A_55 = tpu.memref_squeeze %dma_wait3A_54 : memref<1x1x1x128xi32, #tpu.memory_space<hbm>> -> memref<128xi32, #tpu.memory_space<hbm>>
        tpu.wait_dma2 semaphore(%run_scoped3A_43 : memref<!tpu.dma_semaphore, #tpu.memory_space<semaphore_mem>>) src(%dma_wait3A_55 : memref<128xi32, #tpu.memory_space<hbm>>) dst(%arg7 : memref<128xi32, #tpu.memory_space<vmem>>)
        tpu.yield
      }) : () -> ()
      %dma_start3A_35 = arith.constant 0 : i32
      %dma_start3A_36 = arith.constant 0 : i32
      %dma_start3A_37 = tpu.memref_slice %arg6[%dma_start3A_35, %dma_start3A_36] : memref<10112x128xf32, #tpu.memory_space<vmem_shared>> -> memref<10112x128xf32, #tpu.memory_space<vmem_shared>>
      tpu.enqueue_indirect_dma source(%arg9 : memref<128x128xf32, #tpu.memory_space<vmem>>) target(%dma_start3A_37 : memref<10112x128xf32, #tpu.memory_space<vmem_shared>>) offsets(%arg7 : memref<128xi32, #tpu.memory_space<vmem>>) semaphore(%arg10 : memref<!tpu.dma_semaphore, #tpu.memory_space<semaphore_mem>>) {add = true}
      %dma_wait3A_38 = arith.constant 0 : i32
      %dma_wait3A_39 = arith.constant 0 : i32
      %dma_wait3A_40 = tpu.memref_slice %arg6[%dma_wait3A_38, %dma_wait3A_39] : memref<10112x128xf32, #tpu.memory_space<vmem_shared>> -> memref<10112x128xf32, #tpu.memory_space<vmem_shared>>
      tpu.wait_indirect_dma semaphore(%arg11 : memref<!tpu.dma_semaphore, #tpu.memory_space<semaphore_mem>>) src(%arg9 : memref<128x128xf32, #tpu.memory_space<vmem>>) dst(%dma_wait3A_40 : memref<10112x128xf32, #tpu.memory_space<vmem_shared>>)
      %add3A_41 = arith.constant 3 : i32
      %add3A_42 = arith.addi %mul3A_26, %add3A_41 : i32
      "tpu.region"() ({
        %run_scoped3A_43 = tpu.sem_alloc : memref<!tpu.dma_semaphore, #tpu.memory_space<semaphore_mem>>
        %dma_start3A_44 = arith.constant 0 : i32
        %dma_start3A_45 = tpu.memref_slice %arg2[%arg0, %arg1, %add3A_42, %dma_start3A_44] : memref<2x16x38x128xi32, #tpu.memory_space<hbm>> -> memref<1x1x1x128xi32, #tpu.memory_space<hbm>>
        %dma_start3A_46 = tpu.memref_squeeze %dma_start3A_45 : memref<1x1x1x128xi32, #tpu.memory_space<hbm>> -> memref<128xi32, #tpu.memory_space<hbm>>
        %dma_start3A_47 = arith.constant 0 : i32
        %dma_start3A_48 = tpu.memref_slice %arg2[%arg0, %arg1, %add3A_42, %dma_start3A_47] : memref<2x16x38x128xi32, #tpu.memory_space<hbm>> -> memref<1x1x1x128xi32, #tpu.memory_space<hbm>>
        %dma_start3A_49 = tpu.memref_squeeze %dma_start3A_48 : memref<1x1x1x128xi32, #tpu.memory_space<hbm>> -> memref<128xi32, #tpu.memory_space<hbm>>
        tpu.enqueue_dma source(%dma_start3A_49 : memref<128xi32, #tpu.memory_space<hbm>>) target(%arg8 : memref<128xi32, #tpu.memory_space<vmem>>) target_semaphore(%run_scoped3A_43 : memref<!tpu.dma_semaphore, #tpu.memory_space<semaphore_mem>>)
        %dma_wait3A_50 = arith.constant 0 : i32
        %dma_wait3A_51 = tpu.memref_slice %arg2[%arg0, %arg1, %add3A_42, %dma_wait3A_50] : memref<2x16x38x128xi32, #tpu.memory_space<hbm>> -> memref<1x1x1x128xi32, #tpu.memory_space<hbm>>
        %dma_wait3A_52 = tpu.memref_squeeze %dma_wait3A_51 : memref<1x1x1x128xi32, #tpu.memory_space<hbm>> -> memref<128xi32, #tpu.memory_space<hbm>>
        %dma_wait3A_53 = arith.constant 0 : i32
        %dma_wait3A_54 = tpu.memref_slice %arg2[%arg0, %arg1, %add3A_42, %dma_wait3A_53] : memref<2x16x38x128xi32, #tpu.memory_space<hbm>> -> memref<1x1x1x128xi32, #tpu.memory_space<hbm>>
        %dma_wait3A_55 = tpu.memref_squeeze %dma_wait3A_54 : memref<1x1x1x128xi32, #tpu.memory_space<hbm>> -> memref<128xi32, #tpu.memory_space<hbm>>
        tpu.wait_dma2 semaphore(%run_scoped3A_43 : memref<!tpu.dma_semaphore, #tpu.memory_space<semaphore_mem>>) src(%dma_wait3A_55 : memref<128xi32, #tpu.memory_space<hbm>>) dst(%arg8 : memref<128xi32, #tpu.memory_space<vmem>>)
        tpu.yield
      }) : () -> ()
    }
    %scan3A_8 = arith.constant 18 : i32
    %dma_start3A_9 = arith.constant 0 : i32
    %dma_start3A_10 = arith.constant 0 : i32
    %dma_start3A_11 = tpu.memref_slice %arg6[%dma_start3A_9, %dma_start3A_10] : memref<10112x128xf32, #tpu.memory_space<vmem_shared>> -> memref<10112x128xf32, #tpu.memory_space<vmem_shared>>
    tpu.enqueue_indirect_dma source(%arg9 : memref<128x128xf32, #tpu.memory_space<vmem>>) target(%dma_start3A_11 : memref<10112x128xf32, #tpu.memory_space<vmem_shared>>) offsets(%arg8 : memref<128xi32, #tpu.memory_space<vmem>>) semaphore(%arg11 : memref<!tpu.dma_semaphore, #tpu.memory_space<semaphore_mem>>) {add = true}
    %dma_wait3A = arith.constant 0 : i32
    %dma_wait3A_12 = arith.constant 0 : i32
    %dma_wait3A_13 = tpu.memref_slice %arg6[%dma_wait3A, %dma_wait3A_12] : memref<10112x128xf32, #tpu.memory_space<vmem_shared>> -> memref<10112x128xf32, #tpu.memory_space<vmem_shared>>
    tpu.wait_indirect_dma semaphore(%arg10 : memref<!tpu.dma_semaphore, #tpu.memory_space<semaphore_mem>>) src(%arg9 : memref<128x128xf32, #tpu.memory_space<vmem>>) dst(%dma_wait3A_13 : memref<10112x128xf32, #tpu.memory_space<vmem_shared>>)
    %dma_wait3A_14 = arith.constant 0 : i32
    %dma_wait3A_15 = arith.constant 0 : i32
    %dma_wait3A_16 = tpu.memref_slice %arg6[%dma_wait3A_14, %dma_wait3A_15] : memref<10112x128xf32, #tpu.memory_space<vmem_shared>> -> memref<10112x128xf32, #tpu.memory_space<vmem_shared>>
    tpu.wait_indirect_dma semaphore(%arg11 : memref<!tpu.dma_semaphore, #tpu.memory_space<semaphore_mem>>) src(%arg9 : memref<128x128xf32, #tpu.memory_space<vmem>>) dst(%dma_wait3A_16 : memref<10112x128xf32, #tpu.memory_space<vmem_shared>>)
    %barrier3A_17 = arith.constant 0 : index
    tpu.barrier barrier_id(%barrier3A_17)
    %mul3A_18 = arith.constant 632 : i32
    %mul3A_19 = arith.muli %arg1, %mul3A_18 : i32
    %mul3A_20 = arith.constant 10112 : i32
    %mul3A_21 = arith.muli %arg0, %mul3A_20 : i32
    %mul3A_22 = arith.constant 632 : i32
    %mul3A_23 = arith.muli %arg1, %mul3A_22 : i32
    %add3A = arith.addi %mul3A_21, %mul3A_23 : i32
    "tpu.region"() ({
      %run_scoped3A_24 = tpu.sem_alloc : memref<!tpu.dma_semaphore, #tpu.memory_space<semaphore_mem>>
      %dma_start3A_25 = arith.constant 0 : i32
      %dma_start3A_26 = tpu.memref_slice %arg5[%add3A, %dma_start3A_25] : memref<20224x128xf32, #tpu.memory_space<hbm>> -> memref<632x128xf32, #tpu.memory_space<hbm>>
      %dma_start3A_27 = arith.constant 0 : i32
      %dma_start3A_28 = tpu.memref_slice %arg6[%mul3A_19, %dma_start3A_27] : memref<10112x128xf32, #tpu.memory_space<vmem_shared>> -> memref<632x128xf32, #tpu.memory_space<vmem_shared>>
      tpu.enqueue_dma source(%dma_start3A_28 : memref<632x128xf32, #tpu.memory_space<vmem_shared>>) target(%dma_start3A_26 : memref<632x128xf32, #tpu.memory_space<hbm>>) target_semaphore(%run_scoped3A_24 : memref<!tpu.dma_semaphore, #tpu.memory_space<semaphore_mem>>)
      %dma_wait3A_29 = arith.constant 0 : i32
      %dma_wait3A_30 = tpu.memref_slice %arg5[%add3A, %dma_wait3A_29] : memref<20224x128xf32, #tpu.memory_space<hbm>> -> memref<632x128xf32, #tpu.memory_space<hbm>>
      %dma_wait3A_31 = arith.constant 0 : i32
      %dma_wait3A_32 = tpu.memref_slice %arg6[%mul3A_19, %dma_wait3A_31] : memref<10112x128xf32, #tpu.memory_space<vmem_shared>> -> memref<632x128xf32, #tpu.memory_space<vmem_shared>>
      tpu.wait_dma2 semaphore(%run_scoped3A_24 : memref<!tpu.dma_semaphore, #tpu.memory_space<semaphore_mem>>) src(%dma_wait3A_32 : memref<632x128xf32, #tpu.memory_space<vmem_shared>>) dst(%dma_wait3A_30 : memref<632x128xf32, #tpu.memory_space<hbm>>)
      tpu.yield
    }) : () -> ()
    return
  }
}

#map = affine_map<(d0, d1) -> (0, 0)>
#map1 = affine_map<(d0, d1) -> (0, 0, 0, 0)>
#map2 = affine_map<(d0, d1) -> (0, 0, 0)>
module attributes {stable_mosaic.version = 14 : i64} {
  func.func @body(%arg0: i32, %arg1: i32, %arg2: memref<20000x128xf32, #tpu.memory_space<hbm>>, %arg3: memref<2x16x74x128xi32, #tpu.memory_space<hbm>>, %arg4: memref<16x74x128xi32, #tpu.memory_space<hbm>>, %arg5: memref<632x128xf32, #tpu.memory_space<hbm>>, %arg6: memref<20224x128xf32, #tpu.memory_space<hbm>>, %arg7: memref<10112x128xf32, #tpu.memory_space<vmem_shared>>, %arg8: memref<128xi32, #tpu.memory_space<vmem>>, %arg9: memref<128xi32, #tpu.memory_space<vmem>>, %arg10: memref<128xi32, #tpu.memory_space<vmem>>, %arg11: memref<128xi32, #tpu.memory_space<vmem>>, %arg12: memref<128x128xf32, #tpu.memory_space<vmem>>, %arg13: memref<128x128xf32, #tpu.memory_space<vmem>>, %arg14: memref<!tpu.dma_semaphore, #tpu.memory_space<semaphore_mem>>) attributes {dimension_semantics = [#tpu.dimension_semantics<core_parallel>, #tpu.dimension_semantics<subcore_parallel>], iteration_bounds = array<i64: 2, 16>, scalar_prefetch = 0 : i64, scratch_operands = 8 : i64, tpu.core_type = #tpu.core_type<sc_vector_subcore>, window_params = [{transform_indices = #map}, {transform_indices = #map1}, {transform_indices = #map2}, {transform_indices = #map}, {transform_indices = #map}]} {
    %mul3A = arith.constant 632 : i32
    %mul3A_0 = arith.muli %arg1, %mul3A : i32
    "tpu.region"() ({
      %run_scoped3A_26 = tpu.sem_alloc : memref<!tpu.dma_semaphore, #tpu.memory_space<semaphore_mem>>
      %dma_start3A_27 = arith.constant 0 : i32
      %dma_start3A_28 = tpu.memref_slice %arg7[%mul3A_0, %dma_start3A_27] : memref<10112x128xf32, #tpu.memory_space<vmem_shared>> -> memref<632x128xf32, #tpu.memory_space<vmem_shared>>
      tpu.enqueue_dma source(%arg5 : memref<632x128xf32, #tpu.memory_space<hbm>>) target(%dma_start3A_28 : memref<632x128xf32, #tpu.memory_space<vmem_shared>>) target_semaphore(%run_scoped3A_26 : memref<!tpu.dma_semaphore, #tpu.memory_space<semaphore_mem>>)
      %dma_wait3A_29 = arith.constant 0 : i32
      %dma_wait3A_30 = tpu.memref_slice %arg7[%mul3A_0, %dma_wait3A_29] : memref<10112x128xf32, #tpu.memory_space<vmem_shared>> -> memref<632x128xf32, #tpu.memory_space<vmem_shared>>
      tpu.wait_dma2 semaphore(%run_scoped3A_26 : memref<!tpu.dma_semaphore, #tpu.memory_space<semaphore_mem>>) src(%arg5 : memref<632x128xf32, #tpu.memory_space<hbm>>) dst(%dma_wait3A_30 : memref<632x128xf32, #tpu.memory_space<vmem_shared>>)
      tpu.yield
    }) : () -> ()
    %barrier3A = arith.constant 0 : index
    tpu.barrier barrier_id(%barrier3A)
    %run_scoped3A = arith.constant 0 : i32
    "tpu.region"() ({
      %run_scoped3A_26 = tpu.sem_alloc : memref<!tpu.dma_semaphore, #tpu.memory_space<semaphore_mem>>
      %dma_start3A_27 = arith.constant 0 : i32
      %dma_start3A_28 = tpu.memref_slice %arg3[%arg0, %arg1, %run_scoped3A, %dma_start3A_27] : memref<2x16x74x128xi32, #tpu.memory_space<hbm>> -> memref<1x1x1x128xi32, #tpu.memory_space<hbm>>
      %dma_start3A_29 = tpu.memref_squeeze %dma_start3A_28 : memref<1x1x1x128xi32, #tpu.memory_space<hbm>> -> memref<128xi32, #tpu.memory_space<hbm>>
      %dma_start3A_30 = arith.constant 0 : i32
      %dma_start3A_31 = tpu.memref_slice %arg3[%arg0, %arg1, %run_scoped3A, %dma_start3A_30] : memref<2x16x74x128xi32, #tpu.memory_space<hbm>> -> memref<1x1x1x128xi32, #tpu.memory_space<hbm>>
      %dma_start3A_32 = tpu.memref_squeeze %dma_start3A_31 : memref<1x1x1x128xi32, #tpu.memory_space<hbm>> -> memref<128xi32, #tpu.memory_space<hbm>>
      tpu.enqueue_dma source(%dma_start3A_32 : memref<128xi32, #tpu.memory_space<hbm>>) target(%arg8 : memref<128xi32, #tpu.memory_space<vmem>>) target_semaphore(%run_scoped3A_26 : memref<!tpu.dma_semaphore, #tpu.memory_space<semaphore_mem>>)
      %dma_wait3A_33 = arith.constant 0 : i32
      %dma_wait3A_34 = tpu.memref_slice %arg3[%arg0, %arg1, %run_scoped3A, %dma_wait3A_33] : memref<2x16x74x128xi32, #tpu.memory_space<hbm>> -> memref<1x1x1x128xi32, #tpu.memory_space<hbm>>
      %dma_wait3A_35 = tpu.memref_squeeze %dma_wait3A_34 : memref<1x1x1x128xi32, #tpu.memory_space<hbm>> -> memref<128xi32, #tpu.memory_space<hbm>>
      %dma_wait3A_36 = arith.constant 0 : i32
      %dma_wait3A_37 = tpu.memref_slice %arg3[%arg0, %arg1, %run_scoped3A, %dma_wait3A_36] : memref<2x16x74x128xi32, #tpu.memory_space<hbm>> -> memref<1x1x1x128xi32, #tpu.memory_space<hbm>>
      %dma_wait3A_38 = tpu.memref_squeeze %dma_wait3A_37 : memref<1x1x1x128xi32, #tpu.memory_space<hbm>> -> memref<128xi32, #tpu.memory_space<hbm>>
      tpu.wait_dma2 semaphore(%run_scoped3A_26 : memref<!tpu.dma_semaphore, #tpu.memory_space<semaphore_mem>>) src(%dma_wait3A_38 : memref<128xi32, #tpu.memory_space<hbm>>) dst(%arg8 : memref<128xi32, #tpu.memory_space<vmem>>)
      tpu.yield
    }) : () -> ()
    %run_scoped3A_1 = arith.constant 0 : i32
    "tpu.region"() ({
      %run_scoped3A_26 = tpu.sem_alloc : memref<!tpu.dma_semaphore, #tpu.memory_space<semaphore_mem>>
      %dma_start3A_27 = arith.constant 0 : i32
      %dma_start3A_28 = tpu.memref_slice %arg4[%arg1, %run_scoped3A_1, %dma_start3A_27] : memref<16x74x128xi32, #tpu.memory_space<hbm>> -> memref<1x1x128xi32, #tpu.memory_space<hbm>>
      %dma_start3A_29 = tpu.memref_squeeze %dma_start3A_28 : memref<1x1x128xi32, #tpu.memory_space<hbm>> -> memref<128xi32, #tpu.memory_space<hbm>>
      %dma_start3A_30 = arith.constant 0 : i32
      %dma_start3A_31 = tpu.memref_slice %arg4[%arg1, %run_scoped3A_1, %dma_start3A_30] : memref<16x74x128xi32, #tpu.memory_space<hbm>> -> memref<1x1x128xi32, #tpu.memory_space<hbm>>
      %dma_start3A_32 = tpu.memref_squeeze %dma_start3A_31 : memref<1x1x128xi32, #tpu.memory_space<hbm>> -> memref<128xi32, #tpu.memory_space<hbm>>
      tpu.enqueue_dma source(%dma_start3A_32 : memref<128xi32, #tpu.memory_space<hbm>>) target(%arg9 : memref<128xi32, #tpu.memory_space<vmem>>) target_semaphore(%run_scoped3A_26 : memref<!tpu.dma_semaphore, #tpu.memory_space<semaphore_mem>>)
      %dma_wait3A_33 = arith.constant 0 : i32
      %dma_wait3A_34 = tpu.memref_slice %arg4[%arg1, %run_scoped3A_1, %dma_wait3A_33] : memref<16x74x128xi32, #tpu.memory_space<hbm>> -> memref<1x1x128xi32, #tpu.memory_space<hbm>>
      %dma_wait3A_35 = tpu.memref_squeeze %dma_wait3A_34 : memref<1x1x128xi32, #tpu.memory_space<hbm>> -> memref<128xi32, #tpu.memory_space<hbm>>
      %dma_wait3A_36 = arith.constant 0 : i32
      %dma_wait3A_37 = tpu.memref_slice %arg4[%arg1, %run_scoped3A_1, %dma_wait3A_36] : memref<16x74x128xi32, #tpu.memory_space<hbm>> -> memref<1x1x128xi32, #tpu.memory_space<hbm>>
      %dma_wait3A_38 = tpu.memref_squeeze %dma_wait3A_37 : memref<1x1x128xi32, #tpu.memory_space<hbm>> -> memref<128xi32, #tpu.memory_space<hbm>>
      tpu.wait_dma2 semaphore(%run_scoped3A_26 : memref<!tpu.dma_semaphore, #tpu.memory_space<semaphore_mem>>) src(%dma_wait3A_38 : memref<128xi32, #tpu.memory_space<hbm>>) dst(%arg9 : memref<128xi32, #tpu.memory_space<vmem>>)
      tpu.yield
    }) : () -> ()
    %dma_start3A = arith.constant 0 : i32
    %dma_start3A_2 = arith.constant 0 : i32
    %dma_start3A_3 = tpu.memref_slice %arg2[%dma_start3A, %dma_start3A_2] : memref<20000x128xf32, #tpu.memory_space<hbm>> -> memref<20000x128xf32, #tpu.memory_space<hbm>>
    tpu.enqueue_indirect_dma source(%dma_start3A_3 : memref<20000x128xf32, #tpu.memory_space<hbm>>) target(%arg12 : memref<128x128xf32, #tpu.memory_space<vmem>>) offsets(%arg8 : memref<128xi32, #tpu.memory_space<vmem>>) semaphore(%arg14 : memref<!tpu.dma_semaphore, #tpu.memory_space<semaphore_mem>>)
    %scan3A = arith.constant 0 : i32
    %scan3A_4 = arith.constant 0 : i32
    %scan3A_5 = arith.constant 36 : i32
    %scan3A_6 = arith.addi %scan3A_4, %scan3A_5 : i32
    %scan3A_7 = arith.constant 1 : i32
    scf.for %scan3A_26 = %scan3A_4 to %scan3A_6 step %scan3A_7  : i32 {
      %mul3A_27 = arith.constant 2 : i32
      %mul3A_28 = arith.muli %mul3A_27, %scan3A_26 : i32
      %add3A_29 = arith.constant 1 : i32
      %add3A_30 = arith.addi %mul3A_28, %add3A_29 : i32
      "tpu.region"() ({
        %run_scoped3A_49 = tpu.sem_alloc : memref<!tpu.dma_semaphore, #tpu.memory_space<semaphore_mem>>
        %dma_start3A_50 = arith.constant 0 : i32
        %dma_start3A_51 = tpu.memref_slice %arg3[%arg0, %arg1, %add3A_30, %dma_start3A_50] : memref<2x16x74x128xi32, #tpu.memory_space<hbm>> -> memref<1x1x1x128xi32, #tpu.memory_space<hbm>>
        %dma_start3A_52 = tpu.memref_squeeze %dma_start3A_51 : memref<1x1x1x128xi32, #tpu.memory_space<hbm>> -> memref<128xi32, #tpu.memory_space<hbm>>
        %dma_start3A_53 = arith.constant 0 : i32
        %dma_start3A_54 = tpu.memref_slice %arg3[%arg0, %arg1, %add3A_30, %dma_start3A_53] : memref<2x16x74x128xi32, #tpu.memory_space<hbm>> -> memref<1x1x1x128xi32, #tpu.memory_space<hbm>>
        %dma_start3A_55 = tpu.memref_squeeze %dma_start3A_54 : memref<1x1x1x128xi32, #tpu.memory_space<hbm>> -> memref<128xi32, #tpu.memory_space<hbm>>
        tpu.enqueue_dma source(%dma_start3A_55 : memref<128xi32, #tpu.memory_space<hbm>>) target(%arg10 : memref<128xi32, #tpu.memory_space<vmem>>) target_semaphore(%run_scoped3A_49 : memref<!tpu.dma_semaphore, #tpu.memory_space<semaphore_mem>>)
        %dma_wait3A_56 = arith.constant 0 : i32
        %dma_wait3A_57 = tpu.memref_slice %arg3[%arg0, %arg1, %add3A_30, %dma_wait3A_56] : memref<2x16x74x128xi32, #tpu.memory_space<hbm>> -> memref<1x1x1x128xi32, #tpu.memory_space<hbm>>
        %dma_wait3A_58 = tpu.memref_squeeze %dma_wait3A_57 : memref<1x1x1x128xi32, #tpu.memory_space<hbm>> -> memref<128xi32, #tpu.memory_space<hbm>>
        %dma_wait3A_59 = arith.constant 0 : i32
        %dma_wait3A_60 = tpu.memref_slice %arg3[%arg0, %arg1, %add3A_30, %dma_wait3A_59] : memref<2x16x74x128xi32, #tpu.memory_space<hbm>> -> memref<1x1x1x128xi32, #tpu.memory_space<hbm>>
        %dma_wait3A_61 = tpu.memref_squeeze %dma_wait3A_60 : memref<1x1x1x128xi32, #tpu.memory_space<hbm>> -> memref<128xi32, #tpu.memory_space<hbm>>
        tpu.wait_dma2 semaphore(%run_scoped3A_49 : memref<!tpu.dma_semaphore, #tpu.memory_space<semaphore_mem>>) src(%dma_wait3A_61 : memref<128xi32, #tpu.memory_space<hbm>>) dst(%arg10 : memref<128xi32, #tpu.memory_space<vmem>>)
        tpu.yield
      }) : () -> ()
      %add3A_31 = arith.constant 1 : i32
      %add3A_32 = arith.addi %mul3A_28, %add3A_31 : i32
      "tpu.region"() ({
        %run_scoped3A_49 = tpu.sem_alloc : memref<!tpu.dma_semaphore, #tpu.memory_space<semaphore_mem>>
        %dma_start3A_50 = arith.constant 0 : i32
        %dma_start3A_51 = tpu.memref_slice %arg4[%arg1, %add3A_32, %dma_start3A_50] : memref<16x74x128xi32, #tpu.memory_space<hbm>> -> memref<1x1x128xi32, #tpu.memory_space<hbm>>
        %dma_start3A_52 = tpu.memref_squeeze %dma_start3A_51 : memref<1x1x128xi32, #tpu.memory_space<hbm>> -> memref<128xi32, #tpu.memory_space<hbm>>
        %dma_start3A_53 = arith.constant 0 : i32
        %dma_start3A_54 = tpu.memref_slice %arg4[%arg1, %add3A_32, %dma_start3A_53] : memref<16x74x128xi32, #tpu.memory_space<hbm>> -> memref<1x1x128xi32, #tpu.memory_space<hbm>>
        %dma_start3A_55 = tpu.memref_squeeze %dma_start3A_54 : memref<1x1x128xi32, #tpu.memory_space<hbm>> -> memref<128xi32, #tpu.memory_space<hbm>>
        tpu.enqueue_dma source(%dma_start3A_55 : memref<128xi32, #tpu.memory_space<hbm>>) target(%arg11 : memref<128xi32, #tpu.memory_space<vmem>>) target_semaphore(%run_scoped3A_49 : memref<!tpu.dma_semaphore, #tpu.memory_space<semaphore_mem>>)
        %dma_wait3A_56 = arith.constant 0 : i32
        %dma_wait3A_57 = tpu.memref_slice %arg4[%arg1, %add3A_32, %dma_wait3A_56] : memref<16x74x128xi32, #tpu.memory_space<hbm>> -> memref<1x1x128xi32, #tpu.memory_space<hbm>>
        %dma_wait3A_58 = tpu.memref_squeeze %dma_wait3A_57 : memref<1x1x128xi32, #tpu.memory_space<hbm>> -> memref<128xi32, #tpu.memory_space<hbm>>
        %dma_wait3A_59 = arith.constant 0 : i32
        %dma_wait3A_60 = tpu.memref_slice %arg4[%arg1, %add3A_32, %dma_wait3A_59] : memref<16x74x128xi32, #tpu.memory_space<hbm>> -> memref<1x1x128xi32, #tpu.memory_space<hbm>>
        %dma_wait3A_61 = tpu.memref_squeeze %dma_wait3A_60 : memref<1x1x128xi32, #tpu.memory_space<hbm>> -> memref<128xi32, #tpu.memory_space<hbm>>
        tpu.wait_dma2 semaphore(%run_scoped3A_49 : memref<!tpu.dma_semaphore, #tpu.memory_space<semaphore_mem>>) src(%dma_wait3A_61 : memref<128xi32, #tpu.memory_space<hbm>>) dst(%arg11 : memref<128xi32, #tpu.memory_space<vmem>>)
        tpu.yield
      }) : () -> ()
      %dma_wait3A_33 = arith.constant 0 : i32
      %dma_wait3A_34 = arith.constant 0 : i32
      %dma_wait3A_35 = tpu.memref_slice %arg2[%dma_wait3A_33, %dma_wait3A_34] : memref<20000x128xf32, #tpu.memory_space<hbm>> -> memref<20000x128xf32, #tpu.memory_space<hbm>>
      tpu.wait_indirect_dma semaphore(%arg14 : memref<!tpu.dma_semaphore, #tpu.memory_space<semaphore_mem>>) src(%dma_wait3A_35 : memref<20000x128xf32, #tpu.memory_space<hbm>>) dst(%arg12 : memref<128x128xf32, #tpu.memory_space<vmem>>)
      %dma_start3A_36 = arith.constant 0 : i32
      %dma_start3A_37 = arith.constant 0 : i32
      %dma_start3A_38 = tpu.memref_slice %arg2[%dma_start3A_36, %dma_start3A_37] : memref<20000x128xf32, #tpu.memory_space<hbm>> -> memref<20000x128xf32, #tpu.memory_space<hbm>>
      tpu.enqueue_indirect_dma source(%dma_start3A_38 : memref<20000x128xf32, #tpu.memory_space<hbm>>) target(%arg13 : memref<128x128xf32, #tpu.memory_space<vmem>>) offsets(%arg10 : memref<128xi32, #tpu.memory_space<vmem>>) semaphore(%arg14 : memref<!tpu.dma_semaphore, #tpu.memory_space<semaphore_mem>>)
      "tpu.region"() ({
        %run_scoped3A_49 = tpu.sem_alloc : memref<!tpu.dma_semaphore, #tpu.memory_space<semaphore_mem>>
        %dma_start3A_50 = arith.constant 0 : i32
        %dma_start3A_51 = arith.constant 0 : i32
        %dma_start3A_52 = tpu.memref_slice %arg7[%dma_start3A_50, %dma_start3A_51] : memref<10112x128xf32, #tpu.memory_space<vmem_shared>> -> memref<10112x128xf32, #tpu.memory_space<vmem_shared>>
        tpu.enqueue_indirect_dma source(%arg12 : memref<128x128xf32, #tpu.memory_space<vmem>>) target(%dma_start3A_52 : memref<10112x128xf32, #tpu.memory_space<vmem_shared>>) offsets(%arg9 : memref<128xi32, #tpu.memory_space<vmem>>) semaphore(%run_scoped3A_49 : memref<!tpu.dma_semaphore, #tpu.memory_space<semaphore_mem>>) {add = true}
        %dma_wait3A_53 = arith.constant 0 : i32
        %dma_wait3A_54 = arith.constant 0 : i32
        %dma_wait3A_55 = tpu.memref_slice %arg7[%dma_wait3A_53, %dma_wait3A_54] : memref<10112x128xf32, #tpu.memory_space<vmem_shared>> -> memref<10112x128xf32, #tpu.memory_space<vmem_shared>>
        tpu.wait_indirect_dma semaphore(%run_scoped3A_49 : memref<!tpu.dma_semaphore, #tpu.memory_space<semaphore_mem>>) src(%arg12 : memref<128x128xf32, #tpu.memory_space<vmem>>) dst(%dma_wait3A_55 : memref<10112x128xf32, #tpu.memory_space<vmem_shared>>)
        tpu.yield
      }) : () -> ()
      %add3A_39 = arith.constant 2 : i32
      %add3A_40 = arith.addi %mul3A_28, %add3A_39 : i32
      "tpu.region"() ({
        %run_scoped3A_49 = tpu.sem_alloc : memref<!tpu.dma_semaphore, #tpu.memory_space<semaphore_mem>>
        %dma_start3A_50 = arith.constant 0 : i32
        %dma_start3A_51 = tpu.memref_slice %arg3[%arg0, %arg1, %add3A_40, %dma_start3A_50] : memref<2x16x74x128xi32, #tpu.memory_space<hbm>> -> memref<1x1x1x128xi32, #tpu.memory_space<hbm>>
        %dma_start3A_52 = tpu.memref_squeeze %dma_start3A_51 : memref<1x1x1x128xi32, #tpu.memory_space<hbm>> -> memref<128xi32, #tpu.memory_space<hbm>>
        %dma_start3A_53 = arith.constant 0 : i32
        %dma_start3A_54 = tpu.memref_slice %arg3[%arg0, %arg1, %add3A_40, %dma_start3A_53] : memref<2x16x74x128xi32, #tpu.memory_space<hbm>> -> memref<1x1x1x128xi32, #tpu.memory_space<hbm>>
        %dma_start3A_55 = tpu.memref_squeeze %dma_start3A_54 : memref<1x1x1x128xi32, #tpu.memory_space<hbm>> -> memref<128xi32, #tpu.memory_space<hbm>>
        tpu.enqueue_dma source(%dma_start3A_55 : memref<128xi32, #tpu.memory_space<hbm>>) target(%arg8 : memref<128xi32, #tpu.memory_space<vmem>>) target_semaphore(%run_scoped3A_49 : memref<!tpu.dma_semaphore, #tpu.memory_space<semaphore_mem>>)
        %dma_wait3A_56 = arith.constant 0 : i32
        %dma_wait3A_57 = tpu.memref_slice %arg3[%arg0, %arg1, %add3A_40, %dma_wait3A_56] : memref<2x16x74x128xi32, #tpu.memory_space<hbm>> -> memref<1x1x1x128xi32, #tpu.memory_space<hbm>>
        %dma_wait3A_58 = tpu.memref_squeeze %dma_wait3A_57 : memref<1x1x1x128xi32, #tpu.memory_space<hbm>> -> memref<128xi32, #tpu.memory_space<hbm>>
        %dma_wait3A_59 = arith.constant 0 : i32
        %dma_wait3A_60 = tpu.memref_slice %arg3[%arg0, %arg1, %add3A_40, %dma_wait3A_59] : memref<2x16x74x128xi32, #tpu.memory_space<hbm>> -> memref<1x1x1x128xi32, #tpu.memory_space<hbm>>
        %dma_wait3A_61 = tpu.memref_squeeze %dma_wait3A_60 : memref<1x1x1x128xi32, #tpu.memory_space<hbm>> -> memref<128xi32, #tpu.memory_space<hbm>>
        tpu.wait_dma2 semaphore(%run_scoped3A_49 : memref<!tpu.dma_semaphore, #tpu.memory_space<semaphore_mem>>) src(%dma_wait3A_61 : memref<128xi32, #tpu.memory_space<hbm>>) dst(%arg8 : memref<128xi32, #tpu.memory_space<vmem>>)
        tpu.yield
      }) : () -> ()
      %add3A_41 = arith.constant 2 : i32
      %add3A_42 = arith.addi %mul3A_28, %add3A_41 : i32
      "tpu.region"() ({
        %run_scoped3A_49 = tpu.sem_alloc : memref<!tpu.dma_semaphore, #tpu.memory_space<semaphore_mem>>
        %dma_start3A_50 = arith.constant 0 : i32
        %dma_start3A_51 = tpu.memref_slice %arg4[%arg1, %add3A_42, %dma_start3A_50] : memref<16x74x128xi32, #tpu.memory_space<hbm>> -> memref<1x1x128xi32, #tpu.memory_space<hbm>>
        %dma_start3A_52 = tpu.memref_squeeze %dma_start3A_51 : memref<1x1x128xi32, #tpu.memory_space<hbm>> -> memref<128xi32, #tpu.memory_space<hbm>>
        %dma_start3A_53 = arith.constant 0 : i32
        %dma_start3A_54 = tpu.memref_slice %arg4[%arg1, %add3A_42, %dma_start3A_53] : memref<16x74x128xi32, #tpu.memory_space<hbm>> -> memref<1x1x128xi32, #tpu.memory_space<hbm>>
        %dma_start3A_55 = tpu.memref_squeeze %dma_start3A_54 : memref<1x1x128xi32, #tpu.memory_space<hbm>> -> memref<128xi32, #tpu.memory_space<hbm>>
        tpu.enqueue_dma source(%dma_start3A_55 : memref<128xi32, #tpu.memory_space<hbm>>) target(%arg9 : memref<128xi32, #tpu.memory_space<vmem>>) target_semaphore(%run_scoped3A_49 : memref<!tpu.dma_semaphore, #tpu.memory_space<semaphore_mem>>)
        %dma_wait3A_56 = arith.constant 0 : i32
        %dma_wait3A_57 = tpu.memref_slice %arg4[%arg1, %add3A_42, %dma_wait3A_56] : memref<16x74x128xi32, #tpu.memory_space<hbm>> -> memref<1x1x128xi32, #tpu.memory_space<hbm>>
        %dma_wait3A_58 = tpu.memref_squeeze %dma_wait3A_57 : memref<1x1x128xi32, #tpu.memory_space<hbm>> -> memref<128xi32, #tpu.memory_space<hbm>>
        %dma_wait3A_59 = arith.constant 0 : i32
        %dma_wait3A_60 = tpu.memref_slice %arg4[%arg1, %add3A_42, %dma_wait3A_59] : memref<16x74x128xi32, #tpu.memory_space<hbm>> -> memref<1x1x128xi32, #tpu.memory_space<hbm>>
        %dma_wait3A_61 = tpu.memref_squeeze %dma_wait3A_60 : memref<1x1x128xi32, #tpu.memory_space<hbm>> -> memref<128xi32, #tpu.memory_space<hbm>>
        tpu.wait_dma2 semaphore(%run_scoped3A_49 : memref<!tpu.dma_semaphore, #tpu.memory_space<semaphore_mem>>) src(%dma_wait3A_61 : memref<128xi32, #tpu.memory_space<hbm>>) dst(%arg9 : memref<128xi32, #tpu.memory_space<vmem>>)
        tpu.yield
      }) : () -> ()
      %dma_wait3A_43 = arith.constant 0 : i32
      %dma_wait3A_44 = arith.constant 0 : i32
      %dma_wait3A_45 = tpu.memref_slice %arg2[%dma_wait3A_43, %dma_wait3A_44] : memref<20000x128xf32, #tpu.memory_space<hbm>> -> memref<20000x128xf32, #tpu.memory_space<hbm>>
      tpu.wait_indirect_dma semaphore(%arg14 : memref<!tpu.dma_semaphore, #tpu.memory_space<semaphore_mem>>) src(%dma_wait3A_45 : memref<20000x128xf32, #tpu.memory_space<hbm>>) dst(%arg13 : memref<128x128xf32, #tpu.memory_space<vmem>>)
      %dma_start3A_46 = arith.constant 0 : i32
      %dma_start3A_47 = arith.constant 0 : i32
      %dma_start3A_48 = tpu.memref_slice %arg2[%dma_start3A_46, %dma_start3A_47] : memref<20000x128xf32, #tpu.memory_space<hbm>> -> memref<20000x128xf32, #tpu.memory_space<hbm>>
      tpu.enqueue_indirect_dma source(%dma_start3A_48 : memref<20000x128xf32, #tpu.memory_space<hbm>>) target(%arg12 : memref<128x128xf32, #tpu.memory_space<vmem>>) offsets(%arg8 : memref<128xi32, #tpu.memory_space<vmem>>) semaphore(%arg14 : memref<!tpu.dma_semaphore, #tpu.memory_space<semaphore_mem>>)
      "tpu.region"() ({
        %run_scoped3A_49 = tpu.sem_alloc : memref<!tpu.dma_semaphore, #tpu.memory_space<semaphore_mem>>
        %dma_start3A_50 = arith.constant 0 : i32
        %dma_start3A_51 = arith.constant 0 : i32
        %dma_start3A_52 = tpu.memref_slice %arg7[%dma_start3A_50, %dma_start3A_51] : memref<10112x128xf32, #tpu.memory_space<vmem_shared>> -> memref<10112x128xf32, #tpu.memory_space<vmem_shared>>
        tpu.enqueue_indirect_dma source(%arg13 : memref<128x128xf32, #tpu.memory_space<vmem>>) target(%dma_start3A_52 : memref<10112x128xf32, #tpu.memory_space<vmem_shared>>) offsets(%arg11 : memref<128xi32, #tpu.memory_space<vmem>>) semaphore(%run_scoped3A_49 : memref<!tpu.dma_semaphore, #tpu.memory_space<semaphore_mem>>) {add = true}
        %dma_wait3A_53 = arith.constant 0 : i32
        %dma_wait3A_54 = arith.constant 0 : i32
        %dma_wait3A_55 = tpu.memref_slice %arg7[%dma_wait3A_53, %dma_wait3A_54] : memref<10112x128xf32, #tpu.memory_space<vmem_shared>> -> memref<10112x128xf32, #tpu.memory_space<vmem_shared>>
        tpu.wait_indirect_dma semaphore(%run_scoped3A_49 : memref<!tpu.dma_semaphore, #tpu.memory_space<semaphore_mem>>) src(%arg13 : memref<128x128xf32, #tpu.memory_space<vmem>>) dst(%dma_wait3A_55 : memref<10112x128xf32, #tpu.memory_space<vmem_shared>>)
        tpu.yield
      }) : () -> ()
    }
    %scan3A_8 = arith.constant 36 : i32
    %run_scoped3A_9 = arith.constant 73 : i32
    "tpu.region"() ({
      %run_scoped3A_26 = tpu.sem_alloc : memref<!tpu.dma_semaphore, #tpu.memory_space<semaphore_mem>>
      %dma_start3A_27 = arith.constant 0 : i32
      %dma_start3A_28 = tpu.memref_slice %arg3[%arg0, %arg1, %run_scoped3A_9, %dma_start3A_27] : memref<2x16x74x128xi32, #tpu.memory_space<hbm>> -> memref<1x1x1x128xi32, #tpu.memory_space<hbm>>
      %dma_start3A_29 = tpu.memref_squeeze %dma_start3A_28 : memref<1x1x1x128xi32, #tpu.memory_space<hbm>> -> memref<128xi32, #tpu.memory_space<hbm>>
      %dma_start3A_30 = arith.constant 0 : i32
      %dma_start3A_31 = tpu.memref_slice %arg3[%arg0, %arg1, %run_scoped3A_9, %dma_start3A_30] : memref<2x16x74x128xi32, #tpu.memory_space<hbm>> -> memref<1x1x1x128xi32, #tpu.memory_space<hbm>>
      %dma_start3A_32 = tpu.memref_squeeze %dma_start3A_31 : memref<1x1x1x128xi32, #tpu.memory_space<hbm>> -> memref<128xi32, #tpu.memory_space<hbm>>
      tpu.enqueue_dma source(%dma_start3A_32 : memref<128xi32, #tpu.memory_space<hbm>>) target(%arg10 : memref<128xi32, #tpu.memory_space<vmem>>) target_semaphore(%run_scoped3A_26 : memref<!tpu.dma_semaphore, #tpu.memory_space<semaphore_mem>>)
      %dma_wait3A_33 = arith.constant 0 : i32
      %dma_wait3A_34 = tpu.memref_slice %arg3[%arg0, %arg1, %run_scoped3A_9, %dma_wait3A_33] : memref<2x16x74x128xi32, #tpu.memory_space<hbm>> -> memref<1x1x1x128xi32, #tpu.memory_space<hbm>>
      %dma_wait3A_35 = tpu.memref_squeeze %dma_wait3A_34 : memref<1x1x1x128xi32, #tpu.memory_space<hbm>> -> memref<128xi32, #tpu.memory_space<hbm>>
      %dma_wait3A_36 = arith.constant 0 : i32
      %dma_wait3A_37 = tpu.memref_slice %arg3[%arg0, %arg1, %run_scoped3A_9, %dma_wait3A_36] : memref<2x16x74x128xi32, #tpu.memory_space<hbm>> -> memref<1x1x1x128xi32, #tpu.memory_space<hbm>>
      %dma_wait3A_38 = tpu.memref_squeeze %dma_wait3A_37 : memref<1x1x1x128xi32, #tpu.memory_space<hbm>> -> memref<128xi32, #tpu.memory_space<hbm>>
      tpu.wait_dma2 semaphore(%run_scoped3A_26 : memref<!tpu.dma_semaphore, #tpu.memory_space<semaphore_mem>>) src(%dma_wait3A_38 : memref<128xi32, #tpu.memory_space<hbm>>) dst(%arg10 : memref<128xi32, #tpu.memory_space<vmem>>)
      tpu.yield
    }) : () -> ()
    %run_scoped3A_10 = arith.constant 73 : i32
    "tpu.region"() ({
      %run_scoped3A_26 = tpu.sem_alloc : memref<!tpu.dma_semaphore, #tpu.memory_space<semaphore_mem>>
      %dma_start3A_27 = arith.constant 0 : i32
      %dma_start3A_28 = tpu.memref_slice %arg4[%arg1, %run_scoped3A_10, %dma_start3A_27] : memref<16x74x128xi32, #tpu.memory_space<hbm>> -> memref<1x1x128xi32, #tpu.memory_space<hbm>>
      %dma_start3A_29 = tpu.memref_squeeze %dma_start3A_28 : memref<1x1x128xi32, #tpu.memory_space<hbm>> -> memref<128xi32, #tpu.memory_space<hbm>>
      %dma_start3A_30 = arith.constant 0 : i32
      %dma_start3A_31 = tpu.memref_slice %arg4[%arg1, %run_scoped3A_10, %dma_start3A_30] : memref<16x74x128xi32, #tpu.memory_space<hbm>> -> memref<1x1x128xi32, #tpu.memory_space<hbm>>
      %dma_start3A_32 = tpu.memref_squeeze %dma_start3A_31 : memref<1x1x128xi32, #tpu.memory_space<hbm>> -> memref<128xi32, #tpu.memory_space<hbm>>
      tpu.enqueue_dma source(%dma_start3A_32 : memref<128xi32, #tpu.memory_space<hbm>>) target(%arg11 : memref<128xi32, #tpu.memory_space<vmem>>) target_semaphore(%run_scoped3A_26 : memref<!tpu.dma_semaphore, #tpu.memory_space<semaphore_mem>>)
      %dma_wait3A_33 = arith.constant 0 : i32
      %dma_wait3A_34 = tpu.memref_slice %arg4[%arg1, %run_scoped3A_10, %dma_wait3A_33] : memref<16x74x128xi32, #tpu.memory_space<hbm>> -> memref<1x1x128xi32, #tpu.memory_space<hbm>>
      %dma_wait3A_35 = tpu.memref_squeeze %dma_wait3A_34 : memref<1x1x128xi32, #tpu.memory_space<hbm>> -> memref<128xi32, #tpu.memory_space<hbm>>
      %dma_wait3A_36 = arith.constant 0 : i32
      %dma_wait3A_37 = tpu.memref_slice %arg4[%arg1, %run_scoped3A_10, %dma_wait3A_36] : memref<16x74x128xi32, #tpu.memory_space<hbm>> -> memref<1x1x128xi32, #tpu.memory_space<hbm>>
      %dma_wait3A_38 = tpu.memref_squeeze %dma_wait3A_37 : memref<1x1x128xi32, #tpu.memory_space<hbm>> -> memref<128xi32, #tpu.memory_space<hbm>>
      tpu.wait_dma2 semaphore(%run_scoped3A_26 : memref<!tpu.dma_semaphore, #tpu.memory_space<semaphore_mem>>) src(%dma_wait3A_38 : memref<128xi32, #tpu.memory_space<hbm>>) dst(%arg11 : memref<128xi32, #tpu.memory_space<vmem>>)
      tpu.yield
    }) : () -> ()
    %dma_wait3A = arith.constant 0 : i32
    %dma_wait3A_11 = arith.constant 0 : i32
    %dma_wait3A_12 = tpu.memref_slice %arg2[%dma_wait3A, %dma_wait3A_11] : memref<20000x128xf32, #tpu.memory_space<hbm>> -> memref<20000x128xf32, #tpu.memory_space<hbm>>
    tpu.wait_indirect_dma semaphore(%arg14 : memref<!tpu.dma_semaphore, #tpu.memory_space<semaphore_mem>>) src(%dma_wait3A_12 : memref<20000x128xf32, #tpu.memory_space<hbm>>) dst(%arg12 : memref<128x128xf32, #tpu.memory_space<vmem>>)
    %dma_start3A_13 = arith.constant 0 : i32
    %dma_start3A_14 = arith.constant 0 : i32
    %dma_start3A_15 = tpu.memref_slice %arg2[%dma_start3A_13, %dma_start3A_14] : memref<20000x128xf32, #tpu.memory_space<hbm>> -> memref<20000x128xf32, #tpu.memory_space<hbm>>
    tpu.enqueue_indirect_dma source(%dma_start3A_15 : memref<20000x128xf32, #tpu.memory_space<hbm>>) target(%arg13 : memref<128x128xf32, #tpu.memory_space<vmem>>) offsets(%arg10 : memref<128xi32, #tpu.memory_space<vmem>>) semaphore(%arg14 : memref<!tpu.dma_semaphore, #tpu.memory_space<semaphore_mem>>)
    "tpu.region"() ({
      %run_scoped3A_26 = tpu.sem_alloc : memref<!tpu.dma_semaphore, #tpu.memory_space<semaphore_mem>>
      %dma_start3A_27 = arith.constant 0 : i32
      %dma_start3A_28 = arith.constant 0 : i32
      %dma_start3A_29 = tpu.memref_slice %arg7[%dma_start3A_27, %dma_start3A_28] : memref<10112x128xf32, #tpu.memory_space<vmem_shared>> -> memref<10112x128xf32, #tpu.memory_space<vmem_shared>>
      tpu.enqueue_indirect_dma source(%arg12 : memref<128x128xf32, #tpu.memory_space<vmem>>) target(%dma_start3A_29 : memref<10112x128xf32, #tpu.memory_space<vmem_shared>>) offsets(%arg9 : memref<128xi32, #tpu.memory_space<vmem>>) semaphore(%run_scoped3A_26 : memref<!tpu.dma_semaphore, #tpu.memory_space<semaphore_mem>>) {add = true}
      %dma_wait3A_30 = arith.constant 0 : i32
      %dma_wait3A_31 = arith.constant 0 : i32
      %dma_wait3A_32 = tpu.memref_slice %arg7[%dma_wait3A_30, %dma_wait3A_31] : memref<10112x128xf32, #tpu.memory_space<vmem_shared>> -> memref<10112x128xf32, #tpu.memory_space<vmem_shared>>
      tpu.wait_indirect_dma semaphore(%run_scoped3A_26 : memref<!tpu.dma_semaphore, #tpu.memory_space<semaphore_mem>>) src(%arg12 : memref<128x128xf32, #tpu.memory_space<vmem>>) dst(%dma_wait3A_32 : memref<10112x128xf32, #tpu.memory_space<vmem_shared>>)
      tpu.yield
    }) : () -> ()
    %dma_wait3A_16 = arith.constant 0 : i32
    %dma_wait3A_17 = arith.constant 0 : i32
    %dma_wait3A_18 = tpu.memref_slice %arg2[%dma_wait3A_16, %dma_wait3A_17] : memref<20000x128xf32, #tpu.memory_space<hbm>> -> memref<20000x128xf32, #tpu.memory_space<hbm>>
    tpu.wait_indirect_dma semaphore(%arg14 : memref<!tpu.dma_semaphore, #tpu.memory_space<semaphore_mem>>) src(%dma_wait3A_18 : memref<20000x128xf32, #tpu.memory_space<hbm>>) dst(%arg13 : memref<128x128xf32, #tpu.memory_space<vmem>>)
    "tpu.region"() ({
      %run_scoped3A_26 = tpu.sem_alloc : memref<!tpu.dma_semaphore, #tpu.memory_space<semaphore_mem>>
      %dma_start3A_27 = arith.constant 0 : i32
      %dma_start3A_28 = arith.constant 0 : i32
      %dma_start3A_29 = tpu.memref_slice %arg7[%dma_start3A_27, %dma_start3A_28] : memref<10112x128xf32, #tpu.memory_space<vmem_shared>> -> memref<10112x128xf32, #tpu.memory_space<vmem_shared>>
      tpu.enqueue_indirect_dma source(%arg13 : memref<128x128xf32, #tpu.memory_space<vmem>>) target(%dma_start3A_29 : memref<10112x128xf32, #tpu.memory_space<vmem_shared>>) offsets(%arg11 : memref<128xi32, #tpu.memory_space<vmem>>) semaphore(%run_scoped3A_26 : memref<!tpu.dma_semaphore, #tpu.memory_space<semaphore_mem>>) {add = true}
      %dma_wait3A_30 = arith.constant 0 : i32
      %dma_wait3A_31 = arith.constant 0 : i32
      %dma_wait3A_32 = tpu.memref_slice %arg7[%dma_wait3A_30, %dma_wait3A_31] : memref<10112x128xf32, #tpu.memory_space<vmem_shared>> -> memref<10112x128xf32, #tpu.memory_space<vmem_shared>>
      tpu.wait_indirect_dma semaphore(%run_scoped3A_26 : memref<!tpu.dma_semaphore, #tpu.memory_space<semaphore_mem>>) src(%arg13 : memref<128x128xf32, #tpu.memory_space<vmem>>) dst(%dma_wait3A_32 : memref<10112x128xf32, #tpu.memory_space<vmem_shared>>)
      tpu.yield
    }) : () -> ()
    %barrier3A_19 = arith.constant 0 : index
    tpu.barrier barrier_id(%barrier3A_19)
    %mul3A_20 = arith.constant 632 : i32
    %mul3A_21 = arith.muli %arg1, %mul3A_20 : i32
    %mul3A_22 = arith.constant 10112 : i32
    %mul3A_23 = arith.muli %arg0, %mul3A_22 : i32
    %mul3A_24 = arith.constant 632 : i32
    %mul3A_25 = arith.muli %arg1, %mul3A_24 : i32
    %add3A = arith.addi %mul3A_23, %mul3A_25 : i32
    "tpu.region"() ({
      %run_scoped3A_26 = tpu.sem_alloc : memref<!tpu.dma_semaphore, #tpu.memory_space<semaphore_mem>>
      %dma_start3A_27 = arith.constant 0 : i32
      %dma_start3A_28 = tpu.memref_slice %arg6[%add3A, %dma_start3A_27] : memref<20224x128xf32, #tpu.memory_space<hbm>> -> memref<632x128xf32, #tpu.memory_space<hbm>>
      %dma_start3A_29 = arith.constant 0 : i32
      %dma_start3A_30 = tpu.memref_slice %arg7[%mul3A_21, %dma_start3A_29] : memref<10112x128xf32, #tpu.memory_space<vmem_shared>> -> memref<632x128xf32, #tpu.memory_space<vmem_shared>>
      tpu.enqueue_dma source(%dma_start3A_30 : memref<632x128xf32, #tpu.memory_space<vmem_shared>>) target(%dma_start3A_28 : memref<632x128xf32, #tpu.memory_space<hbm>>) target_semaphore(%run_scoped3A_26 : memref<!tpu.dma_semaphore, #tpu.memory_space<semaphore_mem>>)
      %dma_wait3A_31 = arith.constant 0 : i32
      %dma_wait3A_32 = tpu.memref_slice %arg6[%add3A, %dma_wait3A_31] : memref<20224x128xf32, #tpu.memory_space<hbm>> -> memref<632x128xf32, #tpu.memory_space<hbm>>
      %dma_wait3A_33 = arith.constant 0 : i32
      %dma_wait3A_34 = tpu.memref_slice %arg7[%mul3A_21, %dma_wait3A_33] : memref<10112x128xf32, #tpu.memory_space<vmem_shared>> -> memref<632x128xf32, #tpu.memory_space<vmem_shared>>
      tpu.wait_dma2 semaphore(%run_scoped3A_26 : memref<!tpu.dma_semaphore, #tpu.memory_space<semaphore_mem>>) src(%dma_wait3A_34 : memref<632x128xf32, #tpu.memory_space<vmem_shared>>) dst(%dma_wait3A_32 : memref<632x128xf32, #tpu.memory_space<hbm>>)
      tpu.yield
    }) : () -> ()
    return
  }
}

module attributes {stable_mosaic.version = 14 : i64} {
  func.func @_tc1_body(%arg0: i32, %arg1: memref<1000x512xf32, #tpu.memory_space<vmem>>, %arg2: memref<1000x512xf32, #tpu.memory_space<vmem>>, %arg3: memref<1000x128xf32, #tpu.memory_space<vmem>>, %arg4: memref<1000x64xf32, #tpu.memory_space<vmem>>, %arg5: memref<512x256xf32, #tpu.memory_space<vmem>>, %arg6: memref<512x256xf32, #tpu.memory_space<vmem>>, %arg7: memref<1x256xf32, #tpu.memory_space<vmem>>, %arg8: memref<512x256xf32, #tpu.memory_space<vmem>>, %arg9: memref<128x256xf32, #tpu.memory_space<vmem>>, %arg10: memref<64x256xf32, #tpu.memory_space<vmem>>, %arg11: memref<1x256xf32, #tpu.memory_space<vmem>>, %arg12: memref<2x1000x128xf32, #tpu.memory_space<vmem>>, %arg13: memref<1000x256xf32, #tpu.memory_space<vmem>>, %arg14: memref<1000x256xf32, #tpu.memory_space<vmem>>) attributes {dimension_semantics = [#tpu.dimension_semantics<arbitrary>], iteration_bounds = array<i64: 10>, scalar_prefetch = 0 : i64, scratch_operands = 0 : i64, tpu.core_type = #tpu.core_type<tc>, window_params = [{transform_indices = @transform_0, window_bounds = array<i64: 1000, 512>}, {transform_indices = @transform_1, window_bounds = array<i64: 1000, 512>}, {transform_indices = @transform_2, window_bounds = array<i64: 1000, 128>}, {transform_indices = @transform_3, window_bounds = array<i64: 1000, 64>}, {pipeline_mode = #tpu.pipeline_mode<synchronous>, transform_indices = @transform_4, window_bounds = array<i64: 512, 256>}, {pipeline_mode = #tpu.pipeline_mode<synchronous>, transform_indices = @transform_5, window_bounds = array<i64: 512, 256>}, {pipeline_mode = #tpu.pipeline_mode<synchronous>, transform_indices = @transform_6, window_bounds = array<i64: 1, 256>}, {pipeline_mode = #tpu.pipeline_mode<synchronous>, transform_indices = @transform_7, window_bounds = array<i64: 512, 256>}, {pipeline_mode = #tpu.pipeline_mode<synchronous>, transform_indices = @transform_8, window_bounds = array<i64: 128, 256>}, {pipeline_mode = #tpu.pipeline_mode<synchronous>, transform_indices = @transform_9, window_bounds = array<i64: 64, 256>}, {pipeline_mode = #tpu.pipeline_mode<synchronous>, transform_indices = @transform_10, window_bounds = array<i64: 1, 256>}, {transform_indices = @transform_11, window_bounds = array<i64: 2, 1000, 128>}, {transform_indices = @transform_12, window_bounds = array<i64: 1000, 256>}, {transform_indices = @transform_13, window_bounds = array<i64: 1000, 256>}]} {
    %get3A = arith.constant 0 : index
    %get3A_0 = arith.constant 0 : index
    %get3A_1 = vector.load %arg1[%get3A, %get3A_0] : memref<1000x512xf32, #tpu.memory_space<vmem>>, vector<1000x512xf32>
    %get3A_2 = arith.constant 0 : index
    %get3A_3 = arith.constant 0 : index
    %get3A_4 = vector.load %arg5[%get3A_2, %get3A_3] : memref<512x256xf32, #tpu.memory_space<vmem>>, vector<512x256xf32>
    %dot_general3A = arith.constant dense<0.000000e+00> : vector<1000x256xf32>
    %dot_general3A_5 = tpu.matmul %get3A_1, %get3A_4, %dot_general3A {dimension_numbers = #tpu.dot_dimension_numbers<[1], [0], [0], [1], [0, 0, 1, 1], [], []>, transpose_lhs_hint = false} : vector<1000x512xf32>, vector<512x256xf32>, vector<1000x256xf32> -> vector<1000x256xf32>
    %slice3A = vector.extract_strided_slice %dot_general3A_5 {offsets = [0, 0], sizes = [1000, 128], strides = [1, 1]} : vector<1000x256xf32> to vector<1000x128xf32>
    %swap3A = arith.constant 0 : index
    %swap3A_6 = arith.constant 0 : index
    %swap3A_7 = arith.constant 0 : index
    %swap3A_8 = vector.load %arg12[%swap3A, %swap3A_6, %swap3A_7] : memref<2x1000x128xf32, #tpu.memory_space<vmem>>, vector<1x1000x128xf32>
    %swap3A_9 = vector.shape_cast %swap3A_8 : vector<1x1000x128xf32> to vector<1000x128xf32>
    %swap3A_10 = vector.shape_cast %slice3A : vector<1000x128xf32> to vector<1x1000x128xf32>
    tpu.vector_store %arg12[%swap3A, %swap3A_6, %swap3A_7], %swap3A_10 {strides = array<i32>} : memref<2x1000x128xf32, #tpu.memory_space<vmem>>, vector<1x1000x128xf32>,
    %slice3A_11 = vector.extract_strided_slice %dot_general3A_5 {offsets = [0, 128], sizes = [1000, 128], strides = [1, 1]} : vector<1000x256xf32> to vector<1000x128xf32>
    %swap3A_12 = arith.constant 1 : index
    %swap3A_13 = arith.constant 0 : index
    %swap3A_14 = arith.constant 0 : index
    %swap3A_15 = vector.load %arg12[%swap3A_12, %swap3A_13, %swap3A_14] : memref<2x1000x128xf32, #tpu.memory_space<vmem>>, vector<1x1000x128xf32>
    %swap3A_16 = vector.shape_cast %swap3A_15 : vector<1x1000x128xf32> to vector<1000x128xf32>
    %swap3A_17 = vector.shape_cast %slice3A_11 : vector<1000x128xf32> to vector<1x1000x128xf32>
    tpu.vector_store %arg12[%swap3A_12, %swap3A_13, %swap3A_14], %swap3A_17 {strides = array<i32>} : memref<2x1000x128xf32, #tpu.memory_space<vmem>>, vector<1x1000x128xf32>,
    %get3A_18 = arith.constant 0 : index
    %get3A_19 = arith.constant 0 : index
    %get3A_20 = vector.load %arg6[%get3A_18, %get3A_19] : memref<512x256xf32, #tpu.memory_space<vmem>>, vector<512x256xf32>
    %dot_general3A_21 = arith.constant dense<0.000000e+00> : vector<1000x256xf32>
    %dot_general3A_22 = tpu.matmul %get3A_1, %get3A_20, %dot_general3A_21 {dimension_numbers = #tpu.dot_dimension_numbers<[1], [0], [0], [1], [0, 0, 1, 1], [], []>, transpose_lhs_hint = false} : vector<1000x512xf32>, vector<512x256xf32>, vector<1000x256xf32> -> vector<1000x256xf32>
    %get3A_23 = arith.constant 0 : index
    %get3A_24 = arith.constant 0 : index
    %get3A_25 = vector.load %arg7[%get3A_23, %get3A_24] : memref<1x256xf32, #tpu.memory_space<vmem>>, vector<1x256xf32>
    %add3A = vector.broadcast %get3A_25 : vector<1x256xf32> to vector<1000x256xf32>
    %add3A_26 = arith.addf %dot_general3A_22, %add3A : vector<1000x256xf32>
    %swap3A_27 = arith.constant 0 : index
    %swap3A_28 = arith.constant 0 : index
    %swap3A_29 = vector.load %arg13[%swap3A_27, %swap3A_28] : memref<1000x256xf32, #tpu.memory_space<vmem>>, vector<1000x256xf32>
    tpu.vector_store %arg13[%swap3A_27, %swap3A_28], %add3A_26 {strides = array<i32>} : memref<1000x256xf32, #tpu.memory_space<vmem>>, vector<1000x256xf32>,
    %get3A_30 = arith.constant 0 : index
    %get3A_31 = arith.constant 0 : index
    %get3A_32 = vector.load %arg2[%get3A_30, %get3A_31] : memref<1000x512xf32, #tpu.memory_space<vmem>>, vector<1000x512xf32>
    %get3A_33 = arith.constant 0 : index
    %get3A_34 = arith.constant 0 : index
    %get3A_35 = vector.load %arg8[%get3A_33, %get3A_34] : memref<512x256xf32, #tpu.memory_space<vmem>>, vector<512x256xf32>
    %dot_general3A_36 = arith.constant dense<0.000000e+00> : vector<1000x256xf32>
    %dot_general3A_37 = tpu.matmul %get3A_32, %get3A_35, %dot_general3A_36 {dimension_numbers = #tpu.dot_dimension_numbers<[1], [0], [0], [1], [0, 0, 1, 1], [], []>, transpose_lhs_hint = false} : vector<1000x512xf32>, vector<512x256xf32>, vector<1000x256xf32> -> vector<1000x256xf32>
    %get3A_38 = arith.constant 0 : index
    %get3A_39 = arith.constant 0 : index
    %get3A_40 = vector.load %arg3[%get3A_38, %get3A_39] : memref<1000x128xf32, #tpu.memory_space<vmem>>, vector<1000x128xf32>
    %get3A_41 = arith.constant 0 : index
    %get3A_42 = arith.constant 0 : index
    %get3A_43 = vector.load %arg9[%get3A_41, %get3A_42] : memref<128x256xf32, #tpu.memory_space<vmem>>, vector<128x256xf32>
    %dot_general3A_44 = arith.constant dense<0.000000e+00> : vector<1000x256xf32>
    %dot_general3A_45 = tpu.matmul %get3A_40, %get3A_43, %dot_general3A_44 {dimension_numbers = #tpu.dot_dimension_numbers<[1], [0], [0], [1], [0, 0, 1, 1], [], []>, transpose_lhs_hint = false} : vector<1000x128xf32>, vector<128x256xf32>, vector<1000x256xf32> -> vector<1000x256xf32>
    %add3A_46 = arith.addf %dot_general3A_37, %dot_general3A_45 : vector<1000x256xf32>
    %get3A_47 = arith.constant 0 : index
    %get3A_48 = arith.constant 0 : index
    %get3A_49 = vector.load %arg4[%get3A_47, %get3A_48] : memref<1000x64xf32, #tpu.memory_space<vmem>>, vector<1000x64xf32>
    %get3A_50 = arith.constant 0 : index
    %get3A_51 = arith.constant 0 : index
    %get3A_52 = vector.load %arg10[%get3A_50, %get3A_51] : memref<64x256xf32, #tpu.memory_space<vmem>>, vector<64x256xf32>
    %dot_general3A_53 = arith.constant dense<0.000000e+00> : vector<1000x256xf32>
    %dot_general3A_54 = tpu.matmul %get3A_49, %get3A_52, %dot_general3A_53 {dimension_numbers = #tpu.dot_dimension_numbers<[1], [0], [0], [1], [0, 0, 1, 1], [], []>, transpose_lhs_hint = false} : vector<1000x64xf32>, vector<64x256xf32>, vector<1000x256xf32> -> vector<1000x256xf32>
    %add3A_55 = arith.addf %add3A_46, %dot_general3A_54 : vector<1000x256xf32>
    %get3A_56 = arith.constant 0 : index
    %get3A_57 = arith.constant 0 : index
    %get3A_58 = vector.load %arg11[%get3A_56, %get3A_57] : memref<1x256xf32, #tpu.memory_space<vmem>>, vector<1x256xf32>
    %add3A_59 = vector.broadcast %get3A_58 : vector<1x256xf32> to vector<1000x256xf32>
    %add3A_60 = arith.addf %add3A_55, %add3A_59 : vector<1000x256xf32>
    %swap3A_61 = arith.constant 0 : index
    %swap3A_62 = arith.constant 0 : index
    %swap3A_63 = vector.load %arg14[%swap3A_61, %swap3A_62] : memref<1000x256xf32, #tpu.memory_space<vmem>>, vector<1000x256xf32>
    tpu.vector_store %arg14[%swap3A_61, %swap3A_62], %add3A_60 {strides = array<i32>} : memref<1000x256xf32, #tpu.memory_space<vmem>>, vector<1000x256xf32>,
    return
  }
  func.func @transform_0(%arg0: i32) -> (i32, i32) {
    %c0_i32 = arith.constant 0 : i32
    %c0_i32_0 = arith.constant 0 : i32
    return %arg0, %c0_i32 : i32, i32
  }
  func.func @transform_1(%arg0: i32) -> (i32, i32) {
    %c0_i32 = arith.constant 0 : i32
    %c0_i32_0 = arith.constant 0 : i32
    return %arg0, %c0_i32 : i32, i32
  }
  func.func @transform_2(%arg0: i32) -> (i32, i32) {
    %c0_i32 = arith.constant 0 : i32
    %c0_i32_0 = arith.constant 0 : i32
    return %arg0, %c0_i32 : i32, i32
  }
  func.func @transform_3(%arg0: i32) -> (i32, i32) {
    %c0_i32 = arith.constant 0 : i32
    %c0_i32_0 = arith.constant 0 : i32
    return %arg0, %c0_i32 : i32, i32
  }
  func.func @transform_4(%arg0: i32) -> (i32, i32) {
    %c0_i32 = arith.constant 0 : i32
    %c0_i32_0 = arith.constant 0 : i32
    %c0_i32_1 = arith.constant 0 : i32
    return %c0_i32, %c0_i32_0 : i32, i32
  }
  func.func @transform_5(%arg0: i32) -> (i32, i32) {
    %c0_i32 = arith.constant 0 : i32
    %c0_i32_0 = arith.constant 0 : i32
    %c0_i32_1 = arith.constant 0 : i32
    return %c0_i32, %c0_i32_0 : i32, i32
  }
  func.func @transform_6(%arg0: i32) -> (i32, i32) {
    %c0_i32 = arith.constant 0 : i32
    %c0_i32_0 = arith.constant 0 : i32
    %c0_i32_1 = arith.constant 0 : i32
    return %c0_i32, %c0_i32_0 : i32, i32
  }
  func.func @transform_7(%arg0: i32) -> (i32, i32) {
    %c0_i32 = arith.constant 0 : i32
    %c0_i32_0 = arith.constant 0 : i32
    %c0_i32_1 = arith.constant 0 : i32
    return %c0_i32, %c0_i32_0 : i32, i32
  }
  func.func @transform_8(%arg0: i32) -> (i32, i32) {
    %c0_i32 = arith.constant 0 : i32
    %c0_i32_0 = arith.constant 0 : i32
    %c0_i32_1 = arith.constant 0 : i32
    return %c0_i32, %c0_i32_0 : i32, i32
  }
  func.func @transform_9(%arg0: i32) -> (i32, i32) {
    %c0_i32 = arith.constant 0 : i32
    %c0_i32_0 = arith.constant 0 : i32
    %c0_i32_1 = arith.constant 0 : i32
    return %c0_i32, %c0_i32_0 : i32, i32
  }
  func.func @transform_10(%arg0: i32) -> (i32, i32) {
    %c0_i32 = arith.constant 0 : i32
    %c0_i32_0 = arith.constant 0 : i32
    %c0_i32_1 = arith.constant 0 : i32
    return %c0_i32, %c0_i32_0 : i32, i32
  }
  func.func @transform_11(%arg0: i32) -> (i32, i32, i32) {
    %c0_i32 = arith.constant 0 : i32
    %c0_i32_0 = arith.constant 0 : i32
    %c0_i32_1 = arith.constant 0 : i32
    return %c0_i32, %arg0, %c0_i32_0 : i32, i32, i32
  }
  func.func @transform_12(%arg0: i32) -> (i32, i32) {
    %c0_i32 = arith.constant 0 : i32
    %c0_i32_0 = arith.constant 0 : i32
    return %arg0, %c0_i32 : i32, i32
  }
  func.func @transform_13(%arg0: i32) -> (i32, i32) {
    %c0_i32 = arith.constant 0 : i32
    %c0_i32_0 = arith.constant 0 : i32
    return %arg0, %c0_i32 : i32, i32
  }
}

module attributes {stable_mosaic.version = 14 : i64} {
  func.func @_tc2_body(%arg0: i32, %arg1: memref<1000x256xf32, #tpu.memory_space<vmem>>, %arg2: memref<2x1000x128xf32, #tpu.memory_space<vmem>>, %arg3: memref<2x1000x128xf32, #tpu.memory_space<vmem>>, %arg4: memref<256x256xf32, #tpu.memory_space<vmem>>, %arg5: memref<256x256xf32, #tpu.memory_space<vmem>>, %arg6: memref<1x256xf32, #tpu.memory_space<vmem>>, %arg7: memref<2x1000x128xf32, #tpu.memory_space<vmem>>, %arg8: memref<1000x256xf32, #tpu.memory_space<vmem>>) attributes {dimension_semantics = [#tpu.dimension_semantics<arbitrary>], iteration_bounds = array<i64: 10>, scalar_prefetch = 0 : i64, scratch_operands = 0 : i64, tpu.core_type = #tpu.core_type<tc>, window_params = [{transform_indices = @transform_0, window_bounds = array<i64: 1000, 256>}, {transform_indices = @transform_1, window_bounds = array<i64: 2, 1000, 128>}, {transform_indices = @transform_2, window_bounds = array<i64: 2, 1000, 128>}, {pipeline_mode = #tpu.pipeline_mode<synchronous>, transform_indices = @transform_3, window_bounds = array<i64: 256, 256>}, {pipeline_mode = #tpu.pipeline_mode<synchronous>, transform_indices = @transform_4, window_bounds = array<i64: 256, 256>}, {pipeline_mode = #tpu.pipeline_mode<synchronous>, transform_indices = @transform_5, window_bounds = array<i64: 1, 256>}, {transform_indices = @transform_6, window_bounds = array<i64: 2, 1000, 128>}, {transform_indices = @transform_7, window_bounds = array<i64: 1000, 256>}]} {
    %get3A = arith.constant 0 : index
    %get3A_0 = arith.constant 0 : index
    %get3A_1 = arith.constant 0 : index
    %get3A_2 = vector.load %arg3[%get3A, %get3A_0, %get3A_1] : memref<2x1000x128xf32, #tpu.memory_space<vmem>>, vector<1x1000x1xf32>
    %get3A_3 = vector.shape_cast %get3A_2 : vector<1x1000x1xf32> to vector<1000x1xf32>
    %get3A_4 = arith.constant 1 : index
    %get3A_5 = arith.constant 0 : index
    %get3A_6 = arith.constant 0 : index
    %get3A_7 = vector.load %arg3[%get3A_4, %get3A_5, %get3A_6] : memref<2x1000x128xf32, #tpu.memory_space<vmem>>, vector<1x1000x1xf32>
    %get3A_8 = vector.shape_cast %get3A_7 : vector<1x1000x1xf32> to vector<1000x1xf32>
    %add3A = arith.addf %get3A_3, %get3A_8 : vector<1000x1xf32>
    %max3A = arith.constant 1.000000e+00 : f32
    %max3A_9 = vector.broadcast %max3A : f32 to vector<1000x1xf32>
    %max3A_10 = arith.maximumf %add3A, %max3A_9 : vector<1000x1xf32>
    %get3A_11 = arith.constant 0 : index
    %get3A_12 = arith.constant 0 : index
    %get3A_13 = arith.constant 0 : index
    %get3A_14 = vector.load %arg2[%get3A_11, %get3A_12, %get3A_13] : memref<2x1000x128xf32, #tpu.memory_space<vmem>>, vector<1x1000x128xf32>
    %get3A_15 = vector.shape_cast %get3A_14 : vector<1x1000x128xf32> to vector<1000x128xf32>
    %get3A_16 = arith.constant 1 : index
    %get3A_17 = arith.constant 0 : index
    %get3A_18 = arith.constant 0 : index
    %get3A_19 = vector.load %arg2[%get3A_16, %get3A_17, %get3A_18] : memref<2x1000x128xf32, #tpu.memory_space<vmem>>, vector<1x1000x128xf32>
    %get3A_20 = vector.shape_cast %get3A_19 : vector<1x1000x128xf32> to vector<1000x128xf32>
    %concatenate3A = tpu.concatenate %get3A_15, %get3A_20 in 1 : vector<1000x128xf32>, vector<1000x128xf32> -> vector<1000x256xf32>
    %div3A = vector.broadcast %max3A_10 : vector<1000x1xf32> to vector<1000x256xf32>
    %div3A_21 = arith.divf %concatenate3A, %div3A : vector<1000x256xf32>
    %get3A_22 = arith.constant 0 : index
    %get3A_23 = arith.constant 0 : index
    %get3A_24 = vector.load %arg1[%get3A_22, %get3A_23] : memref<1000x256xf32, #tpu.memory_space<vmem>>, vector<1000x256xf32>
    %add3A_25 = arith.addf %get3A_24, %div3A_21 : vector<1000x256xf32>
    %max3A_26 = arith.constant 0.000000e+00 : f32
    %max3A_27 = vector.broadcast %max3A_26 : f32 to vector<1000x256xf32>
    %max3A_28 = arith.maximumf %add3A_25, %max3A_27 : vector<1000x256xf32>
    %get3A_29 = arith.constant 0 : index
    %get3A_30 = arith.constant 0 : index
    %get3A_31 = vector.load %arg4[%get3A_29, %get3A_30] : memref<256x256xf32, #tpu.memory_space<vmem>>, vector<256x256xf32>
    %dot_general3A = arith.constant dense<0.000000e+00> : vector<1000x256xf32>
    %dot_general3A_32 = tpu.matmul %max3A_28, %get3A_31, %dot_general3A {dimension_numbers = #tpu.dot_dimension_numbers<[1], [0], [0], [1], [0, 0, 1, 1], [], []>, transpose_lhs_hint = false} : vector<1000x256xf32>, vector<256x256xf32>, vector<1000x256xf32> -> vector<1000x256xf32>
    %slice3A = vector.extract_strided_slice %dot_general3A_32 {offsets = [0, 0], sizes = [1000, 128], strides = [1, 1]} : vector<1000x256xf32> to vector<1000x128xf32>
    %swap3A = arith.constant 0 : index
    %swap3A_33 = arith.constant 0 : index
    %swap3A_34 = arith.constant 0 : index
    %swap3A_35 = vector.load %arg7[%swap3A, %swap3A_33, %swap3A_34] : memref<2x1000x128xf32, #tpu.memory_space<vmem>>, vector<1x1000x128xf32>
    %swap3A_36 = vector.shape_cast %swap3A_35 : vector<1x1000x128xf32> to vector<1000x128xf32>
    %swap3A_37 = vector.shape_cast %slice3A : vector<1000x128xf32> to vector<1x1000x128xf32>
    tpu.vector_store %arg7[%swap3A, %swap3A_33, %swap3A_34], %swap3A_37 {strides = array<i32>} : memref<2x1000x128xf32, #tpu.memory_space<vmem>>, vector<1x1000x128xf32>,
    %slice3A_38 = vector.extract_strided_slice %dot_general3A_32 {offsets = [0, 128], sizes = [1000, 128], strides = [1, 1]} : vector<1000x256xf32> to vector<1000x128xf32>
    %swap3A_39 = arith.constant 1 : index
    %swap3A_40 = arith.constant 0 : index
    %swap3A_41 = arith.constant 0 : index
    %swap3A_42 = vector.load %arg7[%swap3A_39, %swap3A_40, %swap3A_41] : memref<2x1000x128xf32, #tpu.memory_space<vmem>>, vector<1x1000x128xf32>
    %swap3A_43 = vector.shape_cast %swap3A_42 : vector<1x1000x128xf32> to vector<1000x128xf32>
    %swap3A_44 = vector.shape_cast %slice3A_38 : vector<1000x128xf32> to vector<1x1000x128xf32>
    tpu.vector_store %arg7[%swap3A_39, %swap3A_40, %swap3A_41], %swap3A_44 {strides = array<i32>} : memref<2x1000x128xf32, #tpu.memory_space<vmem>>, vector<1x1000x128xf32>,
    %get3A_45 = arith.constant 0 : index
    %get3A_46 = arith.constant 0 : index
    %get3A_47 = vector.load %arg5[%get3A_45, %get3A_46] : memref<256x256xf32, #tpu.memory_space<vmem>>, vector<256x256xf32>
    %dot_general3A_48 = arith.constant dense<0.000000e+00> : vector<1000x256xf32>
    %dot_general3A_49 = tpu.matmul %max3A_28, %get3A_47, %dot_general3A_48 {dimension_numbers = #tpu.dot_dimension_numbers<[1], [0], [0], [1], [0, 0, 1, 1], [], []>, transpose_lhs_hint = false} : vector<1000x256xf32>, vector<256x256xf32>, vector<1000x256xf32> -> vector<1000x256xf32>
    %get3A_50 = arith.constant 0 : index
    %get3A_51 = arith.constant 0 : index
    %get3A_52 = vector.load %arg6[%get3A_50, %get3A_51] : memref<1x256xf32, #tpu.memory_space<vmem>>, vector<1x256xf32>
    %add3A_53 = vector.broadcast %get3A_52 : vector<1x256xf32> to vector<1000x256xf32>
    %add3A_54 = arith.addf %dot_general3A_49, %add3A_53 : vector<1000x256xf32>
    %swap3A_55 = arith.constant 0 : index
    %swap3A_56 = arith.constant 0 : index
    %swap3A_57 = vector.load %arg8[%swap3A_55, %swap3A_56] : memref<1000x256xf32, #tpu.memory_space<vmem>>, vector<1000x256xf32>
    tpu.vector_store %arg8[%swap3A_55, %swap3A_56], %add3A_54 {strides = array<i32>} : memref<1000x256xf32, #tpu.memory_space<vmem>>, vector<1000x256xf32>,
    return
  }
  func.func @transform_0(%arg0: i32) -> (i32, i32) {
    %c0_i32 = arith.constant 0 : i32
    %c0_i32_0 = arith.constant 0 : i32
    return %arg0, %c0_i32 : i32, i32
  }
  func.func @transform_1(%arg0: i32) -> (i32, i32, i32) {
    %c0_i32 = arith.constant 0 : i32
    %c0_i32_0 = arith.constant 0 : i32
    %c0_i32_1 = arith.constant 0 : i32
    return %c0_i32, %arg0, %c0_i32_0 : i32, i32, i32
  }
  func.func @transform_2(%arg0: i32) -> (i32, i32, i32) {
    %c0_i32 = arith.constant 0 : i32
    %c0_i32_0 = arith.constant 0 : i32
    %c0_i32_1 = arith.constant 0 : i32
    return %c0_i32, %arg0, %c0_i32_0 : i32, i32, i32
  }
  func.func @transform_3(%arg0: i32) -> (i32, i32) {
    %c0_i32 = arith.constant 0 : i32
    %c0_i32_0 = arith.constant 0 : i32
    %c0_i32_1 = arith.constant 0 : i32
    return %c0_i32, %c0_i32_0 : i32, i32
  }
  func.func @transform_4(%arg0: i32) -> (i32, i32) {
    %c0_i32 = arith.constant 0 : i32
    %c0_i32_0 = arith.constant 0 : i32
    %c0_i32_1 = arith.constant 0 : i32
    return %c0_i32, %c0_i32_0 : i32, i32
  }
  func.func @transform_5(%arg0: i32) -> (i32, i32) {
    %c0_i32 = arith.constant 0 : i32
    %c0_i32_0 = arith.constant 0 : i32
    %c0_i32_1 = arith.constant 0 : i32
    return %c0_i32, %c0_i32_0 : i32, i32
  }
  func.func @transform_6(%arg0: i32) -> (i32, i32, i32) {
    %c0_i32 = arith.constant 0 : i32
    %c0_i32_0 = arith.constant 0 : i32
    %c0_i32_1 = arith.constant 0 : i32
    return %c0_i32, %arg0, %c0_i32_0 : i32, i32, i32
  }
  func.func @transform_7(%arg0: i32) -> (i32, i32) {
    %c0_i32 = arith.constant 0 : i32
    %c0_i32_0 = arith.constant 0 : i32
    return %arg0, %c0_i32 : i32, i32
  }
}

module attributes {stable_mosaic.version = 14 : i64} {
  func.func @_tc3_body(%arg0: i32, %arg1: memref<1000x256xf32, #tpu.memory_space<vmem>>, %arg2: memref<2x1000x128xf32, #tpu.memory_space<vmem>>, %arg3: memref<2x1000x128xf32, #tpu.memory_space<vmem>>, %arg4: memref<1000x256xf32, #tpu.memory_space<vmem>>, %arg5: memref<256x256xf32, #tpu.memory_space<vmem>>, %arg6: memref<256x12xf32, #tpu.memory_space<vmem>>, %arg7: memref<1x12xf32, #tpu.memory_space<vmem>>, %arg8: memref<1000x12xf32, #tpu.memory_space<vmem>>, %arg9: memref<1000x12xf32, #tpu.memory_space<vmem>>, %arg10: memref<1000x12xf32, #tpu.memory_space<vmem>>, %arg11: memref<1000x256xf32, #tpu.memory_space<vmem>>, %arg12: memref<1000x1xf32, #tpu.memory_space<vmem>>) attributes {dimension_semantics = [#tpu.dimension_semantics<arbitrary>], iteration_bounds = array<i64: 10>, scalar_prefetch = 0 : i64, scratch_operands = 0 : i64, tpu.core_type = #tpu.core_type<tc>, window_params = [{transform_indices = @transform_0, window_bounds = array<i64: 1000, 256>}, {transform_indices = @transform_1, window_bounds = array<i64: 2, 1000, 128>}, {transform_indices = @transform_2, window_bounds = array<i64: 2, 1000, 128>}, {transform_indices = @transform_3, window_bounds = array<i64: 1000, 256>}, {pipeline_mode = #tpu.pipeline_mode<synchronous>, transform_indices = @transform_4, window_bounds = array<i64: 256, 256>}, {pipeline_mode = #tpu.pipeline_mode<synchronous>, transform_indices = @transform_5, window_bounds = array<i64: 256, 12>}, {pipeline_mode = #tpu.pipeline_mode<synchronous>, transform_indices = @transform_6, window_bounds = array<i64: 1, 12>}, {transform_indices = @transform_7, window_bounds = array<i64: 1000, 12>}, {transform_indices = @transform_8, window_bounds = array<i64: 1000, 12>}, {transform_indices = @transform_9, window_bounds = array<i64: 1000, 12>}, {transform_indices = @transform_10, window_bounds = array<i64: 1000, 256>}, {transform_indices = @transform_11, window_bounds = array<i64: 1000, 1>}]} {
    %get3A = arith.constant 0 : index
    %get3A_0 = arith.constant 0 : index
    %get3A_1 = arith.constant 0 : index
    %get3A_2 = vector.load %arg3[%get3A, %get3A_0, %get3A_1] : memref<2x1000x128xf32, #tpu.memory_space<vmem>>, vector<1x1000x1xf32>
    %get3A_3 = vector.shape_cast %get3A_2 : vector<1x1000x1xf32> to vector<1000x1xf32>
    %get3A_4 = arith.constant 1 : index
    %get3A_5 = arith.constant 0 : index
    %get3A_6 = arith.constant 0 : index
    %get3A_7 = vector.load %arg3[%get3A_4, %get3A_5, %get3A_6] : memref<2x1000x128xf32, #tpu.memory_space<vmem>>, vector<1x1000x1xf32>
    %get3A_8 = vector.shape_cast %get3A_7 : vector<1x1000x1xf32> to vector<1000x1xf32>
    %add3A = arith.addf %get3A_3, %get3A_8 : vector<1000x1xf32>
    %max3A = arith.constant 1.000000e+00 : f32
    %max3A_9 = vector.broadcast %max3A : f32 to vector<1000x1xf32>
    %max3A_10 = arith.maximumf %add3A, %max3A_9 : vector<1000x1xf32>
    %get3A_11 = arith.constant 0 : index
    %get3A_12 = arith.constant 0 : index
    %get3A_13 = arith.constant 0 : index
    %get3A_14 = vector.load %arg2[%get3A_11, %get3A_12, %get3A_13] : memref<2x1000x128xf32, #tpu.memory_space<vmem>>, vector<1x1000x128xf32>
    %get3A_15 = vector.shape_cast %get3A_14 : vector<1x1000x128xf32> to vector<1000x128xf32>
    %get3A_16 = arith.constant 1 : index
    %get3A_17 = arith.constant 0 : index
    %get3A_18 = arith.constant 0 : index
    %get3A_19 = vector.load %arg2[%get3A_16, %get3A_17, %get3A_18] : memref<2x1000x128xf32, #tpu.memory_space<vmem>>, vector<1x1000x128xf32>
    %get3A_20 = vector.shape_cast %get3A_19 : vector<1x1000x128xf32> to vector<1000x128xf32>
    %concatenate3A = tpu.concatenate %get3A_15, %get3A_20 in 1 : vector<1000x128xf32>, vector<1000x128xf32> -> vector<1000x256xf32>
    %div3A = vector.broadcast %max3A_10 : vector<1000x1xf32> to vector<1000x256xf32>
    %div3A_21 = arith.divf %concatenate3A, %div3A : vector<1000x256xf32>
    %get3A_22 = arith.constant 0 : index
    %get3A_23 = arith.constant 0 : index
    %get3A_24 = vector.load %arg1[%get3A_22, %get3A_23] : memref<1000x256xf32, #tpu.memory_space<vmem>>, vector<1000x256xf32>
    %add3A_25 = arith.addf %get3A_24, %div3A_21 : vector<1000x256xf32>
    %max3A_26 = arith.constant 0.000000e+00 : f32
    %max3A_27 = vector.broadcast %max3A_26 : f32 to vector<1000x256xf32>
    %max3A_28 = arith.maximumf %add3A_25, %max3A_27 : vector<1000x256xf32>
    %swap3A = arith.constant 0 : index
    %swap3A_29 = arith.constant 0 : index
    %swap3A_30 = vector.load %arg11[%swap3A, %swap3A_29] : memref<1000x256xf32, #tpu.memory_space<vmem>>, vector<1000x256xf32>
    tpu.vector_store %arg11[%swap3A, %swap3A_29], %max3A_28 {strides = array<i32>} : memref<1000x256xf32, #tpu.memory_space<vmem>>, vector<1000x256xf32>,
    %get3A_31 = arith.constant 0 : index
    %get3A_32 = arith.constant 0 : index
    %get3A_33 = vector.load %arg5[%get3A_31, %get3A_32] : memref<256x256xf32, #tpu.memory_space<vmem>>, vector<256x256xf32>
    %dot_general3A = arith.constant dense<0.000000e+00> : vector<1000x256xf32>
    %dot_general3A_34 = tpu.matmul %max3A_28, %get3A_33, %dot_general3A {dimension_numbers = #tpu.dot_dimension_numbers<[1], [0], [0], [1], [0, 0, 1, 1], [], []>, transpose_lhs_hint = false} : vector<1000x256xf32>, vector<256x256xf32>, vector<1000x256xf32> -> vector<1000x256xf32>
    %get3A_35 = arith.constant 0 : index
    %get3A_36 = arith.constant 0 : index
    %get3A_37 = vector.load %arg4[%get3A_35, %get3A_36] : memref<1000x256xf32, #tpu.memory_space<vmem>>, vector<1000x256xf32>
    %add3A_38 = arith.addf %dot_general3A_34, %get3A_37 : vector<1000x256xf32>
    %max3A_39 = arith.constant 0.000000e+00 : f32
    %max3A_40 = vector.broadcast %max3A_39 : f32 to vector<1000x256xf32>
    %max3A_41 = arith.maximumf %add3A_38, %max3A_40 : vector<1000x256xf32>
    %get3A_42 = arith.constant 0 : index
    %get3A_43 = arith.constant 0 : index
    %get3A_44 = vector.load %arg6[%get3A_42, %get3A_43] : memref<256x12xf32, #tpu.memory_space<vmem>>, vector<256x12xf32>
    %dot_general3A_45 = arith.constant dense<0.000000e+00> : vector<1000x12xf32>
    %dot_general3A_46 = tpu.matmul %max3A_41, %get3A_44, %dot_general3A_45 {dimension_numbers = #tpu.dot_dimension_numbers<[1], [0], [0], [1], [0, 0, 1, 1], [], []>, transpose_lhs_hint = false} : vector<1000x256xf32>, vector<256x12xf32>, vector<1000x12xf32> -> vector<1000x12xf32>
    %get3A_47 = arith.constant 0 : index
    %get3A_48 = arith.constant 0 : index
    %get3A_49 = vector.load %arg7[%get3A_47, %get3A_48] : memref<1x12xf32, #tpu.memory_space<vmem>>, vector<1x12xf32>
    %add3A_50 = vector.broadcast %get3A_49 : vector<1x12xf32> to vector<1000x12xf32>
    %add3A_51 = arith.addf %dot_general3A_46, %add3A_50 : vector<1000x12xf32>
    %swap3A_52 = arith.constant 0 : index
    %swap3A_53 = arith.constant 0 : index
    %swap3A_54 = vector.load %arg8[%swap3A_52, %swap3A_53] : memref<1000x12xf32, #tpu.memory_space<vmem>>, vector<1000x12xf32>
    tpu.vector_store %arg8[%swap3A_52, %swap3A_53], %add3A_51 {strides = array<i32>} : memref<1000x12xf32, #tpu.memory_space<vmem>>, vector<1000x12xf32>,
    %neg3A = arith.constant 0.000000e+00 : f32
    %neg3A_55 = vector.broadcast %neg3A : f32 to vector<1000x12xf32>
    %neg3A_56 = arith.subf %neg3A_55, %add3A_51 : vector<1000x12xf32>
    %exp3A = math.exp %neg3A_56 : vector<1000x12xf32>
    %add3A_57 = arith.constant 1.000000e+00 : f32
    %add3A_58 = vector.broadcast %add3A_57 : f32 to vector<1000x12xf32>
    %add3A_59 = arith.addf %add3A_58, %exp3A : vector<1000x12xf32>
    %div3A_60 = arith.constant 1.000000e+00 : f32
    %div3A_61 = vector.broadcast %div3A_60 : f32 to vector<1000x12xf32>
    %div3A_62 = arith.divf %div3A_61, %add3A_59 : vector<1000x12xf32>
    %swap3A_63 = arith.constant 0 : index
    %swap3A_64 = arith.constant 0 : index
    %swap3A_65 = vector.load %arg9[%swap3A_63, %swap3A_64] : memref<1000x12xf32, #tpu.memory_space<vmem>>, vector<1000x12xf32>
    tpu.vector_store %arg9[%swap3A_63, %swap3A_64], %div3A_62 {strides = array<i32>} : memref<1000x12xf32, #tpu.memory_space<vmem>>, vector<1000x12xf32>,
    %sub3A = arith.constant 1.000000e+00 : f32
    %sub3A_66 = vector.broadcast %sub3A : f32 to vector<1000x12xf32>
    %sub3A_67 = arith.subf %sub3A_66, %div3A_62 : vector<1000x12xf32>
    %slice3A = vector.extract_strided_slice %sub3A_67 {offsets = [0, 0], sizes = [1000, 1], strides = [1, 1]} : vector<1000x12xf32> to vector<1000x1xf32>
    %slice3A_68 = vector.extract_strided_slice %sub3A_67 {offsets = [0, 1], sizes = [1000, 1], strides = [1, 1]} : vector<1000x12xf32> to vector<1000x1xf32>
    %mul3A = arith.mulf %slice3A, %slice3A_68 : vector<1000x1xf32>
    %slice3A_69 = vector.extract_strided_slice %sub3A_67 {offsets = [0, 2], sizes = [1000, 1], strides = [1, 1]} : vector<1000x12xf32> to vector<1000x1xf32>
    %mul3A_70 = arith.mulf %mul3A, %slice3A_69 : vector<1000x1xf32>
    %slice3A_71 = vector.extract_strided_slice %sub3A_67 {offsets = [0, 3], sizes = [1000, 1], strides = [1, 1]} : vector<1000x12xf32> to vector<1000x1xf32>
    %mul3A_72 = arith.mulf %mul3A_70, %slice3A_71 : vector<1000x1xf32>
    %slice3A_73 = vector.extract_strided_slice %sub3A_67 {offsets = [0, 4], sizes = [1000, 1], strides = [1, 1]} : vector<1000x12xf32> to vector<1000x1xf32>
    %mul3A_74 = arith.mulf %mul3A_72, %slice3A_73 : vector<1000x1xf32>
    %slice3A_75 = vector.extract_strided_slice %sub3A_67 {offsets = [0, 5], sizes = [1000, 1], strides = [1, 1]} : vector<1000x12xf32> to vector<1000x1xf32>
    %mul3A_76 = arith.mulf %mul3A_74, %slice3A_75 : vector<1000x1xf32>
    %slice3A_77 = vector.extract_strided_slice %sub3A_67 {offsets = [0, 6], sizes = [1000, 1], strides = [1, 1]} : vector<1000x12xf32> to vector<1000x1xf32>
    %mul3A_78 = arith.mulf %mul3A_76, %slice3A_77 : vector<1000x1xf32>
    %slice3A_79 = vector.extract_strided_slice %sub3A_67 {offsets = [0, 7], sizes = [1000, 1], strides = [1, 1]} : vector<1000x12xf32> to vector<1000x1xf32>
    %mul3A_80 = arith.mulf %mul3A_78, %slice3A_79 : vector<1000x1xf32>
    %slice3A_81 = vector.extract_strided_slice %sub3A_67 {offsets = [0, 8], sizes = [1000, 1], strides = [1, 1]} : vector<1000x12xf32> to vector<1000x1xf32>
    %mul3A_82 = arith.mulf %mul3A_80, %slice3A_81 : vector<1000x1xf32>
    %slice3A_83 = vector.extract_strided_slice %sub3A_67 {offsets = [0, 9], sizes = [1000, 1], strides = [1, 1]} : vector<1000x12xf32> to vector<1000x1xf32>
    %mul3A_84 = arith.mulf %mul3A_82, %slice3A_83 : vector<1000x1xf32>
    %slice3A_85 = vector.extract_strided_slice %sub3A_67 {offsets = [0, 10], sizes = [1000, 1], strides = [1, 1]} : vector<1000x12xf32> to vector<1000x1xf32>
    %mul3A_86 = arith.mulf %mul3A_84, %slice3A_85 : vector<1000x1xf32>
    %slice3A_87 = vector.extract_strided_slice %sub3A_67 {offsets = [0, 11], sizes = [1000, 1], strides = [1, 1]} : vector<1000x12xf32> to vector<1000x1xf32>
    %mul3A_88 = arith.mulf %mul3A_86, %slice3A_87 : vector<1000x1xf32>
    %concatenate3A_89 = tpu.concatenate %slice3A, %mul3A, %mul3A_70, %mul3A_72, %mul3A_74, %mul3A_76, %mul3A_78, %mul3A_80, %mul3A_82, %mul3A_84, %mul3A_86, %mul3A_88 in 1 : vector<1000x1xf32>, vector<1000x1xf32>, vector<1000x1xf32>, vector<1000x1xf32>, vector<1000x1xf32>, vector<1000x1xf32>, vector<1000x1xf32>, vector<1000x1xf32>, vector<1000x1xf32>, vector<1000x1xf32>, vector<1000x1xf32>, vector<1000x1xf32> -> vector<1000x12xf32>
    %swap3A_90 = arith.constant 0 : index
    %swap3A_91 = arith.constant 0 : index
    %swap3A_92 = vector.load %arg10[%swap3A_90, %swap3A_91] : memref<1000x12xf32, #tpu.memory_space<vmem>>, vector<1000x12xf32>
    tpu.vector_store %arg10[%swap3A_90, %swap3A_91], %concatenate3A_89 {strides = array<i32>} : memref<1000x12xf32, #tpu.memory_space<vmem>>, vector<1000x12xf32>,
    %slice3A_93 = vector.extract_strided_slice %div3A_62 {offsets = [0, 0], sizes = [1000, 1], strides = [1, 1]} : vector<1000x12xf32> to vector<1000x1xf32>
    %slice3A_94 = vector.extract_strided_slice %div3A_62 {offsets = [0, 1], sizes = [1000, 1], strides = [1, 1]} : vector<1000x12xf32> to vector<1000x1xf32>
    %add3A_95 = arith.addf %slice3A_93, %slice3A_94 : vector<1000x1xf32>
    %add3A_96 = arith.addf %slice3A_93, %add3A_95 : vector<1000x1xf32>
    %slice3A_97 = vector.extract_strided_slice %div3A_62 {offsets = [0, 2], sizes = [1000, 1], strides = [1, 1]} : vector<1000x12xf32> to vector<1000x1xf32>
    %add3A_98 = arith.addf %add3A_95, %slice3A_97 : vector<1000x1xf32>
    %add3A_99 = arith.addf %add3A_96, %add3A_98 : vector<1000x1xf32>
    %slice3A_100 = vector.extract_strided_slice %div3A_62 {offsets = [0, 3], sizes = [1000, 1], strides = [1, 1]} : vector<1000x12xf32> to vector<1000x1xf32>
    %add3A_101 = arith.addf %add3A_98, %slice3A_100 : vector<1000x1xf32>
    %add3A_102 = arith.addf %add3A_99, %add3A_101 : vector<1000x1xf32>
    %slice3A_103 = vector.extract_strided_slice %div3A_62 {offsets = [0, 4], sizes = [1000, 1], strides = [1, 1]} : vector<1000x12xf32> to vector<1000x1xf32>
    %add3A_104 = arith.addf %add3A_101, %slice3A_103 : vector<1000x1xf32>
    %add3A_105 = arith.addf %add3A_102, %add3A_104 : vector<1000x1xf32>
    %slice3A_106 = vector.extract_strided_slice %div3A_62 {offsets = [0, 5], sizes = [1000, 1], strides = [1, 1]} : vector<1000x12xf32> to vector<1000x1xf32>
    %add3A_107 = arith.addf %add3A_104, %slice3A_106 : vector<1000x1xf32>
    %add3A_108 = arith.addf %add3A_105, %add3A_107 : vector<1000x1xf32>
    %slice3A_109 = vector.extract_strided_slice %div3A_62 {offsets = [0, 6], sizes = [1000, 1], strides = [1, 1]} : vector<1000x12xf32> to vector<1000x1xf32>
    %add3A_110 = arith.addf %add3A_107, %slice3A_109 : vector<1000x1xf32>
    %add3A_111 = arith.addf %add3A_108, %add3A_110 : vector<1000x1xf32>
    %slice3A_112 = vector.extract_strided_slice %div3A_62 {offsets = [0, 7], sizes = [1000, 1], strides = [1, 1]} : vector<1000x12xf32> to vector<1000x1xf32>
    %add3A_113 = arith.addf %add3A_110, %slice3A_112 : vector<1000x1xf32>
    %add3A_114 = arith.addf %add3A_111, %add3A_113 : vector<1000x1xf32>
    %slice3A_115 = vector.extract_strided_slice %div3A_62 {offsets = [0, 8], sizes = [1000, 1], strides = [1, 1]} : vector<1000x12xf32> to vector<1000x1xf32>
    %add3A_116 = arith.addf %add3A_113, %slice3A_115 : vector<1000x1xf32>
    %add3A_117 = arith.addf %add3A_114, %add3A_116 : vector<1000x1xf32>
    %slice3A_118 = vector.extract_strided_slice %div3A_62 {offsets = [0, 9], sizes = [1000, 1], strides = [1, 1]} : vector<1000x12xf32> to vector<1000x1xf32>
    %add3A_119 = arith.addf %add3A_116, %slice3A_118 : vector<1000x1xf32>
    %add3A_120 = arith.addf %add3A_117, %add3A_119 : vector<1000x1xf32>
    %slice3A_121 = vector.extract_strided_slice %div3A_62 {offsets = [0, 10], sizes = [1000, 1], strides = [1, 1]} : vector<1000x12xf32> to vector<1000x1xf32>
    %add3A_122 = arith.addf %add3A_119, %slice3A_121 : vector<1000x1xf32>
    %add3A_123 = arith.addf %add3A_120, %add3A_122 : vector<1000x1xf32>
    %slice3A_124 = vector.extract_strided_slice %div3A_62 {offsets = [0, 11], sizes = [1000, 1], strides = [1, 1]} : vector<1000x12xf32> to vector<1000x1xf32>
    %add3A_125 = arith.addf %add3A_122, %slice3A_124 : vector<1000x1xf32>
    %add3A_126 = arith.addf %add3A_123, %add3A_125 : vector<1000x1xf32>
    %swap3A_127 = arith.constant 0 : index
    %swap3A_128 = arith.constant 0 : index
    %swap3A_129 = vector.load %arg12[%swap3A_127, %swap3A_128] : memref<1000x1xf32, #tpu.memory_space<vmem>>, vector<1000x1xf32>
    tpu.vector_store %arg12[%swap3A_127, %swap3A_128], %add3A_126 {strides = array<i32>} : memref<1000x1xf32, #tpu.memory_space<vmem>>, vector<1000x1xf32>,
    return
  }
  func.func @transform_0(%arg0: i32) -> (i32, i32) {
    %c0_i32 = arith.constant 0 : i32
    %c0_i32_0 = arith.constant 0 : i32
    return %arg0, %c0_i32 : i32, i32
  }
  func.func @transform_1(%arg0: i32) -> (i32, i32, i32) {
    %c0_i32 = arith.constant 0 : i32
    %c0_i32_0 = arith.constant 0 : i32
    %c0_i32_1 = arith.constant 0 : i32
    return %c0_i32, %arg0, %c0_i32_0 : i32, i32, i32
  }
  func.func @transform_2(%arg0: i32) -> (i32, i32, i32) {
    %c0_i32 = arith.constant 0 : i32
    %c0_i32_0 = arith.constant 0 : i32
    %c0_i32_1 = arith.constant 0 : i32
    return %c0_i32, %arg0, %c0_i32_0 : i32, i32, i32
  }
  func.func @transform_3(%arg0: i32) -> (i32, i32) {
    %c0_i32 = arith.constant 0 : i32
    %c0_i32_0 = arith.constant 0 : i32
    return %arg0, %c0_i32 : i32, i32
  }
  func.func @transform_4(%arg0: i32) -> (i32, i32) {
    %c0_i32 = arith.constant 0 : i32
    %c0_i32_0 = arith.constant 0 : i32
    %c0_i32_1 = arith.constant 0 : i32
    return %c0_i32, %c0_i32_0 : i32, i32
  }
  func.func @transform_5(%arg0: i32) -> (i32, i32) {
    %c0_i32 = arith.constant 0 : i32
    %c0_i32_0 = arith.constant 0 : i32
    %c0_i32_1 = arith.constant 0 : i32
    return %c0_i32, %c0_i32_0 : i32, i32
  }
  func.func @transform_6(%arg0: i32) -> (i32, i32) {
    %c0_i32 = arith.constant 0 : i32
    %c0_i32_0 = arith.constant 0 : i32
    %c0_i32_1 = arith.constant 0 : i32
    return %c0_i32, %c0_i32_0 : i32, i32
  }
  func.func @transform_7(%arg0: i32) -> (i32, i32) {
    %c0_i32 = arith.constant 0 : i32
    %c0_i32_0 = arith.constant 0 : i32
    return %arg0, %c0_i32 : i32, i32
  }
  func.func @transform_8(%arg0: i32) -> (i32, i32) {
    %c0_i32 = arith.constant 0 : i32
    %c0_i32_0 = arith.constant 0 : i32
    return %arg0, %c0_i32 : i32, i32
  }
  func.func @transform_9(%arg0: i32) -> (i32, i32) {
    %c0_i32 = arith.constant 0 : i32
    %c0_i32_0 = arith.constant 0 : i32
    return %arg0, %c0_i32 : i32, i32
  }
  func.func @transform_10(%arg0: i32) -> (i32, i32) {
    %c0_i32 = arith.constant 0 : i32
    %c0_i32_0 = arith.constant 0 : i32
    return %arg0, %c0_i32 : i32, i32
  }
  func.func @transform_11(%arg0: i32) -> (i32, i32) {
    %c0_i32 = arith.constant 0 : i32
    %c0_i32_0 = arith.constant 0 : i32
    return %arg0, %c0_i32 : i32, i32
  }
}

</mosaic_0001>

<sc_bundles>
// kernel: kernel.11.cloned.1.call-start
scs
__scs_entry_jumppad:
0x0: {  	(pc) =	sbr.rel $0x88, $3  }
0x1: {  	(tag) =	ssettag $0x0;
	lr =	simm.s32 $0x1  }
0x2: {  	[smem:$0x3F92] =	sst lr;
	_ =	strace $0xD0000000  }
0x3: {  	_ = 	snop  }
0x4: {  	_ = 	snop  }
0x5: {  	_ = 	snop  }
0x6: {  	_ = 	snop  }
0x7: {  	_ = 	snop  }
__scs_overlays_trampoline_lowered:
0x8: {  	[smem:$0x3FA1] =	sst s0  }
0x9: {  	[smem:$0x3FA2] =	sst s1  }
0xa: {  	[smem:$0x3FA3] =	sst s2  }
0xb: {  	[smem:$0x3FA4] =	sst s3  }
0xc: {  	[smem:$0x3FA5] =	sst s4  }
0xd: {  	[smem:$0x3FA6] =	sst s5  }
0xe: {  	[smem:$0x3FA7] =	sst s6  }
0xf: {  	[smem:$0x3FA8] =	sst s7  }
0x10: {  	[smem:$0x3FA9] =	sst s8  }
0x11: {  	[smem:$0x3FAA] =	sst s9;
	s0 =	simm.s32 @!p0 $0x0  }
0x12: {  	s1 =	sld [smem:$0x3F90];
	s0 =	simm.s32 @p0 $0x1  }
0x13: {  	[smem:$0x3FAB] =	sst s0;
	s0 =	simm.s32 @!p1 $0x0  }
0x14: {  	s2 =	sld [smem:$0x3F8F];
	s0 =	simm.s32 @p1 $0x1  }
0x15: {  	[smem:$0x3FAC] =	sst s0;
	s0 =	simm.s32 @!p2 $0x0  }
0x16: {  	s3 =	sld [smem:$0x3FDB];
	s0 =	simm.s32 @p2 $0x1  }
0x17: {  	s4 =	simm.s32 $0x1BF5;
	[smem:$0x3FAE] =	sst s0  }
0x18: {  	s0 =	sld [smem:$0x3F91];
	_ =	swait.ge [sflag:s4], $0x0  }
0x19: {  	s7 =	sld [smem:$0x3F92]  }
0x1a: {  	s8 =	sadd.s32 $0xFFFFE003, lr  }
0x1b: {  	s9 =	sadd.s32 $0xFFFFFEF7, lr;
	s5 =	simm.s32 $0xFFFFFFFF;
	p2 =	slt.u32 s8, $0xFFFFF086  }
0x1c: {  	p1 =	slt.u32 s9, $0xF7A;
	s5 =	simm.s32 @!p2 $0x0  }
0x1d: {  	s5 =	simm.s32 @p1 $0x1;
	p0 =	seq.s32 s7, s2  }
0x1e: {  	s7 =	smul.u32 @!p0 $0xF7A, s2;
	p2 =	seq.s32 @!p0 s5, $0x0  }
0x1f: {  	s9 =	smul.u32 $0xF7A, s1;
	s8 =	simm.s32 @!p0 $0x1BF5;
	p2 =	por !p2, p0  }
0x20: {  	[sflag:s8] =	ssyncset.s32 @!p0 $0xFFFFF086;
	s6 =	sadd.s32 @!p0 s3, s7;
	s7 =	simm.s32 @!p0 $0x108  }
0x21: {  	s3 =	sadd.s32 s3, s9;
	s6 =	sadd.s32 @!p0 $0x88, s6;
	s7 =	simm.s32 @p2 $0x1082  }
0x22: {  	[simem:s7], [sflag:s8] =	dma.local @!p0 [hbm:s6], $0xF7A  }
0x23: {  	s9 =	sor.u32 $0xD0000000, s2;
	s6 =	simm.s32 $0x108;
	_ =	swait.ge @!p0 [sflag:s8], $0x0  }
0x24: {  	s3 =	sadd.s32 $0x88, s3;
	s6 =	simm.s32 @!p1 $0x1082;
	[sflag:s4] =	ssyncset.s32 $0xFFFFF086  }
0x25: {  	[simem:s6], [sflag:s4] =	dma.local [hbm:s3], $0xF7A  }
0x26: {  	[smem:$0x3F92] =	sst s1;
	(tag) =	ssettag s2;
	_ =	strace s9  }
0x27: {  	s1 =	sld [smem:$0x3FA2]  }
0x28: {  	s2 =	sld [smem:$0x3FA3]  }
0x29: {  	s4 =	sld [smem:$0x3FA5]  }
0x2a: {  	p0 =	seq.s32 s5, $0x0;
	s5 =	sld [smem:$0x3FA6]  }
0x2b: {  	s6 =	sld [smem:$0x3FA7]  }
0x2c: {  	s7 =	sld [smem:$0x3FA8]  }
0x2d: {  	s3 =	simm.s32 $0x108;
	s8 =	sld [smem:$0x3FA9]  }
0x2e: {  	s3 =	simm.s32 @!p0 $0x1082;
	s9 =	sld [smem:$0x3FAA]  }
0x2f: {  	lr =	sadd.s32 s0, s3;
	s0 =	sld [smem:$0x3FA1]  }
0x30: {  	s3 =	sld [smem:$0x3FA4]  }
0x31: {  	[smem:$0x3FAD] =	sst s10  }
0x32: {  	s10 =	sld [smem:$0x3FAB];
	_ =	sdelay $0x3  }
0x33: {  	p0 =	seq.s32 s10, $0x1;
	s10 =	sld [smem:$0x3FAD];
	_ =	sdelay $0x3  }
0x34: {  	[smem:$0x3FAD] =	sst s10  }
0x35: {  	s10 =	sld [smem:$0x3FAC];
	_ =	sdelay $0x3  }
0x36: {  	p1 =	seq.s32 s10, $0x1;
	s10 =	sld [smem:$0x3FAD];
	_ =	sdelay $0x3  }
0x37: {  	[smem:$0x3FAD] =	sst s10  }
0x38: {  	s10 =	sld [smem:$0x3FAE]  }
0x39: {  	_ = 	snop;
	(pc) =	sbr.ind lr, $3  }
0x3a: {  	_ = 	snop  }
0x3b: {  	_ = 	snop  }
0x3c: {  	p2 =	seq.s32 s10, $0x1;
	s10 =	sld [smem:$0x3FAD]  }
0x3d: {  	_ =	shalt  }
0x3e: {  	_ =	shalt  }
0x3f: {  	_ =	shalt  }
0x40: {  	_ =	shalt  }
0x41: {  	_ =	shalt  }
0x42: {  	_ =	shalt  }
0x43: {  	_ =	shalt  }
0x44: {  	_ =	shalt  }
0x45: {  	_ =	shalt  }
0x46: {  	_ =	shalt  }
0x47: {  	_ =	shalt  }
0x48: {  	_ =	shalt  }
0x49: {  	_ =	shalt  }
0x4a: {  	_ =	shalt  }
0x4b: {  	_ =	shalt  }
0x4c: {  	_ =	shalt  }
0x4d: {  	_ =	shalt  }
0x4e: {  	_ =	shalt  }
0x4f: {  	_ =	shalt  }
0x50: {  	_ =	shalt  }
0x51: {  	_ =	shalt  }
0x52: {  	_ =	shalt  }
0x53: {  	_ =	shalt  }
0x54: {  	_ =	shalt  }
0x55: {  	_ =	shalt  }
0x56: {  	_ =	shalt  }
0x57: {  	_ =	shalt  }
0x58: {  	_ =	shalt  }
0x59: {  	_ =	shalt  }
0x5a: {  	_ =	shalt  }
0x5b: {  	_ =	shalt  }
0x5c: {  	_ =	shalt  }
0x5d: {  	_ =	shalt  }
0x5e: {  	_ =	shalt  }
0x5f: {  	_ =	shalt  }
0x60: {  	_ =	shalt  }
0x61: {  	_ =	shalt  }
0x62: {  	_ =	shalt  }
0x63: {  	_ =	shalt  }
0x64: {  	_ =	shalt  }
0x65: {  	_ =	shalt  }
0x66: {  	_ =	shalt  }
0x67: {  	_ =	shalt  }
0x68: {  	_ =	shalt  }
0x69: {  	_ =	shalt  }
0x6a: {  	_ =	shalt  }
0x6b: {  	_ =	shalt  }
0x6c: {  	_ =	shalt  }
0x6d: {  	_ =	shalt  }
0x6e: {  	_ =	shalt  }
0x6f: {  	_ =	shalt  }
0x70: {  	_ =	shalt  }
0x71: {  	_ =	shalt  }
0x72: {  	_ =	shalt  }
0x73: {  	_ =	shalt  }
0x74: {  	_ =	shalt  }
0x75: {  	_ =	shalt  }
0x76: {  	_ =	shalt  }
0x77: {  	_ =	shalt  }
0x78: {  	_ =	shalt  }
0x79: {  	_ =	shalt  }
0x7a: {  	_ =	shalt  }
0x7b: {  	_ =	shalt  }
0x7c: {  	_ =	shalt  }
0x7d: {  	_ =	shalt  }
0x7e: {  	_ =	shalt  }
0x7f: {  	_ =	shalt  }
0x80: {  	_ =	shalt  }
0x81: {  	_ =	shalt  }
0x82: {  	_ =	shalt  }
0x83: {  	_ =	shalt  }
0x84: {  	_ =	shalt  }
0x85: {  	_ =	shalt  }
0x86: {  	_ =	shalt  }
0x87: {  	_ =	shalt  }
.Lfunc_end0:
.L_simem_size_0:
called_computation.1_lowered:
.L_overlay_start_0:
0x88: {  	s2 =	sld [smem:$0x3FD9]  }
0x89: {  	s3 =	sld [smem:$0x3FFE];
	_ =	sdelay $0x1  }
0x8a: {  	s1 =	srdreg.scid  }
0x8b: {  	s0 =	sand.u32 $0x1, s1  }
0x8c: {  	s15 =	sshll.u32 s0, $0xA;
	s2 =	sadd.s32 s3, s2  }
0x8d: {  	s2 =	sadd.s32 s2, s15  }
0x8e: {  	[smem:$0x3FB9] =	sst s2  }
0x8f: {  	_ = 	snop  }
0x90: {  	s2 =	sld [smem:$0x3FD0];
	_ =	sdelay $0x2  }
0x91: {  	s16 =	simm.s32 $0xB;
	s4 =	simm.s32 $0x10  }
0x92: {  	[smem:s4], [sflag:s16] =	dma.local [hbm:s2], $0x1  }
0x93: {  	_ =	swait.eq [sflag:s16], $0x1  }
0x94: {  	[sflag:s16] =	ssyncset.done $0x0  }
0x95: {  	[sflag:s16] =	ssyncadd.s32 $0xFFFFFFFF  }
0x96: {  	s17 =	sld [smem:$0x12];
	(tm) =	ssettm $0x1  }
0x97: {  	s18 =	sld [smem:$0x3FFB];
	_ =	sdelay $0x3  }
0x98: {  	_ =	strace s18  }
0x99: {  	s2 =	sld [smem:$0x3FFC];
	_ =	sdelay $0x3  }
0x9a: {  	_ =	strace s2  }
0x9b: {  	s2 =	sld [smem:$0x3FFD];
	_ =	sdelay $0x3  }
0x9c: {  	_ =	strace s2  }
0x9d: {  	_ =	strace $0x8FFFFFFF  }
0x9e: {  	s19 =	sld [smem:$0x3FDB];
	_ =	sdelay $0x1  }
0x9f: {  	s20 =	simm.s32 $_scs_section_size  }
0xa0: {  	s5 =	simm.s32 $_size__tile_overlayer_lowered;
	s6 =	simm.s32 $_tile_overlayer_lowered  }
0xa1: {  	s7 =	simm.s32 $0x1BFF;
	s21 =	sshll.u32 s6, $0x1;
	s4 =	sadd.s32 s20, s19  }
0xa2: {  	s22 =	simm.s32 $0x0;
	s5 =	sshll.u32 s5, $0x1;
	s6 =	sadd.s32 s21, s4  }
0xa3: {  	[timem:s22], [sflag:s7] =	dma.local [hbm:s6], s5  }
0xa4: {  	_ =	swait.ge [sflag:s7], s5  }
0xa5: {  	s5 =	ssub.s32 $0x0, s5;
	[sflag:s7] =	ssyncset.done $0x0  }
0xa6: {  	[sflag:s7] =	ssyncadd.s32 s5;
	_ =	sdelay $0x1  }
0xa7: {  	s23 =	simm.s32 $0x1B8B  }
0xa8: {  	_ =	swait.ge [sflag:s23], $0x1  }
0xa9: {  	[sflag:s23] =	ssyncset.done $0x0  }
0xaa: {  	[sflag:s23] =	ssyncadd.s32 $0xFFFFFFFF  }
0xab: {  	s5 =	sld [smem:$0x0]  }
0xac: {  	s6 =	sand.u32 $0xFFFFFFFE, s1  }
0xad: {  	p0 =	sne.s32 s1, s6  }
0xae: {  	s6 =	sshll.u32 @p0 s6, $0xE  }
0xaf: {  	s6 =	sadd.s32 @p0 $0x11B8D, s6;
	s7 =	sshll.u32 @p0 s5, $0x11  }
0xb0: {  	s6 =	sor.u32 @p0 s7, s6  }
0xb1: {  	[sflag:s6] =	ssyncadd.remote.s32 @p0 $0x1;
	_ =	sdelay $0x1  }
0xb2: {  	s6 =	simm.s32 @p0 $0x1B8D  }
0xb3: {  	_ =	swait.eq @p0 [sflag:s6], $0x1  }
0xb4: {  	[sflag:s6] =	ssyncadd.s32 @p0 $0xFFFFFFFF  }
0xb5: {  	s7 =	sshll.u32 @!p0 s1, $0xE  }
0xb6: {  	s7 =	sor.u32 @!p0 $0x4000, s7;
	s6 =	simm.s32 @!p0 $0x1B8D  }
0xb7: {  	s5 =	sshll.u32 @!p0 s5, $0x11;
	s7 =	sadd.s32 @!p0 $0x11B8D, s7;
	_ =	swait.eq @!p0 [sflag:s6], $0x1  }
0xb8: {  	s5 =	sor.u32 @!p0 s5, s7;
	[sflag:s6] =	ssyncadd.s32 @!p0 $0xFFFFFFFF  }
0xb9: {  	s25 =	simm.s32 $0x1B8E;
	s24 =	sld [smem:$0x3FFE];
	[sflag:s5] =	ssyncadd.remote.s32 @!p0 $0x1  }
0xba: {  	s26 =	simm.s32 $execute0_lowered;
	[smem:$0x3FD2] =	sst s25  }
0xbb: {  	s6 =	sshll.u32 s26, $0x1;
	_ =	strace $0x80000049;
	[dreg:$0x1] =	wrdreg $0xFFFFFFFF  }
0xbc: {  	s28 =	simm.s32 $_size_execute0_lowered;
	s4 =	sadd.s32 s4, s6;
	[dreg:$0x0] =	wrdreg $0x0  }
0xbd: {  	s6 =	sshll.u32 s28, $0x1;
	[dreg:$0x2] =	wrdreg s4  }
0xbe: {  	[dreg:$0x3] =	wrdreg s6  }
0xbf: {  	[dreg:$0x4] =	wrdreg $0xC0  }
0xc0: {  	_ =	task [dreg:s22], $0x5FFFF  }
0xc1: {  	[dreg:$0x1] =	wrdreg $0xFFFFFFFF  }
0xc2: {  	[dreg:$0x0] =	wrdreg $0x60  }
0xc3: {  	[dreg:$0x2] =	wrdreg s24  }
0xc4: {  	[dreg:$0x3] =	wrdreg s17  }
0xc5: {  	[dreg:$0x4] =	wrdreg $0x0  }
0xc6: {  	[dreg:$0x5] =	wrdreg $0xA  }
0xc7: {  	_ =	task.clear_ibuf [dreg:s22], $0x6FFFF;
	_ =	strace $0x90000049  }
0xc8: {  	s29 =	simm.s32 $0xA;
	_ =	strace $0x8000004B  }
0xc9: {  	_ =	swait.ge [sflag:s29], $0x1  }
0xca: {  	[sflag:s29] =	ssyncadd.s32 $0xFFFFFFFF  }
0xcb: {  	_ =	strace $0x9000004B  }
0xcc: {  	_ =	sfence  }
0xcd: {  	s30 =	sld [smem:$0x0];
	_ =	sdelay $0x2  }
0xce: {  	s31 =	sshll.u32 s1, $0xD;
	s1 =	sshrl.u32 s1, $0x2  }
0xcf: {  	s4 =	sand.u32 $0x4000, s31;
	s1 =	sadd.s32 s1, s30  }
0xd0: {  	s0 =	sor.u32 s4, s0;
	s1 =	sshll.u32 s1, $0x11  }
0xd1: {  	s0 =	sor.u32 s1, s0  }
0xd2: {  	s0 =	sadd.s32 $0x8F2B, s0  }
0xd3: {  	[sflag:s0] =	ssyncadd.remote.s32 $0x1  }
0xd4: {  	_ =	sfence.sel $0xFFFF  }
0xd5: {  	[dreg:$0x0] =	wrdreg $0xFFFFFFFF;
	(pc) =	sbr.abs _section_cstart, $3  }
0xd6: {  	[dreg:$0x1] =	wrdreg $0xFFFFFFFF  }
0xd7: {  	_ =	task.clear_ibuf [dreg:s22], $0x2FFFF;
	_ =	strace $0x9FFFFFFF  }
0xd8: {  	(tm) =	ssettm $0x7FFFFFFF  }
0xd9: {  	_ =	shalt  }
tec
execute0_lowered:
.L_overlay_start_1:
0x0: {  	(tag) =	ssettag $0x1  }
0x1: {  	s0 =	rddreg [dreg:$0x0]  }
0x2: {  	s3 =	rddreg [dreg:$0x2];
	s1 =	srdreg.scid  }
0x3: {  	s2 =	stileid.u32;
	s4 =	simm.s32 $0x0;
	s18 =	simm.s32 $0x2  }
0x4: {  	s19 =	simm.s32 $0x13C00;
	s20 =	simm.s32 $0x13C80;
	s21 =	simm.s32 $0x80  }
0x5: {  	s22 =	simm.s32 $0x13E00;
	s23 =	simm.s32 $0x13D00;
	s24 =	simm.s32 $0x13D80  }
0x6: {  	s25 =	simm.s32 $0x1;
	s26 =	simm.s32 $0x17E00;
	s8 =	smul.u32 $0x2780, s2  }
0x7: {  	s28 =	simm.s32 $0x0;
	s1 =	sand.u32 $0x1, s1;
	s10 =	smul.u32 $0x4F000, s2  }
0x8: {  	[smem:$0x7FF] =	sst s4;
	s5 =	sadd.s32 $0xA9A00, s0;
	s9 =	smul.u32 $0x27800, s1  }
0x9: {  	s6 =	sadd.s32 $0xF7C00, s0;
	s11 =	smul.u32 $0x28000, s1;
	s1 =	ssub.s32 $0x2, s1  }
0xa: {  	s7 =	sadd.s32 $0x56800, s0;
	s31 =	sshll.u32 s2, $0x6;
	s30 =	sshrl.u32 s1, $0x1  }
0xb: {  	s10 =	sshrl.u32 s10, $0x2;
	s9 =	sadd.s32 s8, s9;
	s8 =	smul.u32 $0x2800, s2  }
0xc: {  	_ =	strace $0x8000004A;
	s1 =	ssub.s32 s1, s30;
	s17 =	sadd.s32 s10, s3  }
0xd: {  	s10 =	sor.u32 $0x1C02, s31;
	s0 =	sadd.s32 s9, s0;
	s9 =	sadd.s32 s8, s11  }
0xe: {  	s16 =	smax.u32 s1, $0x1;
	s12 =	sshrl.u32 s8, $0x3;
	s11 =	sshrl.u32 s9, $0x3  }
0xf: {  	s17 =	sshrl.u32 s17, $0x3;
	s12 =	sadd.s32 s7, s12;
	s11 =	sadd.s32 s6, s11  }
0x10: {  	s15 =	sadd.s32 $0x101C00, s0;
	s14 =	sadd.s32 $0x490, s12;
	s13 =	sadd.s32 $0x490, s11  }
.LBB2_1:
0x11: {  	s0 =	rddreg [dreg:$0x1]  }
0x12: {  	[spmem:s17], [sflag:s10] =	dma.local [hbm:s0], $0x2780  }
0x13: {  	_ =	swait.ge [sflag:s18], $0x2780  }
0x14: {  	[sflag:s18] =	ssyncset.done $0x0  }
0x15: {  	[sflag:s18] =	ssyncadd.s32 $0xFFFFD880  }
0x16: {  	[bflag:$0x0] =	sbarrier.arrive $0xFFFF  }
0x17: {  	[tilespmem:s19], [sflag:$0x2] =	stream.linear.gather [hbm4b:s11+s4], $0x80, $0x38;
	[tilespmem:$0x1BE00] =	vst v63  }
0x18: {  	_ =	swait.ge [sflag:s18], $0x80  }
0x19: {  	s30 =	simm.s32 $0x0;
	[sflag:s18] =	ssyncset.done $0x0  }
0x1a: {  	s1 =	sand.u32 $0x3C00, s30;
	s0 =	sand.u32 $0x300, s30;
	[sflag:s18] =	ssyncadd.s32 $0xFFFFFF80  }
0x1b: {  	[tilespmem:s20], [sflag:$0x2] =	stream.linear.gather [hbm4b:s12+s4], $0x80, $0x38;
	[tilespmem:$0x1BE00] =	vst v63  }
0x1c: {  	s29 =	sadd.s32 s9, s1;
	s0 =	sor.u32 $0x80, s0;
	_ =	swait.ge [sflag:s18], $0x80  }
0x1d: {  	s29 =	sor.u32 s0, s29;
	[sflag:s18] =	ssyncset.done $0x0  }
0x1e: {  	s29 =	sshrl.u32 s29, $0x3;
	[sflag:s18] =	ssyncadd.s32 $0xFFFFFF80  }
0x1f: {  	[tilespmem:s22], [sflag:$0x1] =	stream.indirect.gather [hbm4b:s5+s21], $0x80, s19, s21, $0xb8;
	[tilespmem:$0x1BE00] =	vst v63  }
0x20: {  	s1 =	sadd.s32 s8, s1;
	s29 =	sadd.s32 s6, s29  }
0x21: {  	[tilespmem:s23], [sflag:$0x2] =	stream.linear.gather [hbm4b:s29+s4], $0x80, $0x38;
	[tilespmem:$0x1BE00] =	vst v63  }
0x22: {  	s0 =	sor.u32 s0, s1;
	_ =	swait.ge [sflag:s18], $0x80  }
0x23: {  	s0 =	sshrl.u32 s0, $0x3;
	[sflag:s18] =	ssyncset.done $0x0  }
0x24: {  	s0 =	sadd.s32 s7, s0;
	[sflag:s18] =	ssyncadd.s32 $0xFFFFFF80  }
0x25: {  	[tilespmem:s24], [sflag:$0x2] =	stream.linear.gather [hbm4b:s0+s4], $0x80, $0x38;
	[tilespmem:$0x1BE00] =	vst v63  }
0x26: {  	_ =	swait.ge [sflag:s18], $0x80  }
0x27: {  	[sflag:s18] =	ssyncset.done $0x0  }
0x28: {  	[sflag:s18] =	ssyncadd.s32 $0xFFFFFF80  }
0x29: {  	_ =	swait.ge [sflag:s25], $0x4000  }
0x2a: {  	s1 =	simm.s32 $0x100;
	[sflag:s25] =	ssyncset.done $0x0  }
0x2b: {  	s2 =	sand.u32 $0x7C00, s1;
	[sflag:s25] =	ssyncadd.s32 $0xFFFFC000  }
0x2c: {  	[tilespmem:s26], [sflag:$0x1] =	stream.indirect.gather [hbm4b:s5+s21], $0x80, s23, s21, $0xb8;
	[tilespmem:$0x1BE00] =	vst v63  }
0x2d: {  	s29 =	sadd.s32 s9, s2;
	s0 =	sand.u32 $0x300, s1  }
0x2e: {  	[spmem:s3] =	stream.indirect.scatter.add.f32 [tilespmem:s22], [sflag:$0x2], $0x80, s20, s21, $0xb8;
	[tilespmem:$0x1BE00] =	vst v63  }
0x2f: {  	s29 =	sor.u32 s0, s29;
	_ =	swait.ge [sflag:s18], $0x4000  }
0x30: {  	s29 =	sshrl.u32 s29, $0x3;
	[sflag:s18] =	ssyncset.done $0x0  }
0x31: {  	s1 =	sadd.s32 s8, s2;
	s29 =	sadd.s32 s6, s29;
	[sflag:s18] =	ssyncadd.s32 $0xFFFFC000  }
0x32: {  	[tilespmem:s19], [sflag:$0x2] =	stream.linear.gather [hbm4b:s29+s4], $0x80, $0x38;
	[tilespmem:$0x1BE00] =	vst v63  }
0x33: {  	s0 =	sor.u32 s0, s1;
	_ =	swait.ge [sflag:s18], $0x80  }
0x34: {  	s0 =	sshrl.u32 s0, $0x3;
	[sflag:s18] =	ssyncset.done $0x0  }
0x35: {  	s0 =	sadd.s32 s7, s0;
	[sflag:s18] =	ssyncadd.s32 $0xFFFFFF80  }
0x36: {  	[tilespmem:s20], [sflag:$0x2] =	stream.linear.gather [hbm4b:s0+s4], $0x80, $0x38;
	[tilespmem:$0x1BE00] =	vst v63  }
0x37: {  	_ =	swait.ge [sflag:s18], $0x80  }
0x38: {  	[sflag:s18] =	ssyncset.done $0x0  }
0x39: {  	[sflag:s18] =	ssyncadd.s32 $0xFFFFFF80  }
0x3a: {  	s30 =	simm.s32 $0x100;
	_ =	swait.ge [sflag:s25], $0x4000  }
0x3b: {  	s31 =	simm.s32 $0x300;
	s1 =	sand.u32 $0x300, s30;
	[sflag:s25] =	ssyncset.done $0x0  }
0x3c: {  	s29 =	simm.s32 $0x200;
	s0 =	sand.u32 $0x3C00, s30;
	[sflag:s25] =	ssyncadd.s32 $0xFFFFC000  }
.LBB2_2:
0x3d: {  	[tilespmem:s22], [sflag:$0x1] =	stream.indirect.gather [hbm4b:s5+s21], $0x80, s19, s21, $0xb8;
	[tilespmem:$0x1BE00] =	vst v63  }
0x3e: {  	s2 =	smov.u32 s31  }
0x3f: {  	s30 =	sadd.s32 s9, s0;
	s1 =	sor.u32 $0x80, s1;
	s0 =	sadd.s32 s8, s0  }
0x40: {  	[spmem:s3] =	stream.indirect.scatter.add.f32 [tilespmem:s26], [sflag:$0x2], $0x80, s24, s21, $0xb8;
	[tilespmem:$0x1BE00] =	vst v63  }
0x41: {  	s30 =	sor.u32 s1, s30;
	s0 =	sor.u32 s1, s0;
	_ =	swait.ge [sflag:s18], $0x4000  }
0x42: {  	s1 =	sshrl.u32 s30, $0x3;
	s0 =	sshrl.u32 s0, $0x3;
	[sflag:s18] =	ssyncset.done $0x0  }
0x43: {  	s30 =	sadd.s32 $0x100, s31;
	s1 =	sadd.s32 s6, s1;
	[sflag:s18] =	ssyncadd.s32 $0xFFFFC000  }
0x44: {  	[tilespmem:s23], [sflag:$0x2] =	stream.linear.gather [hbm4b:s1+s4], $0x80, $0x38;
	[tilespmem:$0x1BE00] =	vst v63  }
0x45: {  	p0 =	sne.s32 s31, $0x2400;
	_ =	swait.ge [sflag:s18], $0x80  }
0x46: {  	[sflag:s18] =	ssyncset.done $0x0  }
0x47: {  	s0 =	sadd.s32 s7, s0;
	[sflag:s18] =	ssyncadd.s32 $0xFFFFFF80  }
0x48: {  	[tilespmem:s24], [sflag:$0x2] =	stream.linear.gather [hbm4b:s0+s4], $0x80, $0x38;
	[tilespmem:$0x1BE00] =	vst v63  }
0x49: {  	_ =	swait.ge [sflag:s18], $0x80  }
0x4a: {  	[sflag:s18] =	ssyncset.done $0x0  }
0x4b: {  	[sflag:s18] =	ssyncadd.s32 $0xFFFFFF80  }
0x4c: {  	_ =	swait.ge [sflag:s25], $0x4000  }
0x4d: {  	[sflag:s25] =	ssyncset.done $0x0  }
0x4e: {  	[sflag:s25] =	ssyncadd.s32 $0xFFFFC000  }
0x4f: {  	[tilespmem:s26], [sflag:$0x1] =	stream.indirect.gather [hbm4b:s5+s21], $0x80, s23, s21, $0xb8;
	[tilespmem:$0x1BE00] =	vst v63  }
0x50: {  	s1 =	sand.u32 $0x300, s29;
	s0 =	sand.u32 $0x7C00, s29;
	s29 =	smov.u32 s2  }
0x51: {  	[spmem:s3] =	stream.indirect.scatter.add.f32 [tilespmem:s22], [sflag:$0x2], $0x80, s20, s21, $0xb8;
	[tilespmem:$0x1BE00] =	vst v63  }
0x52: {  	s2 =	sadd.s32 s9, s0;
	s0 =	sadd.s32 s8, s0;
	_ =	swait.ge [sflag:s18], $0x4000  }
0x53: {  	s2 =	sor.u32 s1, s2;
	s0 =	sor.u32 s1, s0;
	[sflag:s18] =	ssyncset.done $0x0  }
0x54: {  	s1 =	sshrl.u32 s2, $0x3;
	s0 =	sshrl.u32 s0, $0x3;
	[sflag:s18] =	ssyncadd.s32 $0xFFFFC000  }
0x55: {  	s1 =	sadd.s32 s6, s1  }
0x56: {  	[tilespmem:s19], [sflag:$0x2] =	stream.linear.gather [hbm4b:s1+s4], $0x80, $0x38;
	[tilespmem:$0x1BE00] =	vst v63  }
0x57: {  	_ =	swait.ge [sflag:s18], $0x80  }
0x58: {  	s0 =	sadd.s32 s7, s0;
	[sflag:s18] =	ssyncset.done $0x0  }
0x59: {  	[sflag:s18] =	ssyncadd.s32 $0xFFFFFF80  }
0x5a: {  	[tilespmem:s20], [sflag:$0x2] =	stream.linear.gather [hbm4b:s0+s4], $0x80, $0x38;
	[tilespmem:$0x1BE00] =	vst v63  }
0x5b: {  	_ =	swait.ge [sflag:s18], $0x80  }
.Ltmp0:
0x5c: {  	[sflag:s18] =	ssyncset.done $0x0;
	(pc) =	sbr.rel @p0 .LBB2_2-.Ltmp0, $4  }
0x5d: {  	s1 =	sadd.s32 $0xFFFFFF00, s29;
	[sflag:s18] =	ssyncadd.s32 $0xFFFFFF80  }
0x5e: {  	s0 =	sand.u32 $0x3C00, s1;
	s1 =	sand.u32 $0x300, s1;
	_ =	swait.ge [sflag:s25], $0x4000  }
0x5f: {  	[sflag:s25] =	ssyncset.done $0x0  }
0x60: {  	s31 =	smov.u32 s30;
	[sflag:s25] =	ssyncadd.s32 $0xFFFFC000  }
0x61: {  	[tilespmem:s22], [sflag:$0x1] =	stream.indirect.gather [hbm4b:s5+s21], $0x80, s19, s21, $0xb8;
	[tilespmem:$0x1BE00] =	vst v63  }
0x62: {  	s2 =	sadd.s32 s9, s0;
	s1 =	sor.u32 $0x80, s1  }
0x63: {  	[spmem:s3] =	stream.indirect.scatter.add.f32 [tilespmem:s26], [sflag:$0x2], $0x80, s24, s21, $0xb8;
	[tilespmem:$0x1BE00] =	vst v63  }
0x64: {  	s2 =	sor.u32 s1, s2;
	_ =	swait.ge [sflag:s18], $0x4000  }
0x65: {  	s2 =	sshrl.u32 s2, $0x3;
	[sflag:s18] =	ssyncset.done $0x0  }
0x66: {  	s31 =	sadd.s32 s8, s0;
	s2 =	sadd.s32 s6, s2;
	[sflag:s18] =	ssyncadd.s32 $0xFFFFC000  }
0x67: {  	[tilespmem:s23], [sflag:$0x2] =	stream.linear.gather [hbm4b:s2+s4], $0x80, $0x38;
	[tilespmem:$0x1BE00] =	vst v63  }
0x68: {  	s0 =	sor.u32 s1, s31;
	_ =	swait.ge [sflag:s18], $0x80  }
0x69: {  	s0 =	sshrl.u32 s0, $0x3;
	[sflag:s18] =	ssyncset.done $0x0  }
0x6a: {  	s0 =	sadd.s32 s7, s0;
	[sflag:s18] =	ssyncadd.s32 $0xFFFFFF80  }
0x6b: {  	[tilespmem:s24], [sflag:$0x2] =	stream.linear.gather [hbm4b:s0+s4], $0x80, $0x38;
	[tilespmem:$0x1BE00] =	vst v63  }
0x6c: {  	_ =	swait.ge [sflag:s18], $0x80  }
0x6d: {  	[sflag:s18] =	ssyncset.done $0x0  }
0x6e: {  	[sflag:s18] =	ssyncadd.s32 $0xFFFFFF80  }
0x6f: {  	_ =	swait.ge [sflag:s25], $0x4000  }
0x70: {  	[sflag:s25] =	ssyncset.done $0x0  }
0x71: {  	s1 =	sand.u32 $0x7C00, s29;
	[sflag:s25] =	ssyncadd.s32 $0xFFFFC000  }
0x72: {  	[tilespmem:s26], [sflag:$0x1] =	stream.indirect.gather [hbm4b:s5+s21], $0x80, s23, s21, $0xb8;
	[tilespmem:$0x1BE00] =	vst v63  }
0x73: {  	s30 =	sand.u32 $0x300, s29;
	s31 =	sadd.s32 s9, s1  }
0x74: {  	[spmem:s3] =	stream.indirect.scatter.add.f32 [tilespmem:s22], [sflag:$0x2], $0x80, s20, s21, $0xb8;
	[tilespmem:$0x1BE00] =	vst v63  }
0x75: {  	s2 =	sor.u32 s30, s31;
	_ =	swait.ge [sflag:s18], $0x4000  }
0x76: {  	s2 =	sshrl.u32 s2, $0x3;
	[sflag:s18] =	ssyncset.done $0x0  }
0x77: {  	s2 =	sadd.s32 s6, s2;
	s0 =	sadd.s32 s8, s1;
	[sflag:s18] =	ssyncadd.s32 $0xFFFFC000  }
0x78: {  	[tilespmem:s19], [sflag:$0x2] =	stream.linear.gather [hbm4b:s2+s4], $0x80, $0x38;
	[tilespmem:$0x1BE00] =	vst v63  }
0x79: {  	s0 =	sor.u32 s30, s0;
	_ =	swait.ge [sflag:s18], $0x80  }
0x7a: {  	s0 =	sshrl.u32 s0, $0x3;
	[sflag:s18] =	ssyncset.done $0x0  }
0x7b: {  	s0 =	sadd.s32 s7, s0;
	[sflag:s18] =	ssyncadd.s32 $0xFFFFFF80  }
0x7c: {  	[tilespmem:s20], [sflag:$0x2] =	stream.linear.gather [hbm4b:s0+s4], $0x80, $0x38;
	[tilespmem:$0x1BE00] =	vst v63  }
0x7d: {  	_ =	swait.ge [sflag:s18], $0x80  }
0x7e: {  	[sflag:s18] =	ssyncset.done $0x0  }
0x7f: {  	[sflag:s18] =	ssyncadd.s32 $0xFFFFFF80  }
0x80: {  	_ =	swait.ge [sflag:s25], $0x4000  }
0x81: {  	[sflag:s25] =	ssyncset.done $0x0  }
0x82: {  	[sflag:s25] =	ssyncadd.s32 $0xFFFFC000  }
0x83: {  	[tilespmem:s22], [sflag:$0x1] =	stream.indirect.gather [hbm4b:s5+s21], $0x80, s19, s21, $0xb8;
	[tilespmem:$0x1BE00] =	vst v63  }
0x84: {  	_ = 	snop  }
0x85: {  	[spmem:s3] =	stream.indirect.scatter.add.f32 [tilespmem:s26], [sflag:$0x2], $0x80, s24, s21, $0xb8;
	[tilespmem:$0x1BE00] =	vst v63  }
0x86: {  	_ =	swait.ge [sflag:s18], $0x4000  }
0x87: {  	[sflag:s18] =	ssyncset.done $0x0  }
0x88: {  	[sflag:s18] =	ssyncadd.s32 $0xFFFFC000  }
0x89: {  	[tilespmem:s23], [sflag:$0x2] =	stream.linear.gather [hbm4b:s13+s4], $0x80, $0x38;
	[tilespmem:$0x1BE00] =	vst v63  }
0x8a: {  	_ =	swait.ge [sflag:s18], $0x80  }
0x8b: {  	[sflag:s18] =	ssyncset.done $0x0  }
0x8c: {  	[sflag:s18] =	ssyncadd.s32 $0xFFFFFF80  }
0x8d: {  	[tilespmem:s24], [sflag:$0x2] =	stream.linear.gather [hbm4b:s14+s4], $0x80, $0x38;
	[tilespmem:$0x1BE00] =	vst v63  }
0x8e: {  	_ =	swait.ge [sflag:s18], $0x80  }
0x8f: {  	[sflag:s18] =	ssyncset.done $0x0  }
0x90: {  	[sflag:s18] =	ssyncadd.s32 $0xFFFFFF80  }
0x91: {  	_ =	swait.ge [sflag:s25], $0x4000  }
0x92: {  	[sflag:s25] =	ssyncset.done $0x0  }
0x93: {  	[sflag:s25] =	ssyncadd.s32 $0xFFFFC000  }
0x94: {  	[tilespmem:s26], [sflag:$0x1] =	stream.indirect.gather [hbm4b:s5+s21], $0x80, s23, s21, $0xb8;
	[tilespmem:$0x1BE00] =	vst v63  }
0x95: {  	_ = 	snop  }
0x96: {  	[spmem:s3] =	stream.indirect.scatter.add.f32 [tilespmem:s22], [sflag:$0x2], $0x80, s20, s21, $0xb8;
	[tilespmem:$0x1BE00] =	vst v63  }
0x97: {  	_ =	swait.ge [sflag:s18], $0x4000  }
0x98: {  	[sflag:s18] =	ssyncset.done $0x0  }
0x99: {  	[sflag:s18] =	ssyncadd.s32 $0xFFFFC000  }
0x9a: {  	_ =	swait.ge [sflag:s25], $0x4000  }
0x9b: {  	[sflag:s25] =	ssyncset.done $0x0  }
0x9c: {  	[sflag:s25] =	ssyncadd.s32 $0xFFFFC000  }
0x9d: {  	[spmem:s3] =	stream.indirect.scatter.add.f32 [tilespmem:s26], [sflag:$0x2], $0x80, s24, s21, $0xb8;
	[tilespmem:$0x1BE00] =	vst v63  }
0x9e: {  	_ =	swait.ge [sflag:s18], $0x4000  }
0x9f: {  	s28 =	sadd.s32 $0x1, s28;
	[sflag:s18] =	ssyncset.done $0x0  }
0xa0: {  	p0 =	sne.s32 s28, s16;
	[sflag:s18] =	ssyncadd.s32 $0xFFFFC000  }
.Ltmp1:
0xa1: {  	[bflag:$0x0] =	sbarrier.arrive $0xFFFF;
	(pc) =	sbr.rel @p0 .LBB2_1-.Ltmp1, $4  }
0xa2: {  	[hbm:s15], [sflag:s10] =	dma.local [spmem:s17], $0x2780  }
0xa3: {  	_ =	swait.ge [sflag:s18], $0x2780  }
0xa4: {  	[sflag:s18] =	ssyncset.done $0x0  }
0xa5: {  	[sflag:s18] =	ssyncadd.s32 $0xFFFFD880  }
0xa6: {  	_ =	sfence.sel $0x180000  }
0xa7: {  	[bflag:$0x0] =	sbarrier.arrive $0xFFFF  }
0xa8: {  	_ =	strace $0x9000004A  }
0xa9: {  	s0 =	stileid.u32;
	[bflag:$0x2] =	sbarrier.arrive $0xFFFF  }
0xaa: {  	p0 =	sne.s32 s0, $0x0;
	s0 =	rddreg [dreg:$0x3]  }
0xab: {  	s0 =	sadd.s32 @!p0 $0x100000, s0  }
0xac: {  	[sflag:s0] =	ssyncadd.tile.s32 @!p0 $0x1;
	_ =	shalt  }
.Lfunc_end2:
_tile_overlayer_lowered:
.L_overlay_start_2:
0xad: {  	(tag) =	ssettag $0x2  }
0xae: {  	s0 =	rddreg [dreg:$0x0];
	s2 =	stileid.u32  }
0xaf: {  	s1 =	rddreg [dreg:$0x1];
	p0 =	sne.s32 s2, $0x0  }
0xb0: {  	s3 =	rddreg [dreg:$0x2];
	[bflag:$0x3] =	sbarrier.arrive $0xFFFF;
	s2 =	simm.s32 @!p0 $0x1C02  }
0xb1: {  	[timem:s3], [sflag:s2] =	dma.local @!p0 [hbm:s0], s1  }
0xb2: {  	s0 =	simm.s32 @!p0 $0x2  }
0xb3: {  	_ =	swait.ge @!p0 [sflag:s0], s1  }
0xb4: {  	s1 =	ssub.s32 @!p0 $0x0, s1;
	[sflag:s0] =	ssyncset.done @!p0 $0x0  }
0xb5: {  	[sflag:s0] =	ssyncadd.s32 @!p0 s1  }
0xb6: {  	[bflag:$0x3] =	sbarrier.arrive $0xFFFF  }
0xb7: {  	_ =	shalt  }

// kernel: kernel.14.cloned.1.call-start
scs
__scs_entry_jumppad:
0x0: {  	(pc) =	sbr.rel $0x88, $3  }
0x1: {  	(tag) =	ssettag $0x0;
	lr =	simm.s32 $0x1  }
0x2: {  	[smem:$0x3F92] =	sst lr;
	_ =	strace $0xD0000000  }
0x3: {  	_ = 	snop  }
0x4: {  	_ = 	snop  }
0x5: {  	_ = 	snop  }
0x6: {  	_ = 	snop  }
0x7: {  	_ = 	snop  }
__scs_overlays_trampoline_lowered:
0x8: {  	[smem:$0x3FA1] =	sst s0  }
0x9: {  	[smem:$0x3FA2] =	sst s1  }
0xa: {  	[smem:$0x3FA3] =	sst s2  }
0xb: {  	[smem:$0x3FA4] =	sst s3  }
0xc: {  	[smem:$0x3FA5] =	sst s4  }
0xd: {  	[smem:$0x3FA6] =	sst s5  }
0xe: {  	[smem:$0x3FA7] =	sst s6  }
0xf: {  	[smem:$0x3FA8] =	sst s7  }
0x10: {  	[smem:$0x3FA9] =	sst s8  }
0x11: {  	[smem:$0x3FAA] =	sst s9;
	s0 =	simm.s32 @!p0 $0x0  }
0x12: {  	s1 =	sld [smem:$0x3F90];
	s0 =	simm.s32 @p0 $0x1  }
0x13: {  	[smem:$0x3FAB] =	sst s0;
	s0 =	simm.s32 @!p1 $0x0  }
0x14: {  	s2 =	sld [smem:$0x3F8F];
	s0 =	simm.s32 @p1 $0x1  }
0x15: {  	[smem:$0x3FAC] =	sst s0;
	s0 =	simm.s32 @!p2 $0x0  }
0x16: {  	s3 =	sld [smem:$0x3FDB];
	s0 =	simm.s32 @p2 $0x1  }
0x17: {  	s4 =	simm.s32 $0x1BF5;
	[smem:$0x3FAE] =	sst s0  }
0x18: {  	s0 =	sld [smem:$0x3F91];
	_ =	swait.ge [sflag:s4], $0x0  }
0x19: {  	s7 =	sld [smem:$0x3F92]  }
0x1a: {  	s8 =	sadd.s32 $0xFFFFE003, lr  }
0x1b: {  	s9 =	sadd.s32 $0xFFFFFEF7, lr;
	s5 =	simm.s32 $0xFFFFFFFF;
	p2 =	slt.u32 s8, $0xFFFFF086  }
0x1c: {  	p1 =	slt.u32 s9, $0xF7A;
	s5 =	simm.s32 @!p2 $0x0  }
0x1d: {  	s5 =	simm.s32 @p1 $0x1;
	p0 =	seq.s32 s7, s2  }
0x1e: {  	s7 =	smul.u32 @!p0 $0xF7A, s2;
	p2 =	seq.s32 @!p0 s5, $0x0  }
0x1f: {  	s9 =	smul.u32 $0xF7A, s1;
	s8 =	simm.s32 @!p0 $0x1BF5;
	p2 =	por !p2, p0  }
0x20: {  	[sflag:s8] =	ssyncset.s32 @!p0 $0xFFFFF086;
	s6 =	sadd.s32 @!p0 s3, s7;
	s7 =	simm.s32 @!p0 $0x108  }
0x21: {  	s3 =	sadd.s32 s3, s9;
	s6 =	sadd.s32 @!p0 $0x88, s6;
	s7 =	simm.s32 @p2 $0x1082  }
0x22: {  	[simem:s7], [sflag:s8] =	dma.local @!p0 [hbm:s6], $0xF7A  }
0x23: {  	s9 =	sor.u32 $0xD0000000, s2;
	s6 =	simm.s32 $0x108;
	_ =	swait.ge @!p0 [sflag:s8], $0x0  }
0x24: {  	s3 =	sadd.s32 $0x88, s3;
	s6 =	simm.s32 @!p1 $0x1082;
	[sflag:s4] =	ssyncset.s32 $0xFFFFF086  }
0x25: {  	[simem:s6], [sflag:s4] =	dma.local [hbm:s3], $0xF7A  }
0x26: {  	[smem:$0x3F92] =	sst s1;
	(tag) =	ssettag s2;
	_ =	strace s9  }
0x27: {  	s1 =	sld [smem:$0x3FA2]  }
0x28: {  	s2 =	sld [smem:$0x3FA3]  }
0x29: {  	s4 =	sld [smem:$0x3FA5]  }
0x2a: {  	p0 =	seq.s32 s5, $0x0;
	s5 =	sld [smem:$0x3FA6]  }
0x2b: {  	s6 =	sld [smem:$0x3FA7]  }
0x2c: {  	s7 =	sld [smem:$0x3FA8]  }
0x2d: {  	s3 =	simm.s32 $0x108;
	s8 =	sld [smem:$0x3FA9]  }
0x2e: {  	s3 =	simm.s32 @!p0 $0x1082;
	s9 =	sld [smem:$0x3FAA]  }
0x2f: {  	lr =	sadd.s32 s0, s3;
	s0 =	sld [smem:$0x3FA1]  }
0x30: {  	s3 =	sld [smem:$0x3FA4]  }
0x31: {  	[smem:$0x3FAD] =	sst s10  }
0x32: {  	s10 =	sld [smem:$0x3FAB];
	_ =	sdelay $0x3  }
0x33: {  	p0 =	seq.s32 s10, $0x1;
	s10 =	sld [smem:$0x3FAD];
	_ =	sdelay $0x3  }
0x34: {  	[smem:$0x3FAD] =	sst s10  }
0x35: {  	s10 =	sld [smem:$0x3FAC];
	_ =	sdelay $0x3  }
0x36: {  	p1 =	seq.s32 s10, $0x1;
	s10 =	sld [smem:$0x3FAD];
	_ =	sdelay $0x3  }
0x37: {  	[smem:$0x3FAD] =	sst s10  }
0x38: {  	s10 =	sld [smem:$0x3FAE]  }
0x39: {  	_ = 	snop;
	(pc) =	sbr.ind lr, $3  }
0x3a: {  	_ = 	snop  }
0x3b: {  	_ = 	snop  }
0x3c: {  	p2 =	seq.s32 s10, $0x1;
	s10 =	sld [smem:$0x3FAD]  }
0x3d: {  	_ =	shalt  }
0x3e: {  	_ =	shalt  }
0x3f: {  	_ =	shalt  }
0x40: {  	_ =	shalt  }
0x41: {  	_ =	shalt  }
0x42: {  	_ =	shalt  }
0x43: {  	_ =	shalt  }
0x44: {  	_ =	shalt  }
0x45: {  	_ =	shalt  }
0x46: {  	_ =	shalt  }
0x47: {  	_ =	shalt  }
0x48: {  	_ =	shalt  }
0x49: {  	_ =	shalt  }
0x4a: {  	_ =	shalt  }
0x4b: {  	_ =	shalt  }
0x4c: {  	_ =	shalt  }
0x4d: {  	_ =	shalt  }
0x4e: {  	_ =	shalt  }
0x4f: {  	_ =	shalt  }
0x50: {  	_ =	shalt  }
0x51: {  	_ =	shalt  }
0x52: {  	_ =	shalt  }
0x53: {  	_ =	shalt  }
0x54: {  	_ =	shalt  }
0x55: {  	_ =	shalt  }
0x56: {  	_ =	shalt  }
0x57: {  	_ =	shalt  }
0x58: {  	_ =	shalt  }
0x59: {  	_ =	shalt  }
0x5a: {  	_ =	shalt  }
0x5b: {  	_ =	shalt  }
0x5c: {  	_ =	shalt  }
0x5d: {  	_ =	shalt  }
0x5e: {  	_ =	shalt  }
0x5f: {  	_ =	shalt  }
0x60: {  	_ =	shalt  }
0x61: {  	_ =	shalt  }
0x62: {  	_ =	shalt  }
0x63: {  	_ =	shalt  }
0x64: {  	_ =	shalt  }
0x65: {  	_ =	shalt  }
0x66: {  	_ =	shalt  }
0x67: {  	_ =	shalt  }
0x68: {  	_ =	shalt  }
0x69: {  	_ =	shalt  }
0x6a: {  	_ =	shalt  }
0x6b: {  	_ =	shalt  }
0x6c: {  	_ =	shalt  }
0x6d: {  	_ =	shalt  }
0x6e: {  	_ =	shalt  }
0x6f: {  	_ =	shalt  }
0x70: {  	_ =	shalt  }
0x71: {  	_ =	shalt  }
0x72: {  	_ =	shalt  }
0x73: {  	_ =	shalt  }
0x74: {  	_ =	shalt  }
0x75: {  	_ =	shalt  }
0x76: {  	_ =	shalt  }
0x77: {  	_ =	shalt  }
0x78: {  	_ =	shalt  }
0x79: {  	_ =	shalt  }
0x7a: {  	_ =	shalt  }
0x7b: {  	_ =	shalt  }
0x7c: {  	_ =	shalt  }
0x7d: {  	_ =	shalt  }
0x7e: {  	_ =	shalt  }
0x7f: {  	_ =	shalt  }
0x80: {  	_ =	shalt  }
0x81: {  	_ =	shalt  }
0x82: {  	_ =	shalt  }
0x83: {  	_ =	shalt  }
0x84: {  	_ =	shalt  }
0x85: {  	_ =	shalt  }
0x86: {  	_ =	shalt  }
0x87: {  	_ =	shalt  }
.Lfunc_end0:
.L_simem_size_0:
called_computation.2_lowered:
.L_overlay_start_0:
0x88: {  	s2 =	sld [smem:$0x3FD9]  }
0x89: {  	s3 =	sld [smem:$0x3FFE];
	_ =	sdelay $0x1  }
0x8a: {  	s1 =	srdreg.scid  }
0x8b: {  	s0 =	sand.u32 $0x1, s1  }
0x8c: {  	s14 =	sshll.u32 s0, $0xA;
	s2 =	sadd.s32 s3, s2  }
0x8d: {  	s2 =	sadd.s32 s2, s14  }
0x8e: {  	[smem:$0x3FB9] =	sst s2  }
0x8f: {  	_ = 	snop  }
0x90: {  	s2 =	sld [smem:$0x3FD0];
	_ =	sdelay $0x2  }
0x91: {  	s15 =	simm.s32 $0xB;
	s4 =	simm.s32 $0x10  }
0x92: {  	[smem:s4], [sflag:s15] =	dma.local [hbm:s2], $0x1  }
0x93: {  	_ =	swait.eq [sflag:s15], $0x1  }
0x94: {  	[sflag:s15] =	ssyncset.done $0x0  }
0x95: {  	s16 =	sld [smem:$0x12];
	[sflag:s15] =	ssyncadd.s32 $0xFFFFFFFF  }
0x96: {  	s17 =	sld [smem:$0x13];
	(tm) =	ssettm $0x1  }
0x97: {  	s18 =	sld [smem:$0x3FFB];
	_ =	sdelay $0x3  }
0x98: {  	_ =	strace s18  }
0x99: {  	s4 =	sld [smem:$0x3FFC];
	_ =	sdelay $0x3  }
0x9a: {  	_ =	strace s4  }
0x9b: {  	s4 =	sld [smem:$0x3FFD];
	_ =	sdelay $0x3  }
0x9c: {  	_ =	strace s4  }
0x9d: {  	_ =	strace $0x8FFFFFFF  }
0x9e: {  	s19 =	sld [smem:$0x3FDB];
	_ =	sdelay $0x1  }
0x9f: {  	s5 =	simm.s32 $_scs_section_size  }
0xa0: {  	s6 =	simm.s32 $_size__tile_overlayer_lowered;
	s7 =	simm.s32 $_tile_overlayer_lowered  }
0xa1: {  	s22 =	simm.s32 $0x1BFF;
	s21 =	sshll.u32 s7, $0x1;
	s4 =	sadd.s32 s5, s19  }
0xa2: {  	s8 =	simm.s32 $0x0;
	s20 =	sshll.u32 s6, $0x1;
	s6 =	sadd.s32 s21, s4  }
0xa3: {  	[timem:s8], [sflag:s22] =	dma.local [hbm:s6], s20  }
0xa4: {  	_ =	swait.ge [sflag:s22], s20  }
0xa5: {  	s5 =	ssub.s32 $0x0, s20;
	[sflag:s22] =	ssyncset.done $0x0  }
0xa6: {  	[sflag:s22] =	ssyncadd.s32 s5;
	_ =	sdelay $0x1  }
0xa7: {  	s23 =	simm.s32 $0x1B8B  }
0xa8: {  	_ =	swait.ge [sflag:s23], $0x1  }
0xa9: {  	[sflag:s23] =	ssyncset.done $0x0  }
0xaa: {  	s25 =	simm.s32 $0x1B8E;
	s24 =	sld [smem:$0x3FFE];
	[sflag:s23] =	ssyncadd.s32 $0xFFFFFFFF  }
0xab: {  	s26 =	simm.s32 $execute0_lowered;
	[smem:$0x3FD2] =	sst s25  }
0xac: {  	s6 =	sshll.u32 s26, $0x1;
	_ =	strace $0x8000004C;
	[dreg:$0x1] =	wrdreg $0xFFFFFFFF  }
0xad: {  	s28 =	simm.s32 $_size_execute0_lowered;
	s4 =	sadd.s32 s4, s6;
	[dreg:$0x0] =	wrdreg $0x0  }
0xae: {  	s6 =	sshll.u32 s28, $0x1;
	[dreg:$0x2] =	wrdreg s4  }
0xaf: {  	[dreg:$0x3] =	wrdreg s6  }
0xb0: {  	[dreg:$0x4] =	wrdreg $0xC0  }
0xb1: {  	_ =	task [dreg:s8], $0x5FFFF  }
0xb2: {  	[dreg:$0x1] =	wrdreg $0xFFFFFFFF  }
0xb3: {  	[dreg:$0x0] =	wrdreg $0x60  }
0xb4: {  	[dreg:$0x2] =	wrdreg s17  }
0xb5: {  	[dreg:$0x3] =	wrdreg s24  }
0xb6: {  	[dreg:$0x4] =	wrdreg s16  }
0xb7: {  	[dreg:$0x5] =	wrdreg $0x0  }
0xb8: {  	[dreg:$0x6] =	wrdreg $0x9  }
0xb9: {  	_ =	task.clear_ibuf [dreg:s8], $0x7FFFF;
	_ =	strace $0x9000004C  }
0xba: {  	s29 =	simm.s32 $0x9;
	_ =	strace $0x8000004E  }
0xbb: {  	_ =	swait.ge [sflag:s29], $0x1  }
0xbc: {  	[sflag:s29] =	ssyncadd.s32 $0xFFFFFFFF  }
0xbd: {  	_ =	strace $0x9000004E  }
0xbe: {  	_ =	sfence  }
0xbf: {  	s30 =	sld [smem:$0x0];
	_ =	sdelay $0x2  }
0xc0: {  	s31 =	sshll.u32 s1, $0xD;
	s1 =	sshrl.u32 s1, $0x2  }
0xc1: {  	s3 =	sand.u32 $0x4000, s31;
	s1 =	sadd.s32 s1, s30  }
0xc2: {  	s0 =	sor.u32 s3, s0;
	s1 =	sshll.u32 s1, $0x11  }
0xc3: {  	s0 =	sor.u32 s1, s0  }
0xc4: {  	s0 =	sadd.s32 $0x8F2B, s0  }
0xc5: {  	[sflag:s0] =	ssyncadd.remote.s32 $0x1  }
0xc6: {  	_ =	sfence.sel $0xFFFF  }
0xc7: {  	[dreg:$0x0] =	wrdreg $0xFFFFFFFF;
	(pc) =	sbr.abs _section_cstart, $3  }
0xc8: {  	[dreg:$0x1] =	wrdreg $0xFFFFFFFF  }
0xc9: {  	_ =	task.clear_ibuf [dreg:s8], $0x2FFFF;
	_ =	strace $0x9FFFFFFF  }
0xca: {  	(tm) =	ssettm $0x7FFFFFFF  }
0xcb: {  	_ =	shalt  }
tec
execute0_lowered:
.L_overlay_start_1:
0x0: {  	(tag) =	ssettag $0x1  }
0x1: {  	s1 =	rddreg [dreg:$0x0]  }
0x2: {  	s0 =	rddreg [dreg:$0x1]  }
0x3: {  	s4 =	rddreg [dreg:$0x3]  }
0x4: {  	s2 =	srdreg.scid;
	s3 =	stileid.u32;
	s5 =	simm.s32 $0x0  }
0x5: {  	s18 =	simm.s32 $0x2;
	s19 =	simm.s32 $0x13C00;
	s20 =	simm.s32 $0x13C80  }
0x6: {  	s21 =	simm.s32 $0x80;
	s22 =	simm.s32 $0x13E00;
	s23 =	simm.s32 $0x13D00  }
0x7: {  	s24 =	simm.s32 $0x13D80;
	s25 =	simm.s32 $0x1;
	s8 =	smul.u32 $0x2780, s3  }
0x8: {  	s26 =	simm.s32 $0x17E00;
	s2 =	sand.u32 $0x1, s2;
	s10 =	smul.u32 $0x4F000, s3  }
0x9: {  	s28 =	simm.s32 $0x0;
	[smem:$0x7FF] =	sst s5;
	s9 =	smul.u32 $0x27800, s2  }
0xa: {  	s6 =	sadd.s32 $0xF7C00, s0;
	s11 =	smul.u32 $0x28000, s2;
	s2 =	ssub.s32 $0x2, s2  }
0xb: {  	s7 =	sadd.s32 $0x56800, s0;
	s31 =	sshll.u32 s3, $0x6;
	s30 =	sshrl.u32 s2, $0x1  }
0xc: {  	s10 =	sshrl.u32 s10, $0x2;
	s9 =	sadd.s32 s8, s9;
	s8 =	smul.u32 $0x2800, s3  }
0xd: {  	_ =	strace $0x8000004D;
	s2 =	ssub.s32 s2, s30;
	s17 =	sadd.s32 s10, s4  }
0xe: {  	s10 =	sor.u32 $0x1C02, s31;
	s0 =	sadd.s32 s9, s0;
	s9 =	sadd.s32 s8, s11  }
0xf: {  	s16 =	smax.u32 s2, $0x1;
	s12 =	sshrl.u32 s8, $0x3;
	s11 =	sshrl.u32 s9, $0x3  }
0x10: {  	s17 =	sshrl.u32 s17, $0x3;
	s12 =	sadd.s32 s7, s12;
	s11 =	sadd.s32 s6, s11  }
0x11: {  	s15 =	sadd.s32 $0x101C00, s0;
	s14 =	sadd.s32 $0x490, s12;
	s13 =	sadd.s32 $0x490, s11  }
.LBB2_1:
0x12: {  	s0 =	rddreg [dreg:$0x2]  }
0x13: {  	[spmem:s17], [sflag:s10] =	dma.local [hbm:s0], $0x2780  }
0x14: {  	_ =	swait.ge [sflag:s18], $0x2780  }
0x15: {  	[sflag:s18] =	ssyncset.done $0x0  }
0x16: {  	[sflag:s18] =	ssyncadd.s32 $0xFFFFD880  }
0x17: {  	[bflag:$0x0] =	sbarrier.arrive $0xFFFF  }
0x18: {  	[tilespmem:s19], [sflag:$0x2] =	stream.linear.gather [hbm4b:s11+s5], $0x80, $0x38;
	[tilespmem:$0x1BE00] =	vst v63  }
0x19: {  	_ =	swait.ge [sflag:s18], $0x80  }
0x1a: {  	s30 =	simm.s32 $0x0;
	[sflag:s18] =	ssyncset.done $0x0  }
0x1b: {  	s2 =	sand.u32 $0x3C00, s30;
	s0 =	sand.u32 $0x300, s30;
	[sflag:s18] =	ssyncadd.s32 $0xFFFFFF80  }
0x1c: {  	[tilespmem:s20], [sflag:$0x2] =	stream.linear.gather [hbm4b:s12+s5], $0x80, $0x38;
	[tilespmem:$0x1BE00] =	vst v63  }
0x1d: {  	s29 =	sadd.s32 s9, s2;
	s0 =	sor.u32 $0x80, s0;
	_ =	swait.ge [sflag:s18], $0x80  }
0x1e: {  	s29 =	sor.u32 s0, s29;
	[sflag:s18] =	ssyncset.done $0x0  }
0x1f: {  	s29 =	sshrl.u32 s29, $0x3;
	[sflag:s18] =	ssyncadd.s32 $0xFFFFFF80  }
0x20: {  	[tilespmem:s22], [sflag:$0x1] =	stream.indirect.gather [hbm4b:s1+s21], $0x80, s19, s21, $0xb8;
	[tilespmem:$0x1BE00] =	vst v63  }
0x21: {  	s2 =	sadd.s32 s8, s2;
	s29 =	sadd.s32 s6, s29  }
0x22: {  	[tilespmem:s23], [sflag:$0x2] =	stream.linear.gather [hbm4b:s29+s5], $0x80, $0x38;
	[tilespmem:$0x1BE00] =	vst v63  }
0x23: {  	s0 =	sor.u32 s0, s2;
	_ =	swait.ge [sflag:s18], $0x80  }
0x24: {  	s0 =	sshrl.u32 s0, $0x3;
	[sflag:s18] =	ssyncset.done $0x0  }
0x25: {  	s0 =	sadd.s32 s7, s0;
	[sflag:s18] =	ssyncadd.s32 $0xFFFFFF80  }
0x26: {  	[tilespmem:s24], [sflag:$0x2] =	stream.linear.gather [hbm4b:s0+s5], $0x80, $0x38;
	[tilespmem:$0x1BE00] =	vst v63  }
0x27: {  	_ =	swait.ge [sflag:s18], $0x80  }
0x28: {  	[sflag:s18] =	ssyncset.done $0x0  }
0x29: {  	[sflag:s18] =	ssyncadd.s32 $0xFFFFFF80  }
0x2a: {  	_ =	swait.ge [sflag:s25], $0x4000  }
0x2b: {  	s2 =	simm.s32 $0x100;
	[sflag:s25] =	ssyncset.done $0x0  }
0x2c: {  	s3 =	sand.u32 $0x7C00, s2;
	[sflag:s25] =	ssyncadd.s32 $0xFFFFC000  }
0x2d: {  	[tilespmem:s26], [sflag:$0x1] =	stream.indirect.gather [hbm4b:s1+s21], $0x80, s23, s21, $0xb8;
	[tilespmem:$0x1BE00] =	vst v63  }
0x2e: {  	s29 =	sadd.s32 s9, s3;
	s0 =	sand.u32 $0x300, s2  }
0x2f: {  	[spmem:s4] =	stream.indirect.scatter.add.f32 [tilespmem:s22], [sflag:$0x2], $0x80, s20, s21, $0xb8;
	[tilespmem:$0x1BE00] =	vst v63  }
0x30: {  	s29 =	sor.u32 s0, s29;
	_ =	swait.ge [sflag:s18], $0x4000  }
0x31: {  	s29 =	sshrl.u32 s29, $0x3;
	[sflag:s18] =	ssyncset.done $0x0  }
0x32: {  	s2 =	sadd.s32 s8, s3;
	s29 =	sadd.s32 s6, s29;
	[sflag:s18] =	ssyncadd.s32 $0xFFFFC000  }
0x33: {  	[tilespmem:s19], [sflag:$0x2] =	stream.linear.gather [hbm4b:s29+s5], $0x80, $0x38;
	[tilespmem:$0x1BE00] =	vst v63  }
0x34: {  	s0 =	sor.u32 s0, s2;
	_ =	swait.ge [sflag:s18], $0x80  }
0x35: {  	s0 =	sshrl.u32 s0, $0x3;
	[sflag:s18] =	ssyncset.done $0x0  }
0x36: {  	s0 =	sadd.s32 s7, s0;
	[sflag:s18] =	ssyncadd.s32 $0xFFFFFF80  }
0x37: {  	[tilespmem:s20], [sflag:$0x2] =	stream.linear.gather [hbm4b:s0+s5], $0x80, $0x38;
	[tilespmem:$0x1BE00] =	vst v63  }
0x38: {  	_ =	swait.ge [sflag:s18], $0x80  }
0x39: {  	[sflag:s18] =	ssyncset.done $0x0  }
0x3a: {  	[sflag:s18] =	ssyncadd.s32 $0xFFFFFF80  }
0x3b: {  	s30 =	simm.s32 $0x100;
	_ =	swait.ge [sflag:s25], $0x4000  }
0x3c: {  	s31 =	simm.s32 $0x300;
	s2 =	sand.u32 $0x300, s30;
	[sflag:s25] =	ssyncset.done $0x0  }
0x3d: {  	s29 =	simm.s32 $0x200;
	s0 =	sand.u32 $0x3C00, s30;
	[sflag:s25] =	ssyncadd.s32 $0xFFFFC000  }
.LBB2_2:
0x3e: {  	[tilespmem:s22], [sflag:$0x1] =	stream.indirect.gather [hbm4b:s1+s21], $0x80, s19, s21, $0xb8;
	[tilespmem:$0x1BE00] =	vst v63  }
0x3f: {  	s3 =	smov.u32 s31  }
0x40: {  	s30 =	sadd.s32 s9, s0;
	s2 =	sor.u32 $0x80, s2;
	s0 =	sadd.s32 s8, s0  }
0x41: {  	[spmem:s4] =	stream.indirect.scatter.add.f32 [tilespmem:s26], [sflag:$0x2], $0x80, s24, s21, $0xb8;
	[tilespmem:$0x1BE00] =	vst v63  }
0x42: {  	s30 =	sor.u32 s2, s30;
	s0 =	sor.u32 s2, s0;
	_ =	swait.ge [sflag:s18], $0x4000  }
0x43: {  	s2 =	sshrl.u32 s30, $0x3;
	s0 =	sshrl.u32 s0, $0x3;
	[sflag:s18] =	ssyncset.done $0x0  }
0x44: {  	s30 =	sadd.s32 $0x100, s31;
	s2 =	sadd.s32 s6, s2;
	[sflag:s18] =	ssyncadd.s32 $0xFFFFC000  }
0x45: {  	[tilespmem:s23], [sflag:$0x2] =	stream.linear.gather [hbm4b:s2+s5], $0x80, $0x38;
	[tilespmem:$0x1BE00] =	vst v63  }
0x46: {  	p0 =	sne.s32 s31, $0x2400;
	_ =	swait.ge [sflag:s18], $0x80  }
0x47: {  	[sflag:s18] =	ssyncset.done $0x0  }
0x48: {  	s0 =	sadd.s32 s7, s0;
	[sflag:s18] =	ssyncadd.s32 $0xFFFFFF80  }
0x49: {  	[tilespmem:s24], [sflag:$0x2] =	stream.linear.gather [hbm4b:s0+s5], $0x80, $0x38;
	[tilespmem:$0x1BE00] =	vst v63  }
0x4a: {  	_ =	swait.ge [sflag:s18], $0x80  }
0x4b: {  	[sflag:s18] =	ssyncset.done $0x0  }
0x4c: {  	[sflag:s18] =	ssyncadd.s32 $0xFFFFFF80  }
0x4d: {  	_ =	swait.ge [sflag:s25], $0x4000  }
0x4e: {  	[sflag:s25] =	ssyncset.done $0x0  }
0x4f: {  	[sflag:s25] =	ssyncadd.s32 $0xFFFFC000  }
0x50: {  	[tilespmem:s26], [sflag:$0x1] =	stream.indirect.gather [hbm4b:s1+s21], $0x80, s23, s21, $0xb8;
	[tilespmem:$0x1BE00] =	vst v63  }
0x51: {  	s2 =	sand.u32 $0x300, s29;
	s0 =	sand.u32 $0x7C00, s29;
	s29 =	smov.u32 s3  }
0x52: {  	[spmem:s4] =	stream.indirect.scatter.add.f32 [tilespmem:s22], [sflag:$0x2], $0x80, s20, s21, $0xb8;
	[tilespmem:$0x1BE00] =	vst v63  }
0x53: {  	s3 =	sadd.s32 s9, s0;
	s0 =	sadd.s32 s8, s0;
	_ =	swait.ge [sflag:s18], $0x4000  }
0x54: {  	s3 =	sor.u32 s2, s3;
	s0 =	sor.u32 s2, s0;
	[sflag:s18] =	ssyncset.done $0x0  }
0x55: {  	s2 =	sshrl.u32 s3, $0x3;
	s0 =	sshrl.u32 s0, $0x3;
	[sflag:s18] =	ssyncadd.s32 $0xFFFFC000  }
0x56: {  	s2 =	sadd.s32 s6, s2  }
0x57: {  	[tilespmem:s19], [sflag:$0x2] =	stream.linear.gather [hbm4b:s2+s5], $0x80, $0x38;
	[tilespmem:$0x1BE00] =	vst v63  }
0x58: {  	_ =	swait.ge [sflag:s18], $0x80  }
0x59: {  	s0 =	sadd.s32 s7, s0;
	[sflag:s18] =	ssyncset.done $0x0  }
0x5a: {  	[sflag:s18] =	ssyncadd.s32 $0xFFFFFF80  }
0x5b: {  	[tilespmem:s20], [sflag:$0x2] =	stream.linear.gather [hbm4b:s0+s5], $0x80, $0x38;
	[tilespmem:$0x1BE00] =	vst v63  }
0x5c: {  	_ =	swait.ge [sflag:s18], $0x80  }
.Ltmp0:
0x5d: {  	[sflag:s18] =	ssyncset.done $0x0;
	(pc) =	sbr.rel @p0 .LBB2_2-.Ltmp0, $4  }
0x5e: {  	s2 =	sadd.s32 $0xFFFFFF00, s29;
	[sflag:s18] =	ssyncadd.s32 $0xFFFFFF80  }
0x5f: {  	s0 =	sand.u32 $0x3C00, s2;
	s2 =	sand.u32 $0x300, s2;
	_ =	swait.ge [sflag:s25], $0x4000  }
0x60: {  	[sflag:s25] =	ssyncset.done $0x0  }
0x61: {  	s31 =	smov.u32 s30;
	[sflag:s25] =	ssyncadd.s32 $0xFFFFC000  }
0x62: {  	[tilespmem:s22], [sflag:$0x1] =	stream.indirect.gather [hbm4b:s1+s21], $0x80, s19, s21, $0xb8;
	[tilespmem:$0x1BE00] =	vst v63  }
0x63: {  	s3 =	sadd.s32 s9, s0;
	s2 =	sor.u32 $0x80, s2  }
0x64: {  	[spmem:s4] =	stream.indirect.scatter.add.f32 [tilespmem:s26], [sflag:$0x2], $0x80, s24, s21, $0xb8;
	[tilespmem:$0x1BE00] =	vst v63  }
0x65: {  	s3 =	sor.u32 s2, s3;
	_ =	swait.ge [sflag:s18], $0x4000  }
0x66: {  	s3 =	sshrl.u32 s3, $0x3;
	[sflag:s18] =	ssyncset.done $0x0  }
0x67: {  	s31 =	sadd.s32 s8, s0;
	s3 =	sadd.s32 s6, s3;
	[sflag:s18] =	ssyncadd.s32 $0xFFFFC000  }
0x68: {  	[tilespmem:s23], [sflag:$0x2] =	stream.linear.gather [hbm4b:s3+s5], $0x80, $0x38;
	[tilespmem:$0x1BE00] =	vst v63  }
0x69: {  	s0 =	sor.u32 s2, s31;
	_ =	swait.ge [sflag:s18], $0x80  }
0x6a: {  	s0 =	sshrl.u32 s0, $0x3;
	[sflag:s18] =	ssyncset.done $0x0  }
0x6b: {  	s0 =	sadd.s32 s7, s0;
	[sflag:s18] =	ssyncadd.s32 $0xFFFFFF80  }
0x6c: {  	[tilespmem:s24], [sflag:$0x2] =	stream.linear.gather [hbm4b:s0+s5], $0x80, $0x38;
	[tilespmem:$0x1BE00] =	vst v63  }
0x6d: {  	_ =	swait.ge [sflag:s18], $0x80  }
0x6e: {  	[sflag:s18] =	ssyncset.done $0x0  }
0x6f: {  	[sflag:s18] =	ssyncadd.s32 $0xFFFFFF80  }
0x70: {  	_ =	swait.ge [sflag:s25], $0x4000  }
0x71: {  	[sflag:s25] =	ssyncset.done $0x0  }
0x72: {  	s2 =	sand.u32 $0x7C00, s29;
	[sflag:s25] =	ssyncadd.s32 $0xFFFFC000  }
0x73: {  	[tilespmem:s26], [sflag:$0x1] =	stream.indirect.gather [hbm4b:s1+s21], $0x80, s23, s21, $0xb8;
	[tilespmem:$0x1BE00] =	vst v63  }
0x74: {  	s30 =	sand.u32 $0x300, s29;
	s31 =	sadd.s32 s9, s2  }
0x75: {  	[spmem:s4] =	stream.indirect.scatter.add.f32 [tilespmem:s22], [sflag:$0x2], $0x80, s20, s21, $0xb8;
	[tilespmem:$0x1BE00] =	vst v63  }
0x76: {  	s3 =	sor.u32 s30, s31;
	_ =	swait.ge [sflag:s18], $0x4000  }
0x77: {  	s3 =	sshrl.u32 s3, $0x3;
	[sflag:s18] =	ssyncset.done $0x0  }
0x78: {  	s3 =	sadd.s32 s6, s3;
	s0 =	sadd.s32 s8, s2;
	[sflag:s18] =	ssyncadd.s32 $0xFFFFC000  }
0x79: {  	[tilespmem:s19], [sflag:$0x2] =	stream.linear.gather [hbm4b:s3+s5], $0x80, $0x38;
	[tilespmem:$0x1BE00] =	vst v63  }
0x7a: {  	s0 =	sor.u32 s30, s0;
	_ =	swait.ge [sflag:s18], $0x80  }
0x7b: {  	s0 =	sshrl.u32 s0, $0x3;
	[sflag:s18] =	ssyncset.done $0x0  }
0x7c: {  	s0 =	sadd.s32 s7, s0;
	[sflag:s18] =	ssyncadd.s32 $0xFFFFFF80  }
0x7d: {  	[tilespmem:s20], [sflag:$0x2] =	stream.linear.gather [hbm4b:s0+s5], $0x80, $0x38;
	[tilespmem:$0x1BE00] =	vst v63  }
0x7e: {  	_ =	swait.ge [sflag:s18], $0x80  }
0x7f: {  	[sflag:s18] =	ssyncset.done $0x0  }
0x80: {  	[sflag:s18] =	ssyncadd.s32 $0xFFFFFF80  }
0x81: {  	_ =	swait.ge [sflag:s25], $0x4000  }
0x82: {  	[sflag:s25] =	ssyncset.done $0x0  }
0x83: {  	[sflag:s25] =	ssyncadd.s32 $0xFFFFC000  }
0x84: {  	[tilespmem:s22], [sflag:$0x1] =	stream.indirect.gather [hbm4b:s1+s21], $0x80, s19, s21, $0xb8;
	[tilespmem:$0x1BE00] =	vst v63  }
0x85: {  	_ = 	snop  }
0x86: {  	[spmem:s4] =	stream.indirect.scatter.add.f32 [tilespmem:s26], [sflag:$0x2], $0x80, s24, s21, $0xb8;
	[tilespmem:$0x1BE00] =	vst v63  }
0x87: {  	_ =	swait.ge [sflag:s18], $0x4000  }
0x88: {  	[sflag:s18] =	ssyncset.done $0x0  }
0x89: {  	[sflag:s18] =	ssyncadd.s32 $0xFFFFC000  }
0x8a: {  	[tilespmem:s23], [sflag:$0x2] =	stream.linear.gather [hbm4b:s13+s5], $0x80, $0x38;
	[tilespmem:$0x1BE00] =	vst v63  }
0x8b: {  	_ =	swait.ge [sflag:s18], $0x80  }
0x8c: {  	[sflag:s18] =	ssyncset.done $0x0  }
0x8d: {  	[sflag:s18] =	ssyncadd.s32 $0xFFFFFF80  }
0x8e: {  	[tilespmem:s24], [sflag:$0x2] =	stream.linear.gather [hbm4b:s14+s5], $0x80, $0x38;
	[tilespmem:$0x1BE00] =	vst v63  }
0x8f: {  	_ =	swait.ge [sflag:s18], $0x80  }
0x90: {  	[sflag:s18] =	ssyncset.done $0x0  }
0x91: {  	[sflag:s18] =	ssyncadd.s32 $0xFFFFFF80  }
0x92: {  	_ =	swait.ge [sflag:s25], $0x4000  }
0x93: {  	[sflag:s25] =	ssyncset.done $0x0  }
0x94: {  	[sflag:s25] =	ssyncadd.s32 $0xFFFFC000  }
0x95: {  	[tilespmem:s26], [sflag:$0x1] =	stream.indirect.gather [hbm4b:s1+s21], $0x80, s23, s21, $0xb8;
	[tilespmem:$0x1BE00] =	vst v63  }
0x96: {  	_ = 	snop  }
0x97: {  	[spmem:s4] =	stream.indirect.scatter.add.f32 [tilespmem:s22], [sflag:$0x2], $0x80, s20, s21, $0xb8;
	[tilespmem:$0x1BE00] =	vst v63  }
0x98: {  	_ =	swait.ge [sflag:s18], $0x4000  }
0x99: {  	[sflag:s18] =	ssyncset.done $0x0  }
0x9a: {  	[sflag:s18] =	ssyncadd.s32 $0xFFFFC000  }
0x9b: {  	_ =	swait.ge [sflag:s25], $0x4000  }
0x9c: {  	[sflag:s25] =	ssyncset.done $0x0  }
0x9d: {  	[sflag:s25] =	ssyncadd.s32 $0xFFFFC000  }
0x9e: {  	[spmem:s4] =	stream.indirect.scatter.add.f32 [tilespmem:s26], [sflag:$0x2], $0x80, s24, s21, $0xb8;
	[tilespmem:$0x1BE00] =	vst v63  }
0x9f: {  	_ =	swait.ge [sflag:s18], $0x4000  }
0xa0: {  	s28 =	sadd.s32 $0x1, s28;
	[sflag:s18] =	ssyncset.done $0x0  }
0xa1: {  	p0 =	sne.s32 s28, s16;
	[sflag:s18] =	ssyncadd.s32 $0xFFFFC000  }
.Ltmp1:
0xa2: {  	[bflag:$0x0] =	sbarrier.arrive $0xFFFF;
	(pc) =	sbr.rel @p0 .LBB2_1-.Ltmp1, $4  }
0xa3: {  	[hbm:s15], [sflag:s10] =	dma.local [spmem:s17], $0x2780  }
0xa4: {  	_ =	swait.ge [sflag:s18], $0x2780  }
0xa5: {  	[sflag:s18] =	ssyncset.done $0x0  }
0xa6: {  	[sflag:s18] =	ssyncadd.s32 $0xFFFFD880  }
0xa7: {  	_ =	sfence.sel $0x180000  }
0xa8: {  	[bflag:$0x0] =	sbarrier.arrive $0xFFFF  }
0xa9: {  	_ =	strace $0x9000004D  }
0xaa: {  	s0 =	stileid.u32;
	[bflag:$0x2] =	sbarrier.arrive $0xFFFF  }
0xab: {  	p0 =	sne.s32 s0, $0x0;
	s0 =	rddreg [dreg:$0x4]  }
0xac: {  	s0 =	sadd.s32 @!p0 $0x100000, s0  }
0xad: {  	[sflag:s0] =	ssyncadd.tile.s32 @!p0 $0x1;
	_ =	shalt  }
.Lfunc_end2:
_tile_overlayer_lowered:
.L_overlay_start_2:
0xae: {  	(tag) =	ssettag $0x2  }
0xaf: {  	s0 =	rddreg [dreg:$0x0];
	s2 =	stileid.u32  }
0xb0: {  	s1 =	rddreg [dreg:$0x1];
	p0 =	sne.s32 s2, $0x0  }
0xb1: {  	s3 =	rddreg [dreg:$0x2];
	[bflag:$0x3] =	sbarrier.arrive $0xFFFF;
	s2 =	simm.s32 @!p0 $0x1C02  }
0xb2: {  	[timem:s3], [sflag:s2] =	dma.local @!p0 [hbm:s0], s1  }
0xb3: {  	s0 =	simm.s32 @!p0 $0x2  }
0xb4: {  	_ =	swait.ge @!p0 [sflag:s0], s1  }
0xb5: {  	s1 =	ssub.s32 @!p0 $0x0, s1;
	[sflag:s0] =	ssyncset.done @!p0 $0x0  }
0xb6: {  	[sflag:s0] =	ssyncadd.s32 @!p0 s1  }
0xb7: {  	[bflag:$0x3] =	sbarrier.arrive $0xFFFF  }
0xb8: {  	_ =	shalt  }

// kernel: kernel.8.cloned.1.call-start
scs
__scs_entry_jumppad:
0x0: {  	(pc) =	sbr.rel $0x88, $3  }
0x1: {  	(tag) =	ssettag $0x0;
	lr =	simm.s32 $0x1  }
0x2: {  	[smem:$0x3F92] =	sst lr;
	_ =	strace $0xD0000000  }
0x3: {  	_ = 	snop  }
0x4: {  	_ = 	snop  }
0x5: {  	_ = 	snop  }
0x6: {  	_ = 	snop  }
0x7: {  	_ = 	snop  }
__scs_overlays_trampoline_lowered:
0x8: {  	[smem:$0x3FA1] =	sst s0  }
0x9: {  	[smem:$0x3FA2] =	sst s1  }
0xa: {  	[smem:$0x3FA3] =	sst s2  }
0xb: {  	[smem:$0x3FA4] =	sst s3  }
0xc: {  	[smem:$0x3FA5] =	sst s4  }
0xd: {  	[smem:$0x3FA6] =	sst s5  }
0xe: {  	[smem:$0x3FA7] =	sst s6  }
0xf: {  	[smem:$0x3FA8] =	sst s7  }
0x10: {  	[smem:$0x3FA9] =	sst s8  }
0x11: {  	[smem:$0x3FAA] =	sst s9;
	s0 =	simm.s32 @!p0 $0x0  }
0x12: {  	s1 =	sld [smem:$0x3F90];
	s0 =	simm.s32 @p0 $0x1  }
0x13: {  	[smem:$0x3FAB] =	sst s0;
	s0 =	simm.s32 @!p1 $0x0  }
0x14: {  	s2 =	sld [smem:$0x3F8F];
	s0 =	simm.s32 @p1 $0x1  }
0x15: {  	[smem:$0x3FAC] =	sst s0;
	s0 =	simm.s32 @!p2 $0x0  }
0x16: {  	s3 =	sld [smem:$0x3FDB];
	s0 =	simm.s32 @p2 $0x1  }
0x17: {  	s4 =	simm.s32 $0x1BF5;
	[smem:$0x3FAE] =	sst s0  }
0x18: {  	s0 =	sld [smem:$0x3F91];
	_ =	swait.ge [sflag:s4], $0x0  }
0x19: {  	s7 =	sld [smem:$0x3F92]  }
0x1a: {  	s8 =	sadd.s32 $0xFFFFE003, lr  }
0x1b: {  	s9 =	sadd.s32 $0xFFFFFEF7, lr;
	s5 =	simm.s32 $0xFFFFFFFF;
	p2 =	slt.u32 s8, $0xFFFFF086  }
0x1c: {  	p1 =	slt.u32 s9, $0xF7A;
	s5 =	simm.s32 @!p2 $0x0  }
0x1d: {  	s5 =	simm.s32 @p1 $0x1;
	p0 =	seq.s32 s7, s2  }
0x1e: {  	s7 =	smul.u32 @!p0 $0xF7A, s2;
	p2 =	seq.s32 @!p0 s5, $0x0  }
0x1f: {  	s9 =	smul.u32 $0xF7A, s1;
	s8 =	simm.s32 @!p0 $0x1BF5;
	p2 =	por !p2, p0  }
0x20: {  	[sflag:s8] =	ssyncset.s32 @!p0 $0xFFFFF086;
	s6 =	sadd.s32 @!p0 s3, s7;
	s7 =	simm.s32 @!p0 $0x108  }
0x21: {  	s3 =	sadd.s32 s3, s9;
	s6 =	sadd.s32 @!p0 $0x88, s6;
	s7 =	simm.s32 @p2 $0x1082  }
0x22: {  	[simem:s7], [sflag:s8] =	dma.local @!p0 [hbm:s6], $0xF7A  }
0x23: {  	s9 =	sor.u32 $0xD0000000, s2;
	s6 =	simm.s32 $0x108;
	_ =	swait.ge @!p0 [sflag:s8], $0x0  }
0x24: {  	s3 =	sadd.s32 $0x88, s3;
	s6 =	simm.s32 @!p1 $0x1082;
	[sflag:s4] =	ssyncset.s32 $0xFFFFF086  }
0x25: {  	[simem:s6], [sflag:s4] =	dma.local [hbm:s3], $0xF7A  }
0x26: {  	[smem:$0x3F92] =	sst s1;
	(tag) =	ssettag s2;
	_ =	strace s9  }
0x27: {  	s1 =	sld [smem:$0x3FA2]  }
0x28: {  	s2 =	sld [smem:$0x3FA3]  }
0x29: {  	s4 =	sld [smem:$0x3FA5]  }
0x2a: {  	p0 =	seq.s32 s5, $0x0;
	s5 =	sld [smem:$0x3FA6]  }
0x2b: {  	s6 =	sld [smem:$0x3FA7]  }
0x2c: {  	s7 =	sld [smem:$0x3FA8]  }
0x2d: {  	s3 =	simm.s32 $0x108;
	s8 =	sld [smem:$0x3FA9]  }
0x2e: {  	s3 =	simm.s32 @!p0 $0x1082;
	s9 =	sld [smem:$0x3FAA]  }
0x2f: {  	lr =	sadd.s32 s0, s3;
	s0 =	sld [smem:$0x3FA1]  }
0x30: {  	s3 =	sld [smem:$0x3FA4]  }
0x31: {  	[smem:$0x3FAD] =	sst s10  }
0x32: {  	s10 =	sld [smem:$0x3FAB];
	_ =	sdelay $0x3  }
0x33: {  	p0 =	seq.s32 s10, $0x1;
	s10 =	sld [smem:$0x3FAD];
	_ =	sdelay $0x3  }
0x34: {  	[smem:$0x3FAD] =	sst s10  }
0x35: {  	s10 =	sld [smem:$0x3FAC];
	_ =	sdelay $0x3  }
0x36: {  	p1 =	seq.s32 s10, $0x1;
	s10 =	sld [smem:$0x3FAD];
	_ =	sdelay $0x3  }
0x37: {  	[smem:$0x3FAD] =	sst s10  }
0x38: {  	s10 =	sld [smem:$0x3FAE]  }
0x39: {  	_ = 	snop;
	(pc) =	sbr.ind lr, $3  }
0x3a: {  	_ = 	snop  }
0x3b: {  	_ = 	snop  }
0x3c: {  	p2 =	seq.s32 s10, $0x1;
	s10 =	sld [smem:$0x3FAD]  }
0x3d: {  	_ =	shalt  }
0x3e: {  	_ =	shalt  }
0x3f: {  	_ =	shalt  }
0x40: {  	_ =	shalt  }
0x41: {  	_ =	shalt  }
0x42: {  	_ =	shalt  }
0x43: {  	_ =	shalt  }
0x44: {  	_ =	shalt  }
0x45: {  	_ =	shalt  }
0x46: {  	_ =	shalt  }
0x47: {  	_ =	shalt  }
0x48: {  	_ =	shalt  }
0x49: {  	_ =	shalt  }
0x4a: {  	_ =	shalt  }
0x4b: {  	_ =	shalt  }
0x4c: {  	_ =	shalt  }
0x4d: {  	_ =	shalt  }
0x4e: {  	_ =	shalt  }
0x4f: {  	_ =	shalt  }
0x50: {  	_ =	shalt  }
0x51: {  	_ =	shalt  }
0x52: {  	_ =	shalt  }
0x53: {  	_ =	shalt  }
0x54: {  	_ =	shalt  }
0x55: {  	_ =	shalt  }
0x56: {  	_ =	shalt  }
0x57: {  	_ =	shalt  }
0x58: {  	_ =	shalt  }
0x59: {  	_ =	shalt  }
0x5a: {  	_ =	shalt  }
0x5b: {  	_ =	shalt  }
0x5c: {  	_ =	shalt  }
0x5d: {  	_ =	shalt  }
0x5e: {  	_ =	shalt  }
0x5f: {  	_ =	shalt  }
0x60: {  	_ =	shalt  }
0x61: {  	_ =	shalt  }
0x62: {  	_ =	shalt  }
0x63: {  	_ =	shalt  }
0x64: {  	_ =	shalt  }
0x65: {  	_ =	shalt  }
0x66: {  	_ =	shalt  }
0x67: {  	_ =	shalt  }
0x68: {  	_ =	shalt  }
0x69: {  	_ =	shalt  }
0x6a: {  	_ =	shalt  }
0x6b: {  	_ =	shalt  }
0x6c: {  	_ =	shalt  }
0x6d: {  	_ =	shalt  }
0x6e: {  	_ =	shalt  }
0x6f: {  	_ =	shalt  }
0x70: {  	_ =	shalt  }
0x71: {  	_ =	shalt  }
0x72: {  	_ =	shalt  }
0x73: {  	_ =	shalt  }
0x74: {  	_ =	shalt  }
0x75: {  	_ =	shalt  }
0x76: {  	_ =	shalt  }
0x77: {  	_ =	shalt  }
0x78: {  	_ =	shalt  }
0x79: {  	_ =	shalt  }
0x7a: {  	_ =	shalt  }
0x7b: {  	_ =	shalt  }
0x7c: {  	_ =	shalt  }
0x7d: {  	_ =	shalt  }
0x7e: {  	_ =	shalt  }
0x7f: {  	_ =	shalt  }
0x80: {  	_ =	shalt  }
0x81: {  	_ =	shalt  }
0x82: {  	_ =	shalt  }
0x83: {  	_ =	shalt  }
0x84: {  	_ =	shalt  }
0x85: {  	_ =	shalt  }
0x86: {  	_ =	shalt  }
0x87: {  	_ =	shalt  }
.Lfunc_end0:
.L_simem_size_0:
called_computation_lowered:
.L_overlay_start_0:
0x88: {  	s2 =	sld [smem:$0x3FD9]  }
0x89: {  	s3 =	sld [smem:$0x3FFE];
	_ =	sdelay $0x1  }
0x8a: {  	s1 =	srdreg.scid  }
0x8b: {  	s0 =	sand.u32 $0x1, s1  }
0x8c: {  	s14 =	sshll.u32 s0, $0xA;
	s2 =	sadd.s32 s3, s2  }
0x8d: {  	s2 =	sadd.s32 s2, s14  }
0x8e: {  	[smem:$0x3FB9] =	sst s2  }
0x8f: {  	_ = 	snop  }
0x90: {  	s2 =	sld [smem:$0x3FD0];
	_ =	sdelay $0x2  }
0x91: {  	s15 =	simm.s32 $0xB;
	s4 =	simm.s32 $0x10  }
0x92: {  	[smem:s4], [sflag:s15] =	dma.local [hbm:s2], $0x1  }
0x93: {  	_ =	swait.eq [sflag:s15], $0x1  }
0x94: {  	[sflag:s15] =	ssyncset.done $0x0  }
0x95: {  	s16 =	sld [smem:$0x11];
	[sflag:s15] =	ssyncadd.s32 $0xFFFFFFFF  }
0x96: {  	s17 =	sld [smem:$0x12];
	(tm) =	ssettm $0x1  }
0x97: {  	s18 =	sld [smem:$0x3FFB];
	_ =	sdelay $0x3  }
0x98: {  	_ =	strace s18  }
0x99: {  	s4 =	sld [smem:$0x3FFC];
	_ =	sdelay $0x3  }
0x9a: {  	_ =	strace s4  }
0x9b: {  	s4 =	sld [smem:$0x3FFD];
	_ =	sdelay $0x3  }
0x9c: {  	_ =	strace s4  }
0x9d: {  	_ =	strace $0x8FFFFFFF  }
0x9e: {  	s19 =	sld [smem:$0x3FDB];
	_ =	sdelay $0x1  }
0x9f: {  	s5 =	simm.s32 $_scs_section_size  }
0xa0: {  	s6 =	simm.s32 $_size__tile_overlayer_lowered;
	s7 =	simm.s32 $_tile_overlayer_lowered  }
0xa1: {  	s22 =	simm.s32 $0x1BFF;
	s21 =	sshll.u32 s7, $0x1;
	s4 =	sadd.s32 s5, s19  }
0xa2: {  	s8 =	simm.s32 $0x0;
	s20 =	sshll.u32 s6, $0x1;
	s6 =	sadd.s32 s21, s4  }
0xa3: {  	[timem:s8], [sflag:s22] =	dma.local [hbm:s6], s20  }
0xa4: {  	_ =	swait.ge [sflag:s22], s20  }
0xa5: {  	s5 =	ssub.s32 $0x0, s20;
	[sflag:s22] =	ssyncset.done $0x0  }
0xa6: {  	[sflag:s22] =	ssyncadd.s32 s5;
	_ =	sdelay $0x1  }
0xa7: {  	s23 =	simm.s32 $0x1B8B  }
0xa8: {  	_ =	swait.ge [sflag:s23], $0x1  }
0xa9: {  	[sflag:s23] =	ssyncset.done $0x0  }
0xaa: {  	s25 =	simm.s32 $0x1B8E;
	s24 =	sld [smem:$0x3FFE];
	[sflag:s23] =	ssyncadd.s32 $0xFFFFFFFF  }
0xab: {  	s26 =	simm.s32 $execute0_lowered;
	[smem:$0x3FD2] =	sst s25  }
0xac: {  	s6 =	sshll.u32 s26, $0x1;
	_ =	strace $0x80000046;
	[dreg:$0x1] =	wrdreg $0xFFFFFFFF  }
0xad: {  	s28 =	simm.s32 $_size_execute0_lowered;
	s4 =	sadd.s32 s4, s6;
	[dreg:$0x0] =	wrdreg $0x0  }
0xae: {  	s6 =	sshll.u32 s28, $0x1;
	[dreg:$0x2] =	wrdreg s4  }
0xaf: {  	[dreg:$0x3] =	wrdreg s6  }
0xb0: {  	[dreg:$0x4] =	wrdreg $0xC0  }
0xb1: {  	_ =	task [dreg:s8], $0x5FFFF  }
0xb2: {  	[dreg:$0x1] =	wrdreg $0xFFFFFFFF  }
0xb3: {  	[dreg:$0x0] =	wrdreg $0x60  }
0xb4: {  	[dreg:$0x2] =	wrdreg s24  }
0xb5: {  	[dreg:$0x3] =	wrdreg s17  }
0xb6: {  	[dreg:$0x4] =	wrdreg s16  }
0xb7: {  	[dreg:$0x5] =	wrdreg $0x0  }
0xb8: {  	[dreg:$0x6] =	wrdreg $0x9  }
0xb9: {  	_ =	task.clear_ibuf [dreg:s8], $0x7FFFF;
	_ =	strace $0x90000046  }
0xba: {  	s29 =	simm.s32 $0x9;
	_ =	strace $0x80000048  }
0xbb: {  	_ =	swait.ge [sflag:s29], $0x1  }
0xbc: {  	[sflag:s29] =	ssyncadd.s32 $0xFFFFFFFF  }
0xbd: {  	_ =	strace $0x90000048  }
0xbe: {  	_ =	sfence  }
0xbf: {  	s30 =	sld [smem:$0x0];
	_ =	sdelay $0x2  }
0xc0: {  	s31 =	sshll.u32 s1, $0xD;
	s1 =	sshrl.u32 s1, $0x2  }
0xc1: {  	s3 =	sand.u32 $0x4000, s31;
	s1 =	sadd.s32 s1, s30  }
0xc2: {  	s0 =	sor.u32 s3, s0;
	s1 =	sshll.u32 s1, $0x11  }
0xc3: {  	s0 =	sor.u32 s1, s0  }
0xc4: {  	s0 =	sadd.s32 $0x8F2B, s0  }
0xc5: {  	[sflag:s0] =	ssyncadd.remote.s32 $0x1  }
0xc6: {  	_ =	sfence.sel $0xFFFF  }
0xc7: {  	[dreg:$0x0] =	wrdreg $0xFFFFFFFF;
	(pc) =	sbr.abs _section_cstart, $3  }
0xc8: {  	[dreg:$0x1] =	wrdreg $0xFFFFFFFF  }
0xc9: {  	_ =	task.clear_ibuf [dreg:s8], $0x2FFFF;
	_ =	strace $0x9FFFFFFF  }
0xca: {  	(tm) =	ssettm $0x7FFFFFFF  }
0xcb: {  	_ =	shalt  }
tec
execute0_lowered:
.L_overlay_start_1:
0x0: {  	(tag) =	ssettag $0x1  }
0x1: {  	s7 =	rddreg [dreg:$0x0]  }
0x2: {  	s1 =	rddreg [dreg:$0x1]  }
0x3: {  	s3 =	rddreg [dreg:$0x2]  }
0x4: {  	s4 =	rddreg [dreg:$0x3]  }
0x5: {  	s0 =	rddreg [dreg:$0x4]  }
0x6: {  	s6 =	srdreg.scid;
	s2 =	stileid.u32;
	s5 =	simm.s32 $0x0  }
0x7: {  	s16 =	simm.s32 $0x13C00;
	s17 =	simm.s32 $0x80;
	s9 =	smul.u32 $0x2780, s2  }
0x8: {  	s18 =	simm.s32 $0x13C80;
	s19 =	simm.s32 $0x1;
	s12 =	smul.u32 $0x1400, s2  }
0x9: {  	s20 =	simm.s32 $0x2;
	s8 =	sand.u32 $0x1, s6;
	s13 =	smul.u32 $0x4F000, s2  }
0xa: {  	s21 =	simm.s32 $0x0;
	[smem:$0x7FF] =	sst s5;
	s10 =	smul.u32 $0x27800, s8  }
0xb: {  	s6 =	sadd.s32 $0x2800, s7;
	s11 =	smul.u32 $0x14000, s8;
	s8 =	ssub.s32 $0x2, s8  }
0xc: {  	s30 =	sshll.u32 s2, $0x6;
	_ =	strace $0x80000047;
	s28 =	sshrl.u32 s8, $0x1  }
0xd: {  	s29 =	sshrl.u32 s13, $0x2;
	s9 =	sadd.s32 s9, s10;
	s15 =	ssub.s32 s8, s28  }
0xe: {  	s13 =	sadd.s32 s29, s4;
	s14 =	sadd.s32 s9, s7;
	s7 =	sadd.s32 s12, s11  }
0xf: {  	s8 =	sor.u32 $0x1C03, s30;
	s12 =	smax.u32 s15, $0x1;
	s31 =	sshrl.u32 s7, $0x3  }
0x10: {  	s13 =	sshrl.u32 s13, $0x3;
	s15 =	simm.s32 $0x13D00;
	s9 =	sadd.s32 s6, s31  }
0x11: {  	s11 =	sadd.s32 $0x7800, s14;
	s14 =	simm.s32 $0x3;
	s10 =	sadd.s32 $0x10, s9  }
.LBB2_1:
0x12: {  	[spmem:s13], [sflag:s8] =	dma.local [hbm:s1], $0x2780  }
0x13: {  	_ =	swait.ge [sflag:s14], $0x2780  }
0x14: {  	[sflag:s14] =	ssyncset.done $0x0  }
0x15: {  	[sflag:s14] =	ssyncadd.s32 $0xFFFFD880  }
0x16: {  	[tilespmem:s15], [sflag:$0x3] =	stream.linear.gather [hbm4b:s3+s5], $0x4000, $0x38;
	[tilespmem:$0x17D00] =	vst v63  }
0x17: {  	_ =	swait.ge [sflag:s14], $0x4000  }
0x18: {  	[sflag:s14] =	ssyncset.done $0x0  }
0x19: {  	[sflag:s14] =	ssyncadd.s32 $0xFFFFC000  }
0x1a: {  	[bflag:$0x0] =	sbarrier.arrive $0xFFFF  }
0x1b: {  	[tilespmem:s16], [sflag:$0x3] =	stream.linear.gather [hbm4b:s9+s5], $0x80, $0x38;
	[tilespmem:$0x17D00] =	vst v63  }
0x1c: {  	_ =	swait.ge [sflag:s14], $0x80  }
0x1d: {  	[sflag:s14] =	ssyncset.done $0x0  }
0x1e: {  	[sflag:s14] =	ssyncadd.s32 $0xFFFFFF80  }
0x1f: {  	[spmem:s4] =	stream.indirect.scatter.add.f32 [tilespmem:s15], [sflag:$0x1], $0x80, s16, s17, $0xb8;
	[tilespmem:$0x17D00] =	vst v63  }
0x20: {  	_ = 	snop  }
0x21: {  	[tilespmem:s18], [sflag:$0x3] =	stream.linear.gather [hbm4b:s10+s5], $0x80, $0x38;
	[tilespmem:$0x17D00] =	vst v63  }
0x22: {  	s22 =	simm.s32 $0x100;
	_ =	swait.ge [sflag:s14], $0x80  }
0x23: {  	s23 =	sand.u32 $0x3C00, s22;
	[sflag:s14] =	ssyncset.done $0x0  }
0x24: {  	s22 =	sand.u32 $0x300, s22;
	s23 =	sadd.s32 s7, s23;
	[sflag:s14] =	ssyncadd.s32 $0xFFFFFF80  }
0x25: {  	[spmem:s4] =	stream.indirect.scatter.add.f32 [tilespmem:s15], [sflag:$0x2], $0x80, s18, s17, $0xb8;
	[tilespmem:$0x17D00] =	vst v63  }
0x26: {  	s22 =	sor.u32 s22, s23;
	_ =	swait.ge [sflag:s19], $0x4000  }
0x27: {  	s22 =	sshrl.u32 s22, $0x3;
	[sflag:s19] =	ssyncset.done $0x0  }
0x28: {  	s22 =	sadd.s32 s6, s22;
	[sflag:s19] =	ssyncadd.s32 $0xFFFFC000  }
0x29: {  	[tilespmem:s16], [sflag:$0x3] =	stream.linear.gather [hbm4b:s22+s5], $0x80, $0x38;
	[tilespmem:$0x17D00] =	vst v63  }
0x2a: {  	s30 =	simm.s32 $0x180;
	_ =	swait.ge [sflag:s14], $0x80  }
0x2b: {  	s31 =	sand.u32 $0x3C00, s30;
	[sflag:s14] =	ssyncset.done $0x0  }
0x2c: {  	s24 =	sand.u32 $0x380, s30;
	s23 =	sadd.s32 s7, s31;
	[sflag:s14] =	ssyncadd.s32 $0xFFFFFF80  }
0x2d: {  	[spmem:s4] =	stream.indirect.scatter.add.f32 [tilespmem:s15], [sflag:$0x1], $0x80, s16, s17, $0xb8;
	[tilespmem:$0x17D00] =	vst v63  }
0x2e: {  	s24 =	sor.u32 s24, s23;
	s23 =	simm.s32 $0x200;
	_ =	swait.ge [sflag:s20], $0x4000  }
0x2f: {  	s25 =	sshrl.u32 s24, $0x3;
	s24 =	simm.s32 $0x380;
	[sflag:s20] =	ssyncset.done $0x0  }
0x30: {  	s25 =	sadd.s32 s6, s25;
	s22 =	simm.s32 $0x280;
	[sflag:s20] =	ssyncadd.s32 $0xFFFFC000  }
.LBB2_2:
0x31: {  	[tilespmem:s18], [sflag:$0x3] =	stream.linear.gather [hbm4b:s25+s5], $0x80, $0x38;
	[tilespmem:$0x17D00] =	vst v63  }
0x32: {  	s25 =	smov.u32 s24  }
0x33: {  	s26 =	sadd.s32 $0xFFFFFF80, s24;
	s28 =	sand.u32 $0x3C00, s23;
	_ =	swait.ge [sflag:s14], $0x80  }
0x34: {  	s23 =	sand.u32 $0x300, s23;
	s28 =	sadd.s32 s7, s28;
	[sflag:s14] =	ssyncset.done $0x0  }
0x35: {  	s29 =	sadd.s32 $0x100, s24;
	s23 =	sor.u32 s23, s28;
	[sflag:s14] =	ssyncadd.s32 $0xFFFFFF80  }
0x36: {  	p0 =	sne.s32 s24, $0x1280;
	s24 =	sshrl.u32 s23, $0x3;
	s23 =	smov.u32 s26  }
0x37: {  	[spmem:s4] =	stream.indirect.scatter.add.f32 [tilespmem:s15], [sflag:$0x2], $0x80, s18, s17, $0xb8;
	[tilespmem:$0x17D00] =	vst v63  }
0x38: {  	_ =	swait.ge [sflag:s19], $0x4000  }
0x39: {  	s24 =	sadd.s32 s6, s24;
	[sflag:s19] =	ssyncset.done $0x0  }
0x3a: {  	[sflag:s19] =	ssyncadd.s32 $0xFFFFC000  }
0x3b: {  	[tilespmem:s16], [sflag:$0x3] =	stream.linear.gather [hbm4b:s24+s5], $0x80, $0x38;
	[tilespmem:$0x17D00] =	vst v63  }
0x3c: {  	s24 =	sand.u32 $0x3C00, s22;
	_ =	swait.ge [sflag:s14], $0x80  }
0x3d: {  	s22 =	sand.u32 $0x380, s22;
	s24 =	sadd.s32 s7, s24;
	[sflag:s14] =	ssyncset.done $0x0  }
.Ltmp0:
0x3e: {  	s22 =	sor.u32 s22, s24;
	[sflag:s14] =	ssyncadd.s32 $0xFFFFFF80;
	(pc) =	sbr.rel @p0 .LBB2_2-.Ltmp0, $4  }
0x3f: {  	[spmem:s4] =	stream.indirect.scatter.add.f32 [tilespmem:s15], [sflag:$0x1], $0x80, s16, s17, $0xb8;
	[tilespmem:$0x17D00] =	vst v63  }
0x40: {  	s24 =	sshrl.u32 s22, $0x3;
	s22 =	smov.u32 s25;
	_ =	swait.ge [sflag:s20], $0x4000  }
0x41: {  	s25 =	sadd.s32 s6, s24;
	[sflag:s20] =	ssyncset.done $0x0  }
0x42: {  	s24 =	smov.u32 s29;
	[sflag:s20] =	ssyncadd.s32 $0xFFFFC000  }
0x43: {  	[tilespmem:s18], [sflag:$0x3] =	stream.linear.gather [hbm4b:s25+s5], $0x80, $0x38;
	[tilespmem:$0x17D00] =	vst v63  }
0x44: {  	_ =	swait.ge [sflag:s14], $0x80  }
0x45: {  	s24 =	sand.u32 $0x3C00, s23;
	[sflag:s14] =	ssyncset.done $0x0  }
0x46: {  	s29 =	sand.u32 $0x300, s23;
	s24 =	sadd.s32 s7, s24;
	[sflag:s14] =	ssyncadd.s32 $0xFFFFFF80  }
0x47: {  	[spmem:s4] =	stream.indirect.scatter.add.f32 [tilespmem:s15], [sflag:$0x2], $0x80, s18, s17, $0xb8;
	[tilespmem:$0x17D00] =	vst v63  }
0x48: {  	s23 =	sor.u32 s29, s24;
	_ =	swait.ge [sflag:s19], $0x4000  }
0x49: {  	s23 =	sshrl.u32 s23, $0x3;
	[sflag:s19] =	ssyncset.done $0x0  }
0x4a: {  	s23 =	sadd.s32 s6, s23;
	[sflag:s19] =	ssyncadd.s32 $0xFFFFC000  }
0x4b: {  	[tilespmem:s16], [sflag:$0x3] =	stream.linear.gather [hbm4b:s23+s5], $0x80, $0x38;
	[tilespmem:$0x17D00] =	vst v63  }
0x4c: {  	_ =	swait.ge [sflag:s14], $0x80  }
0x4d: {  	s30 =	sand.u32 $0x3C00, s22;
	[sflag:s14] =	ssyncset.done $0x0  }
0x4e: {  	s31 =	sand.u32 $0x380, s22;
	s23 =	sadd.s32 s7, s30;
	[sflag:s14] =	ssyncadd.s32 $0xFFFFFF80  }
0x4f: {  	[spmem:s4] =	stream.indirect.scatter.add.f32 [tilespmem:s15], [sflag:$0x1], $0x80, s16, s17, $0xb8;
	[tilespmem:$0x17D00] =	vst v63  }
0x50: {  	s22 =	sor.u32 s31, s23;
	_ =	swait.ge [sflag:s20], $0x4000  }
0x51: {  	s22 =	sshrl.u32 s22, $0x3;
	[sflag:s20] =	ssyncset.done $0x0  }
0x52: {  	s22 =	sadd.s32 s6, s22;
	[sflag:s20] =	ssyncadd.s32 $0xFFFFC000  }
0x53: {  	[tilespmem:s18], [sflag:$0x3] =	stream.linear.gather [hbm4b:s22+s5], $0x80, $0x38;
	[tilespmem:$0x17D00] =	vst v63  }
0x54: {  	_ =	swait.ge [sflag:s14], $0x80  }
0x55: {  	[sflag:s14] =	ssyncset.done $0x0  }
0x56: {  	[sflag:s14] =	ssyncadd.s32 $0xFFFFFF80  }
0x57: {  	[spmem:s4] =	stream.indirect.scatter.add.f32 [tilespmem:s15], [sflag:$0x2], $0x80, s18, s17, $0xb8;
	[tilespmem:$0x17D00] =	vst v63  }
0x58: {  	_ =	swait.ge [sflag:s19], $0x4000  }
0x59: {  	[sflag:s19] =	ssyncset.done $0x0  }
0x5a: {  	[sflag:s19] =	ssyncadd.s32 $0xFFFFC000  }
0x5b: {  	_ =	swait.ge [sflag:s20], $0x4000  }
0x5c: {  	s21 =	sadd.s32 $0x1, s21;
	[sflag:s20] =	ssyncset.done $0x0  }
0x5d: {  	p0 =	sne.s32 s21, s12;
	[sflag:s20] =	ssyncadd.s32 $0xFFFFC000  }
.Ltmp1:
0x5e: {  	[bflag:$0x0] =	sbarrier.arrive $0xFFFF;
	(pc) =	sbr.rel @p0 .LBB2_1-.Ltmp1, $4  }
0x5f: {  	[hbm:s11], [sflag:s8] =	dma.local [spmem:s13], $0x2780  }
0x60: {  	_ =	swait.ge [sflag:s14], $0x2780  }
0x61: {  	[sflag:s14] =	ssyncset.done $0x0  }
0x62: {  	[sflag:s14] =	ssyncadd.s32 $0xFFFFD880  }
0x63: {  	_ =	sfence.sel $0x180000  }
0x64: {  	[bflag:$0x0] =	sbarrier.arrive $0xFFFF  }
0x65: {  	p0 =	sne.s32 s2, $0x0;
	_ =	strace $0x90000047  }
0x66: {  	s0 =	sadd.s32 @!p0 $0x100000, s0;
	[bflag:$0x2] =	sbarrier.arrive $0xFFFF  }
0x67: {  	[sflag:s0] =	ssyncadd.tile.s32 @!p0 $0x1;
	_ =	shalt  }
.Lfunc_end2:
_tile_overlayer_lowered:
.L_overlay_start_2:
0x68: {  	(tag) =	ssettag $0x2  }
0x69: {  	s0 =	rddreg [dreg:$0x0];
	s2 =	stileid.u32  }
0x6a: {  	s1 =	rddreg [dreg:$0x1];
	p0 =	sne.s32 s2, $0x0  }
0x6b: {  	s3 =	rddreg [dreg:$0x2];
	[bflag:$0x3] =	sbarrier.arrive $0xFFFF;
	s2 =	simm.s32 @!p0 $0x1C03  }
0x6c: {  	[timem:s3], [sflag:s2] =	dma.local @!p0 [hbm:s0], s1  }
0x6d: {  	s0 =	simm.s32 @!p0 $0x3  }
0x6e: {  	_ =	swait.ge @!p0 [sflag:s0], s1  }
0x6f: {  	s1 =	ssub.s32 @!p0 $0x0, s1;
	[sflag:s0] =	ssyncset.done @!p0 $0x0  }
0x70: {  	[sflag:s0] =	ssyncadd.s32 @!p0 s1  }
0x71: {  	[bflag:$0x3] =	sbarrier.arrive $0xFFFF  }
0x72: {  	_ =	shalt  }

</sc_bundles>
